<compile_context>
chip_gen: v7x
topology: tpu7x:2x2x1
jax: 0.10.2.dev20260603
libtpu: 0.0.44.dev20260713+nightly
codegen_flags: <defaults>
</compile_context>

<pallas_src>
import functools

import jax
import jax.numpy as jnp
from jax import lax
from jax.experimental import pallas as pl
from jax.experimental.pallas import tpu as pltpu
from jax.experimental.pallas import tpu_sc as plsc

NGBUF = 4
NTBUF = 2


@functools.partial(jax.jit, static_argnums=(2, 3, 4))
def _sc_gather(idx_t, table, B0, B1, D):
    info = plsc.get_sparse_core_info()
    NC, NS = info.num_cores, info.num_subcores
    NW = NC * NS
    LANES = 128
    DT = D // 8
    NB0 = B0 // LANES
    n_blocks = B1 * NB0 // NW
    mesh = plsc.VectorSubcoreMesh(core_axis_name="c", subcore_axis_name="s")

    @functools.partial(
        pl.kernel,
        out_type=jax.ShapeDtypeStruct((B1, DT, NB0, 8, LANES), jnp.float32),
        mesh=mesh,
        scratch_types=[
            pltpu.VMEM((n_blocks * LANES,), jnp.int32),
            pltpu.VMEM((NGBUF, LANES, D), jnp.float32),
            pltpu.VMEM((NTBUF, DT, 8, LANES), jnp.float32),
            pltpu.SemaphoreType.DMA,
            pltpu.SemaphoreType.DMA,
            pltpu.SemaphoreType.DMA,
            pltpu.SemaphoreType.DMA,
            pltpu.SemaphoreType.DMA,
            pltpu.SemaphoreType.DMA,
        ],
        compiler_params=pltpu.CompilerParams(
            use_tc_tiling_on_sc=False, needs_layout_passes=False
        ),
    )
    def k(idx_hbm, table_hbm, out_hbm, idx_v, gbuf, tbuf, g0, g1, g2, g3, w0, w1):
        wid = lax.axis_index("s") * NC + lax.axis_index("c")
        m0 = wid * n_blocks
        gsem = (g0, g1, g2, g3)
        wsem = (w0, w1)
        lane = lax.iota(jnp.int32, 16)
        row16 = [lane + 16 * q for q in range(8)]

        pltpu.sync_copy(idx_hbm.at[pl.ds(m0 * LANES, n_blocks * LANES)], idx_v)

        def issue_gather(mloc, b):
            pltpu.async_copy(
                table_hbm.at[idx_v.at[pl.ds(mloc * LANES, LANES)]],
                gbuf.at[b],
                gsem[b],
            )

        def out_slab(mloc):
            m = m0 + mloc
            return out_hbm.at[m // NB0, :, m % NB0]

        for b in range(NGBUF):
            issue_gather(b, b)

        def body(g, carry):
            for b in range(NGBUF):
                mloc = g * NGBUF + b
                tb = b % NTBUF

                @pl.when(mloc >= NTBUF)
                def _():
                    pltpu.make_async_copy(
                        tbuf.at[tb], out_slab(mloc - NTBUF), wsem[tb]
                    ).wait()

                pltpu.make_async_copy(
                    table_hbm.at[idx_v.at[pl.ds(mloc * LANES, LANES)]],
                    gbuf.at[b],
                    gsem[b],
                ).wait()

                @plsc.parallel_loop(0, D, unroll=4)
                def tr(d):
                    col = (d + lane) & (D - 1)
                    dtv = col >> 3
                    dsv = col & 7
                    for q in range(8):
                        v = plsc.load_gather(gbuf.at[b], [row16[q], col])
                        plsc.store_scatter(
                            tbuf.at[tb], [dtv, dsv, row16[q]], v
                        )

                pltpu.async_copy(tbuf.at[tb], out_slab(mloc), wsem[tb])

                @pl.when(mloc + NGBUF < n_blocks)
                def _():
                    issue_gather(mloc + NGBUF, b)
            return carry

        lax.fori_loop(0, n_blocks // NGBUF, body, 0)

        for tb in range(NTBUF):
            last = n_blocks - NTBUF + tb
            pltpu.make_async_copy(tbuf.at[tb], out_slab(last), wsem[tb]).wait()

    return k(idx_t, table)


def kernel(x, label_embedding_weight):
    B0, B1, _ = x.shape
    D = label_embedding_weight.shape[1]
    idx_t = x[:, :, 1].astype(jnp.int32).T.reshape(B0 * B1)
    out5 = _sc_gather(idx_t, label_embedding_weight, B0, B1, D)
    return out5.transpose(2, 4, 0, 1, 3).reshape(B0, B1, D)

# --- scband reference (transcript-rebuilt; emitter-appended) ---
"""Pipeline reference for scband-label-embedding-44401371906388 (READ-ONLY COPY).

The authoritative reference and input builder live on the scoring server;
editing this copy changes nothing except your own understanding.
"""

import jax, jax.numpy as jnp
import numpy as np

VOCAB_SIZE = 100000
D_MODEL = 64

def setup_inputs(seed: int = 0) -> dict:
    key = jax.random.key(seed)
    k1, k2 = jax.random.split(key)
    x = jax.random.randint(k1, (4096, 200, 3), 0, VOCAB_SIZE, dtype=jnp.int64)
    # nn.Embedding default init: N(0, 1)
    label_embedding_weight = jax.random.normal(k2, (VOCAB_SIZE, D_MODEL), dtype=jnp.float32)
    return {"x": x, "label_embedding_weight": label_embedding_weight}

def reference(x, label_embedding_weight):
    idx = x[:, :, 1].astype(jnp.int32)
    out = jnp.take(label_embedding_weight, idx, axis=0)
    return out

if __name__ == "__main__":
    import jax
    _d = setup_inputs()
    print(jax.jit(kernel)(*tuple(_d.values())))

</pallas_src>

<mosaic_0001>
#map = affine_map<(d0, d1) -> (0)>
#map1 = affine_map<(d0, d1) -> (0, 0)>
#map2 = affine_map<(d0, d1) -> (0, 0, 0, 0, 0)>
module attributes {stable_mosaic.version = 14 : i64} {
  func.func @k(%arg0: i32, %arg1: i32, %arg2: memref<819200xi32, #tpu.memory_space<hbm>>, %arg3: memref<100000x64xf32, #tpu.memory_space<hbm>>, %arg4: memref<200x8x32x8x128xf32, #tpu.memory_space<hbm>>, %arg5: memref<25600xi32, #tpu.memory_space<vmem>>, %arg6: memref<4x128x64xf32, #tpu.memory_space<vmem>>, %arg7: memref<2x8x8x128xf32, #tpu.memory_space<vmem>>, %arg8: memref<!tpu.dma_semaphore, #tpu.memory_space<semaphore_mem>>, %arg9: memref<!tpu.dma_semaphore, #tpu.memory_space<semaphore_mem>>, %arg10: memref<!tpu.dma_semaphore, #tpu.memory_space<semaphore_mem>>, %arg11: memref<!tpu.dma_semaphore, #tpu.memory_space<semaphore_mem>>, %arg12: memref<!tpu.dma_semaphore, #tpu.memory_space<semaphore_mem>>, %arg13: memref<!tpu.dma_semaphore, #tpu.memory_space<semaphore_mem>>) attributes {dimension_semantics = [#tpu.dimension_semantics<core_parallel>, #tpu.dimension_semantics<subcore_parallel>], iteration_bounds = array<i64: 2, 16>, scalar_prefetch = 0 : i64, scratch_operands = 9 : i64, tpu.core_type = #tpu.core_type<sc_vector_subcore>, window_params = [{transform_indices = #map}, {transform_indices = #map1}, {transform_indices = #map2}]} {
    %mul3A = arith.constant 2 : i32
    %mul3A_0 = arith.muli %arg1, %mul3A : i32
    %add3A = arith.addi %mul3A_0, %arg0 : i32
    %mul3A_1 = arith.constant 200 : i32
    %mul3A_2 = arith.muli %add3A, %mul3A_1 : i32
    %iota3A = tpu.iota {dimensions = array<i32: 0>} : vector<16xi32>
    %add3A_3 = arith.constant 0 : i32
    %add3A_4 = vector.broadcast %add3A_3 : i32 to vector<16xi32>
    %add3A_5 = arith.addi %iota3A, %add3A_4 : vector<16xi32>
    %add3A_6 = arith.constant 16 : i32
    %add3A_7 = vector.broadcast %add3A_6 : i32 to vector<16xi32>
    %add3A_8 = arith.addi %iota3A, %add3A_7 : vector<16xi32>
    %add3A_9 = arith.constant 32 : i32
    %add3A_10 = vector.broadcast %add3A_9 : i32 to vector<16xi32>
    %add3A_11 = arith.addi %iota3A, %add3A_10 : vector<16xi32>
    %add3A_12 = arith.constant 48 : i32
    %add3A_13 = vector.broadcast %add3A_12 : i32 to vector<16xi32>
    %add3A_14 = arith.addi %iota3A, %add3A_13 : vector<16xi32>
    %add3A_15 = arith.constant 64 : i32
    %add3A_16 = vector.broadcast %add3A_15 : i32 to vector<16xi32>
    %add3A_17 = arith.addi %iota3A, %add3A_16 : vector<16xi32>
    %add3A_18 = arith.constant 80 : i32
    %add3A_19 = vector.broadcast %add3A_18 : i32 to vector<16xi32>
    %add3A_20 = arith.addi %iota3A, %add3A_19 : vector<16xi32>
    %add3A_21 = arith.constant 96 : i32
    %add3A_22 = vector.broadcast %add3A_21 : i32 to vector<16xi32>
    %add3A_23 = arith.addi %iota3A, %add3A_22 : vector<16xi32>
    %add3A_24 = arith.constant 112 : i32
    %add3A_25 = vector.broadcast %add3A_24 : i32 to vector<16xi32>
    %add3A_26 = arith.addi %iota3A, %add3A_25 : vector<16xi32>
    %mul3A_27 = arith.constant 128 : i32
    %mul3A_28 = arith.muli %mul3A_2, %mul3A_27 : i32
    "tpu.region"() ({
      %run_scoped3A = tpu.sem_alloc : memref<!tpu.dma_semaphore, #tpu.memory_space<semaphore_mem>>
      %dma_start3A_188 = tpu.memref_slice %arg2[%mul3A_28] : memref<819200xi32, #tpu.memory_space<hbm>> -> memref<25600xi32, #tpu.memory_space<hbm>>
      %dma_start3A_189 = tpu.memref_slice %arg2[%mul3A_28] : memref<819200xi32, #tpu.memory_space<hbm>> -> memref<25600xi32, #tpu.memory_space<hbm>>
      tpu.enqueue_dma source(%dma_start3A_189 : memref<25600xi32, #tpu.memory_space<hbm>>) target(%arg5 : memref<25600xi32, #tpu.memory_space<vmem>>) target_semaphore(%run_scoped3A : memref<!tpu.dma_semaphore, #tpu.memory_space<semaphore_mem>>)
      %dma_wait3A_190 = tpu.memref_slice %arg2[%mul3A_28] : memref<819200xi32, #tpu.memory_space<hbm>> -> memref<25600xi32, #tpu.memory_space<hbm>>
      %dma_wait3A_191 = tpu.memref_slice %arg2[%mul3A_28] : memref<819200xi32, #tpu.memory_space<hbm>> -> memref<25600xi32, #tpu.memory_space<hbm>>
      tpu.wait_dma2 semaphore(%run_scoped3A : memref<!tpu.dma_semaphore, #tpu.memory_space<semaphore_mem>>) src(%dma_wait3A_191 : memref<25600xi32, #tpu.memory_space<hbm>>) dst(%arg5 : memref<25600xi32, #tpu.memory_space<vmem>>)
      tpu.yield
    }) : () -> ()
    %dma_start3A = arith.constant 0 : i32
    %dma_start3A_29 = arith.constant 0 : i32
    %dma_start3A_30 = arith.constant 0 : i32
    %dma_start3A_31 = tpu.memref_slice %arg6[%dma_start3A, %dma_start3A_29, %dma_start3A_30] : memref<4x128x64xf32, #tpu.memory_space<vmem>> -> memref<1x128x64xf32, #tpu.memory_space<vmem>>
    %dma_start3A_32 = tpu.memref_squeeze %dma_start3A_31 : memref<1x128x64xf32, #tpu.memory_space<vmem>> -> memref<128x64xf32, #tpu.memory_space<vmem>>
    %dma_start3A_33 = arith.constant 0 : i32
    %dma_start3A_34 = tpu.memref_slice %arg5[%dma_start3A_33] : memref<25600xi32, #tpu.memory_space<vmem>> -> memref<128xi32, #tpu.memory_space<vmem>>
    %dma_start3A_35 = arith.constant 0 : i32
    %dma_start3A_36 = arith.constant 0 : i32
    %dma_start3A_37 = tpu.memref_slice %arg3[%dma_start3A_35, %dma_start3A_36] : memref<100000x64xf32, #tpu.memory_space<hbm>> -> memref<100000x64xf32, #tpu.memory_space<hbm>>
    tpu.enqueue_indirect_dma source(%dma_start3A_37 : memref<100000x64xf32, #tpu.memory_space<hbm>>) target(%dma_start3A_32 : memref<128x64xf32, #tpu.memory_space<vmem>>) offsets(%dma_start3A_34 : memref<128xi32, #tpu.memory_space<vmem>>) semaphore(%arg8 : memref<!tpu.dma_semaphore, #tpu.memory_space<semaphore_mem>>)
    %dma_start3A_38 = arith.constant 1 : i32
    %dma_start3A_39 = arith.constant 0 : i32
    %dma_start3A_40 = arith.constant 0 : i32
    %dma_start3A_41 = tpu.memref_slice %arg6[%dma_start3A_38, %dma_start3A_39, %dma_start3A_40] : memref<4x128x64xf32, #tpu.memory_space<vmem>> -> memref<1x128x64xf32, #tpu.memory_space<vmem>>
    %dma_start3A_42 = tpu.memref_squeeze %dma_start3A_41 : memref<1x128x64xf32, #tpu.memory_space<vmem>> -> memref<128x64xf32, #tpu.memory_space<vmem>>
    %dma_start3A_43 = arith.constant 128 : i32
    %dma_start3A_44 = tpu.memref_slice %arg5[%dma_start3A_43] : memref<25600xi32, #tpu.memory_space<vmem>> -> memref<128xi32, #tpu.memory_space<vmem>>
    %dma_start3A_45 = arith.constant 0 : i32
    %dma_start3A_46 = arith.constant 0 : i32
    %dma_start3A_47 = tpu.memref_slice %arg3[%dma_start3A_45, %dma_start3A_46] : memref<100000x64xf32, #tpu.memory_space<hbm>> -> memref<100000x64xf32, #tpu.memory_space<hbm>>
    tpu.enqueue_indirect_dma source(%dma_start3A_47 : memref<100000x64xf32, #tpu.memory_space<hbm>>) target(%dma_start3A_42 : memref<128x64xf32, #tpu.memory_space<vmem>>) offsets(%dma_start3A_44 : memref<128xi32, #tpu.memory_space<vmem>>) semaphore(%arg9 : memref<!tpu.dma_semaphore, #tpu.memory_space<semaphore_mem>>)
    %dma_start3A_48 = arith.constant 2 : i32
    %dma_start3A_49 = arith.constant 0 : i32
    %dma_start3A_50 = arith.constant 0 : i32
    %dma_start3A_51 = tpu.memref_slice %arg6[%dma_start3A_48, %dma_start3A_49, %dma_start3A_50] : memref<4x128x64xf32, #tpu.memory_space<vmem>> -> memref<1x128x64xf32, #tpu.memory_space<vmem>>
    %dma_start3A_52 = tpu.memref_squeeze %dma_start3A_51 : memref<1x128x64xf32, #tpu.memory_space<vmem>> -> memref<128x64xf32, #tpu.memory_space<vmem>>
    %dma_start3A_53 = arith.constant 256 : i32
    %dma_start3A_54 = tpu.memref_slice %arg5[%dma_start3A_53] : memref<25600xi32, #tpu.memory_space<vmem>> -> memref<128xi32, #tpu.memory_space<vmem>>
    %dma_start3A_55 = arith.constant 0 : i32
    %dma_start3A_56 = arith.constant 0 : i32
    %dma_start3A_57 = tpu.memref_slice %arg3[%dma_start3A_55, %dma_start3A_56] : memref<100000x64xf32, #tpu.memory_space<hbm>> -> memref<100000x64xf32, #tpu.memory_space<hbm>>
    tpu.enqueue_indirect_dma source(%dma_start3A_57 : memref<100000x64xf32, #tpu.memory_space<hbm>>) target(%dma_start3A_52 : memref<128x64xf32, #tpu.memory_space<vmem>>) offsets(%dma_start3A_54 : memref<128xi32, #tpu.memory_space<vmem>>) semaphore(%arg10 : memref<!tpu.dma_semaphore, #tpu.memory_space<semaphore_mem>>)
    %dma_start3A_58 = arith.constant 3 : i32
    %dma_start3A_59 = arith.constant 0 : i32
    %dma_start3A_60 = arith.constant 0 : i32
    %dma_start3A_61 = tpu.memref_slice %arg6[%dma_start3A_58, %dma_start3A_59, %dma_start3A_60] : memref<4x128x64xf32, #tpu.memory_space<vmem>> -> memref<1x128x64xf32, #tpu.memory_space<vmem>>
    %dma_start3A_62 = tpu.memref_squeeze %dma_start3A_61 : memref<1x128x64xf32, #tpu.memory_space<vmem>> -> memref<128x64xf32, #tpu.memory_space<vmem>>
    %dma_start3A_63 = arith.constant 384 : i32
    %dma_start3A_64 = tpu.memref_slice %arg5[%dma_start3A_63] : memref<25600xi32, #tpu.memory_space<vmem>> -> memref<128xi32, #tpu.memory_space<vmem>>
    %dma_start3A_65 = arith.constant 0 : i32
    %dma_start3A_66 = arith.constant 0 : i32
    %dma_start3A_67 = tpu.memref_slice %arg3[%dma_start3A_65, %dma_start3A_66] : memref<100000x64xf32, #tpu.memory_space<hbm>> -> memref<100000x64xf32, #tpu.memory_space<hbm>>
    tpu.enqueue_indirect_dma source(%dma_start3A_67 : memref<100000x64xf32, #tpu.memory_space<hbm>>) target(%dma_start3A_62 : memref<128x64xf32, #tpu.memory_space<vmem>>) offsets(%dma_start3A_64 : memref<128xi32, #tpu.memory_space<vmem>>) semaphore(%arg11 : memref<!tpu.dma_semaphore, #tpu.memory_space<semaphore_mem>>)
    %scan3A = arith.constant 0 : i32
    %scan3A_68 = arith.constant 0 : i32
    %scan3A_69 = arith.constant 50 : i32
    %scan3A_70 = arith.addi %scan3A_68, %scan3A_69 : i32
    %scan3A_71 = arith.constant 1 : i32
    scf.for %scan3A_188 = %scan3A_68 to %scan3A_70 step %scan3A_71  : i32 {
      %mul3A_189 = arith.constant 4 : i32
      %mul3A_190 = arith.muli %scan3A_188, %mul3A_189 : i32
      %add3A_191 = arith.constant 0 : i32
      %add3A_192 = arith.addi %mul3A_190, %add3A_191 : i32
      %ge3A = arith.constant 2 : i32
      %ge3A_193 = arith.cmpi sge, %add3A_192, %ge3A : i32
      %convert_element_type3A = arith.extui %ge3A_193 : i1 to i32
      %cond3A = arith.constant 0 : i32
      %cond3A_194 = arith.cmpi ne, %convert_element_type3A, %cond3A : i32
      scf.if %cond3A_194 {
        %sub3A_553 = arith.constant 2 : i32
        %sub3A_554 = arith.subi %add3A_192, %sub3A_553 : i32
        %add3A_555 = arith.addi %mul3A_2, %sub3A_554 : i32
        %jit3A_556 = arith.constant 32 : i32
        %div3A_557 = arith.divsi %add3A_555, %jit3A_556 : i32
        %sign3A_558 = arith.constant 0 : i32
        %sign3A_559 = arith.cmpi sgt, %add3A_555, %sign3A_558 : i32
        %sign3A_560 = arith.extui %sign3A_559 : i1 to i32
        %sign3A_561 = arith.constant 0 : i32
        %sign3A_562 = arith.cmpi slt, %add3A_555, %sign3A_561 : i32
        %sign3A_563 = arith.extui %sign3A_562 : i1 to i32
        %sign3A_564 = arith.subi %sign3A_560, %sign3A_563 : i32
        %sign3A_565 = arith.constant 0 : i32
        %sign3A_566 = arith.cmpi sgt, %jit3A_556, %sign3A_565 : i32
        %sign3A_567 = arith.extui %sign3A_566 : i1 to i32
        %sign3A_568 = arith.constant 0 : i32
        %sign3A_569 = arith.cmpi slt, %jit3A_556, %sign3A_568 : i32
        %sign3A_570 = arith.extui %sign3A_569 : i1 to i32
        %sign3A_571 = arith.subi %sign3A_567, %sign3A_570 : i32
        %ne3A_572 = arith.cmpi ne, %sign3A_564, %sign3A_571 : i32
        %rem3A_573 = arith.remsi %add3A_555, %jit3A_556 : i32
        %ne3A_574 = arith.constant 0 : i32
        %ne3A_575 = arith.cmpi ne, %rem3A_573, %ne3A_574 : i32
        %and3A_576 = arith.andi %ne3A_572, %ne3A_575 : i1
        %sub3A_577 = arith.constant 1 : i32
        %sub3A_578 = arith.subi %div3A_557, %sub3A_577 : i32
        %select_n3A_579 = arith.select %and3A_576, %sub3A_578, %div3A_557 : i32
        %jit3A_580 = arith.constant 32 : i32
        %eq3A_581 = arith.constant 0 : i32
        %eq3A_582 = arith.cmpi eq, %jit3A_580, %eq3A_581 : i32
        %jit3A_583 = arith.constant 1 : i32
        %select_n3A_584 = arith.select %eq3A_582, %jit3A_583, %jit3A_580 : i32
        %rem3A_585 = arith.remsi %add3A_555, %select_n3A_584 : i32
        %ne3A_586 = arith.constant 0 : i32
        %ne3A_587 = arith.cmpi ne, %rem3A_585, %ne3A_586 : i32
        %lt3A_588 = arith.constant 0 : i32
        %lt3A_589 = arith.cmpi slt, %rem3A_585, %lt3A_588 : i32
        %lt3A_590 = arith.constant 0 : i32
        %lt3A_591 = arith.cmpi slt, %select_n3A_584, %lt3A_590 : i32
        %ne3A_592 = arith.xori %lt3A_589, %lt3A_591 : i1
        %and3A_593 = arith.andi %ne3A_592, %ne3A_587 : i1
        %add3A_594 = arith.addi %rem3A_585, %select_n3A_584 : i32
        %select_n3A_595 = arith.select %and3A_593, %add3A_594, %rem3A_585 : i32
        %dma_wait3A_596 = arith.constant 0 : i32
        %dma_wait3A_597 = arith.constant 0 : i32
        %dma_wait3A_598 = arith.constant 0 : i32
        %dma_wait3A_599 = arith.constant 0 : i32
        %dma_wait3A_600 = tpu.memref_slice %arg7[%dma_wait3A_596, %dma_wait3A_597, %dma_wait3A_598, %dma_wait3A_599] : memref<2x8x8x128xf32, #tpu.memory_space<vmem>> -> memref<1x8x8x128xf32, #tpu.memory_space<vmem>>
        %dma_wait3A_601 = tpu.memref_squeeze %dma_wait3A_600 : memref<1x8x8x128xf32, #tpu.memory_space<vmem>> -> memref<8x8x128xf32, #tpu.memory_space<vmem>>
        %dma_wait3A_602 = arith.constant 0 : i32
        %dma_wait3A_603 = arith.constant 0 : i32
        %dma_wait3A_604 = arith.constant 0 : i32
        %dma_wait3A_605 = tpu.memref_slice %arg4[%select_n3A_579, %dma_wait3A_602, %select_n3A_595, %dma_wait3A_603, %dma_wait3A_604] : memref<200x8x32x8x128xf32, #tpu.memory_space<hbm>> -> memref<1x8x1x8x128xf32, #tpu.memory_space<hbm>>
        %dma_wait3A_606 = tpu.memref_squeeze %dma_wait3A_605 : memref<1x8x1x8x128xf32, #tpu.memory_space<hbm>> -> memref<8x8x128xf32, #tpu.memory_space<hbm>>
        %dma_wait3A_607 = arith.constant 0 : i32
        %dma_wait3A_608 = arith.constant 0 : i32
        %dma_wait3A_609 = arith.constant 0 : i32
        %dma_wait3A_610 = tpu.memref_slice %arg4[%select_n3A_579, %dma_wait3A_607, %select_n3A_595, %dma_wait3A_608, %dma_wait3A_609] : memref<200x8x32x8x128xf32, #tpu.memory_space<hbm>> -> memref<1x8x1x8x128xf32, #tpu.memory_space<hbm>>
        %dma_wait3A_611 = tpu.memref_squeeze %dma_wait3A_610 : memref<1x8x1x8x128xf32, #tpu.memory_space<hbm>> -> memref<8x8x128xf32, #tpu.memory_space<hbm>>
        %dma_wait3A_612 = arith.constant 0 : i32
        %dma_wait3A_613 = arith.constant 0 : i32
        %dma_wait3A_614 = arith.constant 0 : i32
        %dma_wait3A_615 = tpu.memref_slice %arg7[%dma_wait3A_596, %dma_wait3A_612, %dma_wait3A_613, %dma_wait3A_614] : memref<2x8x8x128xf32, #tpu.memory_space<vmem>> -> memref<1x8x8x128xf32, #tpu.memory_space<vmem>>
        %dma_wait3A_616 = tpu.memref_squeeze %dma_wait3A_615 : memref<1x8x8x128xf32, #tpu.memory_space<vmem>> -> memref<8x8x128xf32, #tpu.memory_space<vmem>>
        tpu.wait_dma2 semaphore(%arg12 : memref<!tpu.dma_semaphore, #tpu.memory_space<semaphore_mem>>) src(%dma_wait3A_616 : memref<8x8x128xf32, #tpu.memory_space<vmem>>) dst(%dma_wait3A_611 : memref<8x8x128xf32, #tpu.memory_space<hbm>>)
      } else {
      }
      %mul3A_195 = arith.constant 128 : i32
      %mul3A_196 = arith.muli %add3A_192, %mul3A_195 : i32
      %dma_wait3A_197 = arith.constant 0 : i32
      %dma_wait3A_198 = arith.constant 0 : i32
      %dma_wait3A_199 = arith.constant 0 : i32
      %dma_wait3A_200 = tpu.memref_slice %arg6[%dma_wait3A_197, %dma_wait3A_198, %dma_wait3A_199] : memref<4x128x64xf32, #tpu.memory_space<vmem>> -> memref<1x128x64xf32, #tpu.memory_space<vmem>>
      %dma_wait3A_201 = tpu.memref_squeeze %dma_wait3A_200 : memref<1x128x64xf32, #tpu.memory_space<vmem>> -> memref<128x64xf32, #tpu.memory_space<vmem>>
      %dma_wait3A_202 = tpu.memref_slice %arg5[%mul3A_196] : memref<25600xi32, #tpu.memory_space<vmem>> -> memref<128xi32, #tpu.memory_space<vmem>>
      %dma_wait3A_203 = arith.constant 0 : i32
      %dma_wait3A_204 = arith.constant 0 : i32
      %dma_wait3A_205 = tpu.memref_slice %arg3[%dma_wait3A_203, %dma_wait3A_204] : memref<100000x64xf32, #tpu.memory_space<hbm>> -> memref<100000x64xf32, #tpu.memory_space<hbm>>
      tpu.wait_indirect_dma semaphore(%arg8 : memref<!tpu.dma_semaphore, #tpu.memory_space<semaphore_mem>>) src(%dma_wait3A_205 : memref<100000x64xf32, #tpu.memory_space<hbm>>) dst(%dma_wait3A_201 : memref<128x64xf32, #tpu.memory_space<vmem>>)
      %parallel_loop3A = arith.constant 0 : i32
      %parallel_loop3A_206 = arith.constant 64 : i32
      %parallel_loop3A_207 = arith.constant 1 : i32
      scf.for %parallel_loop3A_553 = %parallel_loop3A to %parallel_loop3A_206 step %parallel_loop3A_207  : i32 {
        %parallel_loop3A_554 = vector.broadcast %parallel_loop3A_553 : i32 to vector<16xi32>
        %parallel_loop3A_555 = arith.addi %parallel_loop3A_554, %iota3A : vector<16xi32>
        %parallel_loop3A_556 = arith.constant 63 : i32
        %parallel_loop3A_557 = vector.broadcast %parallel_loop3A_556 : i32 to vector<16xi32>
        %parallel_loop3A_558 = arith.andi %parallel_loop3A_555, %parallel_loop3A_557 : vector<16xi32>
        %parallel_loop3A_559 = arith.constant 3 : i32
        %parallel_loop3A_560 = vector.broadcast %parallel_loop3A_559 : i32 to vector<16xi32>
        %parallel_loop3A_561 = arith.shrsi %parallel_loop3A_558, %parallel_loop3A_560 : vector<16xi32>
        %parallel_loop3A_562 = arith.constant 7 : i32
        %parallel_loop3A_563 = vector.broadcast %parallel_loop3A_562 : i32 to vector<16xi32>
        %parallel_loop3A_564 = arith.andi %parallel_loop3A_558, %parallel_loop3A_563 : vector<16xi32>
        %parallel_loop3A_565 = arith.constant 0 : i32
        %parallel_loop3A_566 = arith.constant 0 : i32
        %parallel_loop3A_567 = arith.constant 0 : i32
        %parallel_loop3A_568 = tpu.memref_slice %arg6[%parallel_loop3A_565, %parallel_loop3A_566, %parallel_loop3A_567] : memref<4x128x64xf32, #tpu.memory_space<vmem>> -> memref<1x128x64xf32, #tpu.memory_space<vmem>>
        %parallel_loop3A_569 = tpu.memref_squeeze %parallel_loop3A_568 : memref<1x128x64xf32, #tpu.memory_space<vmem>> -> memref<128x64xf32, #tpu.memory_space<vmem>>
        %parallel_loop3A_570 = tpu.vector_load_idx %parallel_loop3A_569[%add3A_5, %parallel_loop3A_558] : memref<128x64xf32, #tpu.memory_space<vmem>>[vector<16xi32>, vector<16xi32>], vector<16xf32>,
        %parallel_loop3A_571 = arith.constant 0 : i32
        %parallel_loop3A_572 = arith.constant 0 : i32
        %parallel_loop3A_573 = arith.constant 0 : i32
        %parallel_loop3A_574 = arith.constant 0 : i32
        %parallel_loop3A_575 = tpu.memref_slice %arg7[%parallel_loop3A_571, %parallel_loop3A_572, %parallel_loop3A_573, %parallel_loop3A_574] : memref<2x8x8x128xf32, #tpu.memory_space<vmem>> -> memref<1x8x8x128xf32, #tpu.memory_space<vmem>>
        %parallel_loop3A_576 = tpu.memref_squeeze %parallel_loop3A_575 : memref<1x8x8x128xf32, #tpu.memory_space<vmem>> -> memref<8x8x128xf32, #tpu.memory_space<vmem>>
        tpu.vector_store_idx %parallel_loop3A_576[%parallel_loop3A_561, %parallel_loop3A_564, %add3A_5], %parallel_loop3A_570 : memref<8x8x128xf32, #tpu.memory_space<vmem>>[vector<16xi32>, vector<16xi32>, vector<16xi32>], vector<16xf32>,
        %parallel_loop3A_577 = arith.constant 0 : i32
        %parallel_loop3A_578 = arith.constant 0 : i32
        %parallel_loop3A_579 = arith.constant 0 : i32
        %parallel_loop3A_580 = tpu.memref_slice %arg6[%parallel_loop3A_577, %parallel_loop3A_578, %parallel_loop3A_579] : memref<4x128x64xf32, #tpu.memory_space<vmem>> -> memref<1x128x64xf32, #tpu.memory_space<vmem>>
        %parallel_loop3A_581 = tpu.memref_squeeze %parallel_loop3A_580 : memref<1x128x64xf32, #tpu.memory_space<vmem>> -> memref<128x64xf32, #tpu.memory_space<vmem>>
        %parallel_loop3A_582 = tpu.vector_load_idx %parallel_loop3A_581[%add3A_8, %parallel_loop3A_558] : memref<128x64xf32, #tpu.memory_space<vmem>>[vector<16xi32>, vector<16xi32>], vector<16xf32>,
        %parallel_loop3A_583 = arith.constant 0 : i32
        %parallel_loop3A_584 = arith.constant 0 : i32
        %parallel_loop3A_585 = arith.constant 0 : i32
        %parallel_loop3A_586 = arith.constant 0 : i32
        %parallel_loop3A_587 = tpu.memref_slice %arg7[%parallel_loop3A_583, %parallel_loop3A_584, %parallel_loop3A_585, %parallel_loop3A_586] : memref<2x8x8x128xf32, #tpu.memory_space<vmem>> -> memref<1x8x8x128xf32, #tpu.memory_space<vmem>>
        %parallel_loop3A_588 = tpu.memref_squeeze %parallel_loop3A_587 : memref<1x8x8x128xf32, #tpu.memory_space<vmem>> -> memref<8x8x128xf32, #tpu.memory_space<vmem>>
        tpu.vector_store_idx %parallel_loop3A_588[%parallel_loop3A_561, %parallel_loop3A_564, %add3A_8], %parallel_loop3A_582 : memref<8x8x128xf32, #tpu.memory_space<vmem>>[vector<16xi32>, vector<16xi32>, vector<16xi32>], vector<16xf32>,
        %parallel_loop3A_589 = arith.constant 0 : i32
        %parallel_loop3A_590 = arith.constant 0 : i32
        %parallel_loop3A_591 = arith.constant 0 : i32
        %parallel_loop3A_592 = tpu.memref_slice %arg6[%parallel_loop3A_589, %parallel_loop3A_590, %parallel_loop3A_591] : memref<4x128x64xf32, #tpu.memory_space<vmem>> -> memref<1x128x64xf32, #tpu.memory_space<vmem>>
        %parallel_loop3A_593 = tpu.memref_squeeze %parallel_loop3A_592 : memref<1x128x64xf32, #tpu.memory_space<vmem>> -> memref<128x64xf32, #tpu.memory_space<vmem>>
        %parallel_loop3A_594 = tpu.vector_load_idx %parallel_loop3A_593[%add3A_11, %parallel_loop3A_558] : memref<128x64xf32, #tpu.memory_space<vmem>>[vector<16xi32>, vector<16xi32>], vector<16xf32>,
        %parallel_loop3A_595 = arith.constant 0 : i32
        %parallel_loop3A_596 = arith.constant 0 : i32
        %parallel_loop3A_597 = arith.constant 0 : i32
        %parallel_loop3A_598 = arith.constant 0 : i32
        %parallel_loop3A_599 = tpu.memref_slice %arg7[%parallel_loop3A_595, %parallel_loop3A_596, %parallel_loop3A_597, %parallel_loop3A_598] : memref<2x8x8x128xf32, #tpu.memory_space<vmem>> -> memref<1x8x8x128xf32, #tpu.memory_space<vmem>>
        %parallel_loop3A_600 = tpu.memref_squeeze %parallel_loop3A_599 : memref<1x8x8x128xf32, #tpu.memory_space<vmem>> -> memref<8x8x128xf32, #tpu.memory_space<vmem>>
        tpu.vector_store_idx %parallel_loop3A_600[%parallel_loop3A_561, %parallel_loop3A_564, %add3A_11], %parallel_loop3A_594 : memref<8x8x128xf32, #tpu.memory_space<vmem>>[vector<16xi32>, vector<16xi32>, vector<16xi32>], vector<16xf32>,
        %parallel_loop3A_601 = arith.constant 0 : i32
        %parallel_loop3A_602 = arith.constant 0 : i32
        %parallel_loop3A_603 = arith.constant 0 : i32
        %parallel_loop3A_604 = tpu.memref_slice %arg6[%parallel_loop3A_601, %parallel_loop3A_602, %parallel_loop3A_603] : memref<4x128x64xf32, #tpu.memory_space<vmem>> -> memref<1x128x64xf32, #tpu.memory_space<vmem>>
        %parallel_loop3A_605 = tpu.memref_squeeze %parallel_loop3A_604 : memref<1x128x64xf32, #tpu.memory_space<vmem>> -> memref<128x64xf32, #tpu.memory_space<vmem>>
        %parallel_loop3A_606 = tpu.vector_load_idx %parallel_loop3A_605[%add3A_14, %parallel_loop3A_558] : memref<128x64xf32, #tpu.memory_space<vmem>>[vector<16xi32>, vector<16xi32>], vector<16xf32>,
        %parallel_loop3A_607 = arith.constant 0 : i32
        %parallel_loop3A_608 = arith.constant 0 : i32
        %parallel_loop3A_609 = arith.constant 0 : i32
        %parallel_loop3A_610 = arith.constant 0 : i32
        %parallel_loop3A_611 = tpu.memref_slice %arg7[%parallel_loop3A_607, %parallel_loop3A_608, %parallel_loop3A_609, %parallel_loop3A_610] : memref<2x8x8x128xf32, #tpu.memory_space<vmem>> -> memref<1x8x8x128xf32, #tpu.memory_space<vmem>>
        %parallel_loop3A_612 = tpu.memref_squeeze %parallel_loop3A_611 : memref<1x8x8x128xf32, #tpu.memory_space<vmem>> -> memref<8x8x128xf32, #tpu.memory_space<vmem>>
        tpu.vector_store_idx %parallel_loop3A_612[%parallel_loop3A_561, %parallel_loop3A_564, %add3A_14], %parallel_loop3A_606 : memref<8x8x128xf32, #tpu.memory_space<vmem>>[vector<16xi32>, vector<16xi32>, vector<16xi32>], vector<16xf32>,
        %parallel_loop3A_613 = arith.constant 0 : i32
        %parallel_loop3A_614 = arith.constant 0 : i32
        %parallel_loop3A_615 = arith.constant 0 : i32
        %parallel_loop3A_616 = tpu.memref_slice %arg6[%parallel_loop3A_613, %parallel_loop3A_614, %parallel_loop3A_615] : memref<4x128x64xf32, #tpu.memory_space<vmem>> -> memref<1x128x64xf32, #tpu.memory_space<vmem>>
        %parallel_loop3A_617 = tpu.memref_squeeze %parallel_loop3A_616 : memref<1x128x64xf32, #tpu.memory_space<vmem>> -> memref<128x64xf32, #tpu.memory_space<vmem>>
        %parallel_loop3A_618 = tpu.vector_load_idx %parallel_loop3A_617[%add3A_17, %parallel_loop3A_558] : memref<128x64xf32, #tpu.memory_space<vmem>>[vector<16xi32>, vector<16xi32>], vector<16xf32>,
        %parallel_loop3A_619 = arith.constant 0 : i32
        %parallel_loop3A_620 = arith.constant 0 : i32
        %parallel_loop3A_621 = arith.constant 0 : i32
        %parallel_loop3A_622 = arith.constant 0 : i32
        %parallel_loop3A_623 = tpu.memref_slice %arg7[%parallel_loop3A_619, %parallel_loop3A_620, %parallel_loop3A_621, %parallel_loop3A_622] : memref<2x8x8x128xf32, #tpu.memory_space<vmem>> -> memref<1x8x8x128xf32, #tpu.memory_space<vmem>>
        %parallel_loop3A_624 = tpu.memref_squeeze %parallel_loop3A_623 : memref<1x8x8x128xf32, #tpu.memory_space<vmem>> -> memref<8x8x128xf32, #tpu.memory_space<vmem>>
        tpu.vector_store_idx %parallel_loop3A_624[%parallel_loop3A_561, %parallel_loop3A_564, %add3A_17], %parallel_loop3A_618 : memref<8x8x128xf32, #tpu.memory_space<vmem>>[vector<16xi32>, vector<16xi32>, vector<16xi32>], vector<16xf32>,
        %parallel_loop3A_625 = arith.constant 0 : i32
        %parallel_loop3A_626 = arith.constant 0 : i32
        %parallel_loop3A_627 = arith.constant 0 : i32
        %parallel_loop3A_628 = tpu.memref_slice %arg6[%parallel_loop3A_625, %parallel_loop3A_626, %parallel_loop3A_627] : memref<4x128x64xf32, #tpu.memory_space<vmem>> -> memref<1x128x64xf32, #tpu.memory_space<vmem>>
        %parallel_loop3A_629 = tpu.memref_squeeze %parallel_loop3A_628 : memref<1x128x64xf32, #tpu.memory_space<vmem>> -> memref<128x64xf32, #tpu.memory_space<vmem>>
        %parallel_loop3A_630 = tpu.vector_load_idx %parallel_loop3A_629[%add3A_20, %parallel_loop3A_558] : memref<128x64xf32, #tpu.memory_space<vmem>>[vector<16xi32>, vector<16xi32>], vector<16xf32>,
        %parallel_loop3A_631 = arith.constant 0 : i32
        %parallel_loop3A_632 = arith.constant 0 : i32
        %parallel_loop3A_633 = arith.constant 0 : i32
        %parallel_loop3A_634 = arith.constant 0 : i32
        %parallel_loop3A_635 = tpu.memref_slice %arg7[%parallel_loop3A_631, %parallel_loop3A_632, %parallel_loop3A_633, %parallel_loop3A_634] : memref<2x8x8x128xf32, #tpu.memory_space<vmem>> -> memref<1x8x8x128xf32, #tpu.memory_space<vmem>>
        %parallel_loop3A_636 = tpu.memref_squeeze %parallel_loop3A_635 : memref<1x8x8x128xf32, #tpu.memory_space<vmem>> -> memref<8x8x128xf32, #tpu.memory_space<vmem>>
        tpu.vector_store_idx %parallel_loop3A_636[%parallel_loop3A_561, %parallel_loop3A_564, %add3A_20], %parallel_loop3A_630 : memref<8x8x128xf32, #tpu.memory_space<vmem>>[vector<16xi32>, vector<16xi32>, vector<16xi32>], vector<16xf32>,
        %parallel_loop3A_637 = arith.constant 0 : i32
        %parallel_loop3A_638 = arith.constant 0 : i32
        %parallel_loop3A_639 = arith.constant 0 : i32
        %parallel_loop3A_640 = tpu.memref_slice %arg6[%parallel_loop3A_637, %parallel_loop3A_638, %parallel_loop3A_639] : memref<4x128x64xf32, #tpu.memory_space<vmem>> -> memref<1x128x64xf32, #tpu.memory_space<vmem>>
        %parallel_loop3A_641 = tpu.memref_squeeze %parallel_loop3A_640 : memref<1x128x64xf32, #tpu.memory_space<vmem>> -> memref<128x64xf32, #tpu.memory_space<vmem>>
        %parallel_loop3A_642 = tpu.vector_load_idx %parallel_loop3A_641[%add3A_23, %parallel_loop3A_558] : memref<128x64xf32, #tpu.memory_space<vmem>>[vector<16xi32>, vector<16xi32>], vector<16xf32>,
        %parallel_loop3A_643 = arith.constant 0 : i32
        %parallel_loop3A_644 = arith.constant 0 : i32
        %parallel_loop3A_645 = arith.constant 0 : i32
        %parallel_loop3A_646 = arith.constant 0 : i32
        %parallel_loop3A_647 = tpu.memref_slice %arg7[%parallel_loop3A_643, %parallel_loop3A_644, %parallel_loop3A_645, %parallel_loop3A_646] : memref<2x8x8x128xf32, #tpu.memory_space<vmem>> -> memref<1x8x8x128xf32, #tpu.memory_space<vmem>>
        %parallel_loop3A_648 = tpu.memref_squeeze %parallel_loop3A_647 : memref<1x8x8x128xf32, #tpu.memory_space<vmem>> -> memref<8x8x128xf32, #tpu.memory_space<vmem>>
        tpu.vector_store_idx %parallel_loop3A_648[%parallel_loop3A_561, %parallel_loop3A_564, %add3A_23], %parallel_loop3A_642 : memref<8x8x128xf32, #tpu.memory_space<vmem>>[vector<16xi32>, vector<16xi32>, vector<16xi32>], vector<16xf32>,
        %parallel_loop3A_649 = arith.constant 0 : i32
        %parallel_loop3A_650 = arith.constant 0 : i32
        %parallel_loop3A_651 = arith.constant 0 : i32
        %parallel_loop3A_652 = tpu.memref_slice %arg6[%parallel_loop3A_649, %parallel_loop3A_650, %parallel_loop3A_651] : memref<4x128x64xf32, #tpu.memory_space<vmem>> -> memref<1x128x64xf32, #tpu.memory_space<vmem>>
        %parallel_loop3A_653 = tpu.memref_squeeze %parallel_loop3A_652 : memref<1x128x64xf32, #tpu.memory_space<vmem>> -> memref<128x64xf32, #tpu.memory_space<vmem>>
        %parallel_loop3A_654 = tpu.vector_load_idx %parallel_loop3A_653[%add3A_26, %parallel_loop3A_558] : memref<128x64xf32, #tpu.memory_space<vmem>>[vector<16xi32>, vector<16xi32>], vector<16xf32>,
        %parallel_loop3A_655 = arith.constant 0 : i32
        %parallel_loop3A_656 = arith.constant 0 : i32
        %parallel_loop3A_657 = arith.constant 0 : i32
        %parallel_loop3A_658 = arith.constant 0 : i32
        %parallel_loop3A_659 = tpu.memref_slice %arg7[%parallel_loop3A_655, %parallel_loop3A_656, %parallel_loop3A_657, %parallel_loop3A_658] : memref<2x8x8x128xf32, #tpu.memory_space<vmem>> -> memref<1x8x8x128xf32, #tpu.memory_space<vmem>>
        %parallel_loop3A_660 = tpu.memref_squeeze %parallel_loop3A_659 : memref<1x8x8x128xf32, #tpu.memory_space<vmem>> -> memref<8x8x128xf32, #tpu.memory_space<vmem>>
        tpu.vector_store_idx %parallel_loop3A_660[%parallel_loop3A_561, %parallel_loop3A_564, %add3A_26], %parallel_loop3A_654 : memref<8x8x128xf32, #tpu.memory_space<vmem>>[vector<16xi32>, vector<16xi32>, vector<16xi32>], vector<16xf32>,
      } {sc.loop_unroll_factor = 4 : i64, sc.parallel_access}
      %add3A_208 = arith.addi %mul3A_2, %add3A_192 : i32
      %jit3A_209 = arith.constant 32 : i32
      %div3A_210 = arith.divsi %add3A_208, %jit3A_209 : i32
      %sign3A_211 = arith.constant 0 : i32
      %sign3A_212 = arith.cmpi sgt, %add3A_208, %sign3A_211 : i32
      %sign3A_213 = arith.extui %sign3A_212 : i1 to i32
      %sign3A_214 = arith.constant 0 : i32
      %sign3A_215 = arith.cmpi slt, %add3A_208, %sign3A_214 : i32
      %sign3A_216 = arith.extui %sign3A_215 : i1 to i32
      %sign3A_217 = arith.subi %sign3A_213, %sign3A_216 : i32
      %sign3A_218 = arith.constant 0 : i32
      %sign3A_219 = arith.cmpi sgt, %jit3A_209, %sign3A_218 : i32
      %sign3A_220 = arith.extui %sign3A_219 : i1 to i32
      %sign3A_221 = arith.constant 0 : i32
      %sign3A_222 = arith.cmpi slt, %jit3A_209, %sign3A_221 : i32
      %sign3A_223 = arith.extui %sign3A_222 : i1 to i32
      %sign3A_224 = arith.subi %sign3A_220, %sign3A_223 : i32
      %ne3A_225 = arith.cmpi ne, %sign3A_217, %sign3A_224 : i32
      %rem3A_226 = arith.remsi %add3A_208, %jit3A_209 : i32
      %ne3A_227 = arith.constant 0 : i32
      %ne3A_228 = arith.cmpi ne, %rem3A_226, %ne3A_227 : i32
      %and3A_229 = arith.andi %ne3A_225, %ne3A_228 : i1
      %sub3A_230 = arith.constant 1 : i32
      %sub3A_231 = arith.subi %div3A_210, %sub3A_230 : i32
      %select_n3A_232 = arith.select %and3A_229, %sub3A_231, %div3A_210 : i32
      %jit3A_233 = arith.constant 32 : i32
      %eq3A_234 = arith.constant 0 : i32
      %eq3A_235 = arith.cmpi eq, %jit3A_233, %eq3A_234 : i32
      %jit3A_236 = arith.constant 1 : i32
      %select_n3A_237 = arith.select %eq3A_235, %jit3A_236, %jit3A_233 : i32
      %rem3A_238 = arith.remsi %add3A_208, %select_n3A_237 : i32
      %ne3A_239 = arith.constant 0 : i32
      %ne3A_240 = arith.cmpi ne, %rem3A_238, %ne3A_239 : i32
      %lt3A_241 = arith.constant 0 : i32
      %lt3A_242 = arith.cmpi slt, %rem3A_238, %lt3A_241 : i32
      %lt3A_243 = arith.constant 0 : i32
      %lt3A_244 = arith.cmpi slt, %select_n3A_237, %lt3A_243 : i32
      %ne3A_245 = arith.xori %lt3A_242, %lt3A_244 : i1
      %and3A_246 = arith.andi %ne3A_245, %ne3A_240 : i1
      %add3A_247 = arith.addi %rem3A_238, %select_n3A_237 : i32
      %select_n3A_248 = arith.select %and3A_246, %add3A_247, %rem3A_238 : i32
      %dma_start3A_249 = arith.constant 0 : i32
      %dma_start3A_250 = arith.constant 0 : i32
      %dma_start3A_251 = arith.constant 0 : i32
      %dma_start3A_252 = arith.constant 0 : i32
      %dma_start3A_253 = tpu.memref_slice %arg7[%dma_start3A_249, %dma_start3A_250, %dma_start3A_251, %dma_start3A_252] : memref<2x8x8x128xf32, #tpu.memory_space<vmem>> -> memref<1x8x8x128xf32, #tpu.memory_space<vmem>>
      %dma_start3A_254 = tpu.memref_squeeze %dma_start3A_253 : memref<1x8x8x128xf32, #tpu.memory_space<vmem>> -> memref<8x8x128xf32, #tpu.memory_space<vmem>>
      %dma_start3A_255 = arith.constant 0 : i32
      %dma_start3A_256 = arith.constant 0 : i32
      %dma_start3A_257 = arith.constant 0 : i32
      %dma_start3A_258 = tpu.memref_slice %arg4[%select_n3A_232, %dma_start3A_255, %select_n3A_248, %dma_start3A_256, %dma_start3A_257] : memref<200x8x32x8x128xf32, #tpu.memory_space<hbm>> -> memref<1x8x1x8x128xf32, #tpu.memory_space<hbm>>
      %dma_start3A_259 = tpu.memref_squeeze %dma_start3A_258 : memref<1x8x1x8x128xf32, #tpu.memory_space<hbm>> -> memref<8x8x128xf32, #tpu.memory_space<hbm>>
      %dma_start3A_260 = arith.constant 0 : i32
      %dma_start3A_261 = arith.constant 0 : i32
      %dma_start3A_262 = arith.constant 0 : i32
      %dma_start3A_263 = tpu.memref_slice %arg4[%select_n3A_232, %dma_start3A_260, %select_n3A_248, %dma_start3A_261, %dma_start3A_262] : memref<200x8x32x8x128xf32, #tpu.memory_space<hbm>> -> memref<1x8x1x8x128xf32, #tpu.memory_space<hbm>>
      %dma_start3A_264 = tpu.memref_squeeze %dma_start3A_263 : memref<1x8x1x8x128xf32, #tpu.memory_space<hbm>> -> memref<8x8x128xf32, #tpu.memory_space<hbm>>
      %dma_start3A_265 = arith.constant 0 : i32
      %dma_start3A_266 = arith.constant 0 : i32
      %dma_start3A_267 = arith.constant 0 : i32
      %dma_start3A_268 = tpu.memref_slice %arg7[%dma_start3A_249, %dma_start3A_265, %dma_start3A_266, %dma_start3A_267] : memref<2x8x8x128xf32, #tpu.memory_space<vmem>> -> memref<1x8x8x128xf32, #tpu.memory_space<vmem>>
      %dma_start3A_269 = tpu.memref_squeeze %dma_start3A_268 : memref<1x8x8x128xf32, #tpu.memory_space<vmem>> -> memref<8x8x128xf32, #tpu.memory_space<vmem>>
      tpu.enqueue_dma source(%dma_start3A_269 : memref<8x8x128xf32, #tpu.memory_space<vmem>>) target(%dma_start3A_264 : memref<8x8x128xf32, #tpu.memory_space<hbm>>) target_semaphore(%arg12 : memref<!tpu.dma_semaphore, #tpu.memory_space<semaphore_mem>>)
      %add3A_270 = arith.constant 4 : i32
      %add3A_271 = arith.addi %add3A_192, %add3A_270 : i32
      %lt3A_272 = arith.constant 200 : i32
      %lt3A_273 = arith.cmpi slt, %add3A_271, %lt3A_272 : i32
      %convert_element_type3A_274 = arith.extui %lt3A_273 : i1 to i32
      %cond3A_275 = arith.constant 0 : i32
      %cond3A_276 = arith.cmpi ne, %convert_element_type3A_274, %cond3A_275 : i32
      scf.if %cond3A_276 {
        %add3A_553 = arith.constant 4 : i32
        %add3A_554 = arith.addi %add3A_192, %add3A_553 : i32
        %mul3A_555 = arith.constant 128 : i32
        %mul3A_556 = arith.muli %add3A_554, %mul3A_555 : i32
        %dma_start3A_557 = arith.constant 0 : i32
        %dma_start3A_558 = arith.constant 0 : i32
        %dma_start3A_559 = arith.constant 0 : i32
        %dma_start3A_560 = tpu.memref_slice %arg6[%dma_start3A_557, %dma_start3A_558, %dma_start3A_559] : memref<4x128x64xf32, #tpu.memory_space<vmem>> -> memref<1x128x64xf32, #tpu.memory_space<vmem>>
        %dma_start3A_561 = tpu.memref_squeeze %dma_start3A_560 : memref<1x128x64xf32, #tpu.memory_space<vmem>> -> memref<128x64xf32, #tpu.memory_space<vmem>>
        %dma_start3A_562 = tpu.memref_slice %arg5[%mul3A_556] : memref<25600xi32, #tpu.memory_space<vmem>> -> memref<128xi32, #tpu.memory_space<vmem>>
        %dma_start3A_563 = arith.constant 0 : i32
        %dma_start3A_564 = arith.constant 0 : i32
        %dma_start3A_565 = tpu.memref_slice %arg3[%dma_start3A_563, %dma_start3A_564] : memref<100000x64xf32, #tpu.memory_space<hbm>> -> memref<100000x64xf32, #tpu.memory_space<hbm>>
        tpu.enqueue_indirect_dma source(%dma_start3A_565 : memref<100000x64xf32, #tpu.memory_space<hbm>>) target(%dma_start3A_561 : memref<128x64xf32, #tpu.memory_space<vmem>>) offsets(%dma_start3A_562 : memref<128xi32, #tpu.memory_space<vmem>>) semaphore(%arg8 : memref<!tpu.dma_semaphore, #tpu.memory_space<semaphore_mem>>)
      } else {
      }
      %mul3A_277 = arith.constant 4 : i32
      %mul3A_278 = arith.muli %scan3A_188, %mul3A_277 : i32
      %add3A_279 = arith.constant 1 : i32
      %add3A_280 = arith.addi %mul3A_278, %add3A_279 : i32
      %ge3A_281 = arith.constant 2 : i32
      %ge3A_282 = arith.cmpi sge, %add3A_280, %ge3A_281 : i32
      %convert_element_type3A_283 = arith.extui %ge3A_282 : i1 to i32
      %cond3A_284 = arith.constant 0 : i32
      %cond3A_285 = arith.cmpi ne, %convert_element_type3A_283, %cond3A_284 : i32
      scf.if %cond3A_285 {
        %sub3A_553 = arith.constant 2 : i32
        %sub3A_554 = arith.subi %add3A_280, %sub3A_553 : i32
        %add3A_555 = arith.addi %mul3A_2, %sub3A_554 : i32
        %jit3A_556 = arith.constant 32 : i32
        %div3A_557 = arith.divsi %add3A_555, %jit3A_556 : i32
        %sign3A_558 = arith.constant 0 : i32
        %sign3A_559 = arith.cmpi sgt, %add3A_555, %sign3A_558 : i32
        %sign3A_560 = arith.extui %sign3A_559 : i1 to i32
        %sign3A_561 = arith.constant 0 : i32
        %sign3A_562 = arith.cmpi slt, %add3A_555, %sign3A_561 : i32
        %sign3A_563 = arith.extui %sign3A_562 : i1 to i32
        %sign3A_564 = arith.subi %sign3A_560, %sign3A_563 : i32
        %sign3A_565 = arith.constant 0 : i32
        %sign3A_566 = arith.cmpi sgt, %jit3A_556, %sign3A_565 : i32
        %sign3A_567 = arith.extui %sign3A_566 : i1 to i32
        %sign3A_568 = arith.constant 0 : i32
        %sign3A_569 = arith.cmpi slt, %jit3A_556, %sign3A_568 : i32
        %sign3A_570 = arith.extui %sign3A_569 : i1 to i32
        %sign3A_571 = arith.subi %sign3A_567, %sign3A_570 : i32
        %ne3A_572 = arith.cmpi ne, %sign3A_564, %sign3A_571 : i32
        %rem3A_573 = arith.remsi %add3A_555, %jit3A_556 : i32
        %ne3A_574 = arith.constant 0 : i32
        %ne3A_575 = arith.cmpi ne, %rem3A_573, %ne3A_574 : i32
        %and3A_576 = arith.andi %ne3A_572, %ne3A_575 : i1
        %sub3A_577 = arith.constant 1 : i32
        %sub3A_578 = arith.subi %div3A_557, %sub3A_577 : i32
        %select_n3A_579 = arith.select %and3A_576, %sub3A_578, %div3A_557 : i32
        %jit3A_580 = arith.constant 32 : i32
        %eq3A_581 = arith.constant 0 : i32
        %eq3A_582 = arith.cmpi eq, %jit3A_580, %eq3A_581 : i32
        %jit3A_583 = arith.constant 1 : i32
        %select_n3A_584 = arith.select %eq3A_582, %jit3A_583, %jit3A_580 : i32
        %rem3A_585 = arith.remsi %add3A_555, %select_n3A_584 : i32
        %ne3A_586 = arith.constant 0 : i32
        %ne3A_587 = arith.cmpi ne, %rem3A_585, %ne3A_586 : i32
        %lt3A_588 = arith.constant 0 : i32
        %lt3A_589 = arith.cmpi slt, %rem3A_585, %lt3A_588 : i32
        %lt3A_590 = arith.constant 0 : i32
        %lt3A_591 = arith.cmpi slt, %select_n3A_584, %lt3A_590 : i32
        %ne3A_592 = arith.xori %lt3A_589, %lt3A_591 : i1
        %and3A_593 = arith.andi %ne3A_592, %ne3A_587 : i1
        %add3A_594 = arith.addi %rem3A_585, %select_n3A_584 : i32
        %select_n3A_595 = arith.select %and3A_593, %add3A_594, %rem3A_585 : i32
        %dma_wait3A_596 = arith.constant 1 : i32
        %dma_wait3A_597 = arith.constant 0 : i32
        %dma_wait3A_598 = arith.constant 0 : i32
        %dma_wait3A_599 = arith.constant 0 : i32
        %dma_wait3A_600 = tpu.memref_slice %arg7[%dma_wait3A_596, %dma_wait3A_597, %dma_wait3A_598, %dma_wait3A_599] : memref<2x8x8x128xf32, #tpu.memory_space<vmem>> -> memref<1x8x8x128xf32, #tpu.memory_space<vmem>>
        %dma_wait3A_601 = tpu.memref_squeeze %dma_wait3A_600 : memref<1x8x8x128xf32, #tpu.memory_space<vmem>> -> memref<8x8x128xf32, #tpu.memory_space<vmem>>
        %dma_wait3A_602 = arith.constant 0 : i32
        %dma_wait3A_603 = arith.constant 0 : i32
        %dma_wait3A_604 = arith.constant 0 : i32
        %dma_wait3A_605 = tpu.memref_slice %arg4[%select_n3A_579, %dma_wait3A_602, %select_n3A_595, %dma_wait3A_603, %dma_wait3A_604] : memref<200x8x32x8x128xf32, #tpu.memory_space<hbm>> -> memref<1x8x1x8x128xf32, #tpu.memory_space<hbm>>
        %dma_wait3A_606 = tpu.memref_squeeze %dma_wait3A_605 : memref<1x8x1x8x128xf32, #tpu.memory_space<hbm>> -> memref<8x8x128xf32, #tpu.memory_space<hbm>>
        %dma_wait3A_607 = arith.constant 0 : i32
        %dma_wait3A_608 = arith.constant 0 : i32
        %dma_wait3A_609 = arith.constant 0 : i32
        %dma_wait3A_610 = tpu.memref_slice %arg4[%select_n3A_579, %dma_wait3A_607, %select_n3A_595, %dma_wait3A_608, %dma_wait3A_609] : memref<200x8x32x8x128xf32, #tpu.memory_space<hbm>> -> memref<1x8x1x8x128xf32, #tpu.memory_space<hbm>>
        %dma_wait3A_611 = tpu.memref_squeeze %dma_wait3A_610 : memref<1x8x1x8x128xf32, #tpu.memory_space<hbm>> -> memref<8x8x128xf32, #tpu.memory_space<hbm>>
        %dma_wait3A_612 = arith.constant 0 : i32
        %dma_wait3A_613 = arith.constant 0 : i32
        %dma_wait3A_614 = arith.constant 0 : i32
        %dma_wait3A_615 = tpu.memref_slice %arg7[%dma_wait3A_596, %dma_wait3A_612, %dma_wait3A_613, %dma_wait3A_614] : memref<2x8x8x128xf32, #tpu.memory_space<vmem>> -> memref<1x8x8x128xf32, #tpu.memory_space<vmem>>
        %dma_wait3A_616 = tpu.memref_squeeze %dma_wait3A_615 : memref<1x8x8x128xf32, #tpu.memory_space<vmem>> -> memref<8x8x128xf32, #tpu.memory_space<vmem>>
        tpu.wait_dma2 semaphore(%arg13 : memref<!tpu.dma_semaphore, #tpu.memory_space<semaphore_mem>>) src(%dma_wait3A_616 : memref<8x8x128xf32, #tpu.memory_space<vmem>>) dst(%dma_wait3A_611 : memref<8x8x128xf32, #tpu.memory_space<hbm>>)
      } else {
      }
      %mul3A_286 = arith.constant 128 : i32
      %mul3A_287 = arith.muli %add3A_280, %mul3A_286 : i32
      %dma_wait3A_288 = arith.constant 1 : i32
      %dma_wait3A_289 = arith.constant 0 : i32
      %dma_wait3A_290 = arith.constant 0 : i32
      %dma_wait3A_291 = tpu.memref_slice %arg6[%dma_wait3A_288, %dma_wait3A_289, %dma_wait3A_290] : memref<4x128x64xf32, #tpu.memory_space<vmem>> -> memref<1x128x64xf32, #tpu.memory_space<vmem>>
      %dma_wait3A_292 = tpu.memref_squeeze %dma_wait3A_291 : memref<1x128x64xf32, #tpu.memory_space<vmem>> -> memref<128x64xf32, #tpu.memory_space<vmem>>
      %dma_wait3A_293 = tpu.memref_slice %arg5[%mul3A_287] : memref<25600xi32, #tpu.memory_space<vmem>> -> memref<128xi32, #tpu.memory_space<vmem>>
      %dma_wait3A_294 = arith.constant 0 : i32
      %dma_wait3A_295 = arith.constant 0 : i32
      %dma_wait3A_296 = tpu.memref_slice %arg3[%dma_wait3A_294, %dma_wait3A_295] : memref<100000x64xf32, #tpu.memory_space<hbm>> -> memref<100000x64xf32, #tpu.memory_space<hbm>>
      tpu.wait_indirect_dma semaphore(%arg9 : memref<!tpu.dma_semaphore, #tpu.memory_space<semaphore_mem>>) src(%dma_wait3A_296 : memref<100000x64xf32, #tpu.memory_space<hbm>>) dst(%dma_wait3A_292 : memref<128x64xf32, #tpu.memory_space<vmem>>)
      %parallel_loop3A_297 = arith.constant 0 : i32
      %parallel_loop3A_298 = arith.constant 64 : i32
      %parallel_loop3A_299 = arith.constant 1 : i32
      scf.for %parallel_loop3A_553 = %parallel_loop3A_297 to %parallel_loop3A_298 step %parallel_loop3A_299  : i32 {
        %parallel_loop3A_554 = vector.broadcast %parallel_loop3A_553 : i32 to vector<16xi32>
        %parallel_loop3A_555 = arith.addi %parallel_loop3A_554, %iota3A : vector<16xi32>
        %parallel_loop3A_556 = arith.constant 63 : i32
        %parallel_loop3A_557 = vector.broadcast %parallel_loop3A_556 : i32 to vector<16xi32>
        %parallel_loop3A_558 = arith.andi %parallel_loop3A_555, %parallel_loop3A_557 : vector<16xi32>
        %parallel_loop3A_559 = arith.constant 3 : i32
        %parallel_loop3A_560 = vector.broadcast %parallel_loop3A_559 : i32 to vector<16xi32>
        %parallel_loop3A_561 = arith.shrsi %parallel_loop3A_558, %parallel_loop3A_560 : vector<16xi32>
        %parallel_loop3A_562 = arith.constant 7 : i32
        %parallel_loop3A_563 = vector.broadcast %parallel_loop3A_562 : i32 to vector<16xi32>
        %parallel_loop3A_564 = arith.andi %parallel_loop3A_558, %parallel_loop3A_563 : vector<16xi32>
        %parallel_loop3A_565 = arith.constant 1 : i32
        %parallel_loop3A_566 = arith.constant 0 : i32
        %parallel_loop3A_567 = arith.constant 0 : i32
        %parallel_loop3A_568 = tpu.memref_slice %arg6[%parallel_loop3A_565, %parallel_loop3A_566, %parallel_loop3A_567] : memref<4x128x64xf32, #tpu.memory_space<vmem>> -> memref<1x128x64xf32, #tpu.memory_space<vmem>>
        %parallel_loop3A_569 = tpu.memref_squeeze %parallel_loop3A_568 : memref<1x128x64xf32, #tpu.memory_space<vmem>> -> memref<128x64xf32, #tpu.memory_space<vmem>>
        %parallel_loop3A_570 = tpu.vector_load_idx %parallel_loop3A_569[%add3A_5, %parallel_loop3A_558] : memref<128x64xf32, #tpu.memory_space<vmem>>[vector<16xi32>, vector<16xi32>], vector<16xf32>,
        %parallel_loop3A_571 = arith.constant 1 : i32
        %parallel_loop3A_572 = arith.constant 0 : i32
        %parallel_loop3A_573 = arith.constant 0 : i32
        %parallel_loop3A_574 = arith.constant 0 : i32
        %parallel_loop3A_575 = tpu.memref_slice %arg7[%parallel_loop3A_571, %parallel_loop3A_572, %parallel_loop3A_573, %parallel_loop3A_574] : memref<2x8x8x128xf32, #tpu.memory_space<vmem>> -> memref<1x8x8x128xf32, #tpu.memory_space<vmem>>
        %parallel_loop3A_576 = tpu.memref_squeeze %parallel_loop3A_575 : memref<1x8x8x128xf32, #tpu.memory_space<vmem>> -> memref<8x8x128xf32, #tpu.memory_space<vmem>>
        tpu.vector_store_idx %parallel_loop3A_576[%parallel_loop3A_561, %parallel_loop3A_564, %add3A_5], %parallel_loop3A_570 : memref<8x8x128xf32, #tpu.memory_space<vmem>>[vector<16xi32>, vector<16xi32>, vector<16xi32>], vector<16xf32>,
        %parallel_loop3A_577 = arith.constant 1 : i32
        %parallel_loop3A_578 = arith.constant 0 : i32
        %parallel_loop3A_579 = arith.constant 0 : i32
        %parallel_loop3A_580 = tpu.memref_slice %arg6[%parallel_loop3A_577, %parallel_loop3A_578, %parallel_loop3A_579] : memref<4x128x64xf32, #tpu.memory_space<vmem>> -> memref<1x128x64xf32, #tpu.memory_space<vmem>>
        %parallel_loop3A_581 = tpu.memref_squeeze %parallel_loop3A_580 : memref<1x128x64xf32, #tpu.memory_space<vmem>> -> memref<128x64xf32, #tpu.memory_space<vmem>>
        %parallel_loop3A_582 = tpu.vector_load_idx %parallel_loop3A_581[%add3A_8, %parallel_loop3A_558] : memref<128x64xf32, #tpu.memory_space<vmem>>[vector<16xi32>, vector<16xi32>], vector<16xf32>,
        %parallel_loop3A_583 = arith.constant 1 : i32
        %parallel_loop3A_584 = arith.constant 0 : i32
        %parallel_loop3A_585 = arith.constant 0 : i32
        %parallel_loop3A_586 = arith.constant 0 : i32
        %parallel_loop3A_587 = tpu.memref_slice %arg7[%parallel_loop3A_583, %parallel_loop3A_584, %parallel_loop3A_585, %parallel_loop3A_586] : memref<2x8x8x128xf32, #tpu.memory_space<vmem>> -> memref<1x8x8x128xf32, #tpu.memory_space<vmem>>
        %parallel_loop3A_588 = tpu.memref_squeeze %parallel_loop3A_587 : memref<1x8x8x128xf32, #tpu.memory_space<vmem>> -> memref<8x8x128xf32, #tpu.memory_space<vmem>>
        tpu.vector_store_idx %parallel_loop3A_588[%parallel_loop3A_561, %parallel_loop3A_564, %add3A_8], %parallel_loop3A_582 : memref<8x8x128xf32, #tpu.memory_space<vmem>>[vector<16xi32>, vector<16xi32>, vector<16xi32>], vector<16xf32>,
        %parallel_loop3A_589 = arith.constant 1 : i32
        %parallel_loop3A_590 = arith.constant 0 : i32
        %parallel_loop3A_591 = arith.constant 0 : i32
        %parallel_loop3A_592 = tpu.memref_slice %arg6[%parallel_loop3A_589, %parallel_loop3A_590, %parallel_loop3A_591] : memref<4x128x64xf32, #tpu.memory_space<vmem>> -> memref<1x128x64xf32, #tpu.memory_space<vmem>>
        %parallel_loop3A_593 = tpu.memref_squeeze %parallel_loop3A_592 : memref<1x128x64xf32, #tpu.memory_space<vmem>> -> memref<128x64xf32, #tpu.memory_space<vmem>>
        %parallel_loop3A_594 = tpu.vector_load_idx %parallel_loop3A_593[%add3A_11, %parallel_loop3A_558] : memref<128x64xf32, #tpu.memory_space<vmem>>[vector<16xi32>, vector<16xi32>], vector<16xf32>,
        %parallel_loop3A_595 = arith.constant 1 : i32
        %parallel_loop3A_596 = arith.constant 0 : i32
        %parallel_loop3A_597 = arith.constant 0 : i32
        %parallel_loop3A_598 = arith.constant 0 : i32
        %parallel_loop3A_599 = tpu.memref_slice %arg7[%parallel_loop3A_595, %parallel_loop3A_596, %parallel_loop3A_597, %parallel_loop3A_598] : memref<2x8x8x128xf32, #tpu.memory_space<vmem>> -> memref<1x8x8x128xf32, #tpu.memory_space<vmem>>
        %parallel_loop3A_600 = tpu.memref_squeeze %parallel_loop3A_599 : memref<1x8x8x128xf32, #tpu.memory_space<vmem>> -> memref<8x8x128xf32, #tpu.memory_space<vmem>>
        tpu.vector_store_idx %parallel_loop3A_600[%parallel_loop3A_561, %parallel_loop3A_564, %add3A_11], %parallel_loop3A_594 : memref<8x8x128xf32, #tpu.memory_space<vmem>>[vector<16xi32>, vector<16xi32>, vector<16xi32>], vector<16xf32>,
        %parallel_loop3A_601 = arith.constant 1 : i32
        %parallel_loop3A_602 = arith.constant 0 : i32
        %parallel_loop3A_603 = arith.constant 0 : i32
        %parallel_loop3A_604 = tpu.memref_slice %arg6[%parallel_loop3A_601, %parallel_loop3A_602, %parallel_loop3A_603] : memref<4x128x64xf32, #tpu.memory_space<vmem>> -> memref<1x128x64xf32, #tpu.memory_space<vmem>>
        %parallel_loop3A_605 = tpu.memref_squeeze %parallel_loop3A_604 : memref<1x128x64xf32, #tpu.memory_space<vmem>> -> memref<128x64xf32, #tpu.memory_space<vmem>>
        %parallel_loop3A_606 = tpu.vector_load_idx %parallel_loop3A_605[%add3A_14, %parallel_loop3A_558] : memref<128x64xf32, #tpu.memory_space<vmem>>[vector<16xi32>, vector<16xi32>], vector<16xf32>,
        %parallel_loop3A_607 = arith.constant 1 : i32
        %parallel_loop3A_608 = arith.constant 0 : i32
        %parallel_loop3A_609 = arith.constant 0 : i32
        %parallel_loop3A_610 = arith.constant 0 : i32
        %parallel_loop3A_611 = tpu.memref_slice %arg7[%parallel_loop3A_607, %parallel_loop3A_608, %parallel_loop3A_609, %parallel_loop3A_610] : memref<2x8x8x128xf32, #tpu.memory_space<vmem>> -> memref<1x8x8x128xf32, #tpu.memory_space<vmem>>
        %parallel_loop3A_612 = tpu.memref_squeeze %parallel_loop3A_611 : memref<1x8x8x128xf32, #tpu.memory_space<vmem>> -> memref<8x8x128xf32, #tpu.memory_space<vmem>>
        tpu.vector_store_idx %parallel_loop3A_612[%parallel_loop3A_561, %parallel_loop3A_564, %add3A_14], %parallel_loop3A_606 : memref<8x8x128xf32, #tpu.memory_space<vmem>>[vector<16xi32>, vector<16xi32>, vector<16xi32>], vector<16xf32>,
        %parallel_loop3A_613 = arith.constant 1 : i32
        %parallel_loop3A_614 = arith.constant 0 : i32
        %parallel_loop3A_615 = arith.constant 0 : i32
        %parallel_loop3A_616 = tpu.memref_slice %arg6[%parallel_loop3A_613, %parallel_loop3A_614, %parallel_loop3A_615] : memref<4x128x64xf32, #tpu.memory_space<vmem>> -> memref<1x128x64xf32, #tpu.memory_space<vmem>>
        %parallel_loop3A_617 = tpu.memref_squeeze %parallel_loop3A_616 : memref<1x128x64xf32, #tpu.memory_space<vmem>> -> memref<128x64xf32, #tpu.memory_space<vmem>>
        %parallel_loop3A_618 = tpu.vector_load_idx %parallel_loop3A_617[%add3A_17, %parallel_loop3A_558] : memref<128x64xf32, #tpu.memory_space<vmem>>[vector<16xi32>, vector<16xi32>], vector<16xf32>,
        %parallel_loop3A_619 = arith.constant 1 : i32
        %parallel_loop3A_620 = arith.constant 0 : i32
        %parallel_loop3A_621 = arith.constant 0 : i32
        %parallel_loop3A_622 = arith.constant 0 : i32
        %parallel_loop3A_623 = tpu.memref_slice %arg7[%parallel_loop3A_619, %parallel_loop3A_620, %parallel_loop3A_621, %parallel_loop3A_622] : memref<2x8x8x128xf32, #tpu.memory_space<vmem>> -> memref<1x8x8x128xf32, #tpu.memory_space<vmem>>
        %parallel_loop3A_624 = tpu.memref_squeeze %parallel_loop3A_623 : memref<1x8x8x128xf32, #tpu.memory_space<vmem>> -> memref<8x8x128xf32, #tpu.memory_space<vmem>>
        tpu.vector_store_idx %parallel_loop3A_624[%parallel_loop3A_561, %parallel_loop3A_564, %add3A_17], %parallel_loop3A_618 : memref<8x8x128xf32, #tpu.memory_space<vmem>>[vector<16xi32>, vector<16xi32>, vector<16xi32>], vector<16xf32>,
        %parallel_loop3A_625 = arith.constant 1 : i32
        %parallel_loop3A_626 = arith.constant 0 : i32
        %parallel_loop3A_627 = arith.constant 0 : i32
        %parallel_loop3A_628 = tpu.memref_slice %arg6[%parallel_loop3A_625, %parallel_loop3A_626, %parallel_loop3A_627] : memref<4x128x64xf32, #tpu.memory_space<vmem>> -> memref<1x128x64xf32, #tpu.memory_space<vmem>>
        %parallel_loop3A_629 = tpu.memref_squeeze %parallel_loop3A_628 : memref<1x128x64xf32, #tpu.memory_space<vmem>> -> memref<128x64xf32, #tpu.memory_space<vmem>>
        %parallel_loop3A_630 = tpu.vector_load_idx %parallel_loop3A_629[%add3A_20, %parallel_loop3A_558] : memref<128x64xf32, #tpu.memory_space<vmem>>[vector<16xi32>, vector<16xi32>], vector<16xf32>,
        %parallel_loop3A_631 = arith.constant 1 : i32
        %parallel_loop3A_632 = arith.constant 0 : i32
        %parallel_loop3A_633 = arith.constant 0 : i32
        %parallel_loop3A_634 = arith.constant 0 : i32
        %parallel_loop3A_635 = tpu.memref_slice %arg7[%parallel_loop3A_631, %parallel_loop3A_632, %parallel_loop3A_633, %parallel_loop3A_634] : memref<2x8x8x128xf32, #tpu.memory_space<vmem>> -> memref<1x8x8x128xf32, #tpu.memory_space<vmem>>
        %parallel_loop3A_636 = tpu.memref_squeeze %parallel_loop3A_635 : memref<1x8x8x128xf32, #tpu.memory_space<vmem>> -> memref<8x8x128xf32, #tpu.memory_space<vmem>>
        tpu.vector_store_idx %parallel_loop3A_636[%parallel_loop3A_561, %parallel_loop3A_564, %add3A_20], %parallel_loop3A_630 : memref<8x8x128xf32, #tpu.memory_space<vmem>>[vector<16xi32>, vector<16xi32>, vector<16xi32>], vector<16xf32>,
        %parallel_loop3A_637 = arith.constant 1 : i32
        %parallel_loop3A_638 = arith.constant 0 : i32
        %parallel_loop3A_639 = arith.constant 0 : i32
        %parallel_loop3A_640 = tpu.memref_slice %arg6[%parallel_loop3A_637, %parallel_loop3A_638, %parallel_loop3A_639] : memref<4x128x64xf32, #tpu.memory_space<vmem>> -> memref<1x128x64xf32, #tpu.memory_space<vmem>>
        %parallel_loop3A_641 = tpu.memref_squeeze %parallel_loop3A_640 : memref<1x128x64xf32, #tpu.memory_space<vmem>> -> memref<128x64xf32, #tpu.memory_space<vmem>>
        %parallel_loop3A_642 = tpu.vector_load_idx %parallel_loop3A_641[%add3A_23, %parallel_loop3A_558] : memref<128x64xf32, #tpu.memory_space<vmem>>[vector<16xi32>, vector<16xi32>], vector<16xf32>,
        %parallel_loop3A_643 = arith.constant 1 : i32
        %parallel_loop3A_644 = arith.constant 0 : i32
        %parallel_loop3A_645 = arith.constant 0 : i32
        %parallel_loop3A_646 = arith.constant 0 : i32
        %parallel_loop3A_647 = tpu.memref_slice %arg7[%parallel_loop3A_643, %parallel_loop3A_644, %parallel_loop3A_645, %parallel_loop3A_646] : memref<2x8x8x128xf32, #tpu.memory_space<vmem>> -> memref<1x8x8x128xf32, #tpu.memory_space<vmem>>
        %parallel_loop3A_648 = tpu.memref_squeeze %parallel_loop3A_647 : memref<1x8x8x128xf32, #tpu.memory_space<vmem>> -> memref<8x8x128xf32, #tpu.memory_space<vmem>>
        tpu.vector_store_idx %parallel_loop3A_648[%parallel_loop3A_561, %parallel_loop3A_564, %add3A_23], %parallel_loop3A_642 : memref<8x8x128xf32, #tpu.memory_space<vmem>>[vector<16xi32>, vector<16xi32>, vector<16xi32>], vector<16xf32>,
        %parallel_loop3A_649 = arith.constant 1 : i32
        %parallel_loop3A_650 = arith.constant 0 : i32
        %parallel_loop3A_651 = arith.constant 0 : i32
        %parallel_loop3A_652 = tpu.memref_slice %arg6[%parallel_loop3A_649, %parallel_loop3A_650, %parallel_loop3A_651] : memref<4x128x64xf32, #tpu.memory_space<vmem>> -> memref<1x128x64xf32, #tpu.memory_space<vmem>>
        %parallel_loop3A_653 = tpu.memref_squeeze %parallel_loop3A_652 : memref<1x128x64xf32, #tpu.memory_space<vmem>> -> memref<128x64xf32, #tpu.memory_space<vmem>>
        %parallel_loop3A_654 = tpu.vector_load_idx %parallel_loop3A_653[%add3A_26, %parallel_loop3A_558] : memref<128x64xf32, #tpu.memory_space<vmem>>[vector<16xi32>, vector<16xi32>], vector<16xf32>,
        %parallel_loop3A_655 = arith.constant 1 : i32
        %parallel_loop3A_656 = arith.constant 0 : i32
        %parallel_loop3A_657 = arith.constant 0 : i32
        %parallel_loop3A_658 = arith.constant 0 : i32
        %parallel_loop3A_659 = tpu.memref_slice %arg7[%parallel_loop3A_655, %parallel_loop3A_656, %parallel_loop3A_657, %parallel_loop3A_658] : memref<2x8x8x128xf32, #tpu.memory_space<vmem>> -> memref<1x8x8x128xf32, #tpu.memory_space<vmem>>
        %parallel_loop3A_660 = tpu.memref_squeeze %parallel_loop3A_659 : memref<1x8x8x128xf32, #tpu.memory_space<vmem>> -> memref<8x8x128xf32, #tpu.memory_space<vmem>>
        tpu.vector_store_idx %parallel_loop3A_660[%parallel_loop3A_561, %parallel_loop3A_564, %add3A_26], %parallel_loop3A_654 : memref<8x8x128xf32, #tpu.memory_space<vmem>>[vector<16xi32>, vector<16xi32>, vector<16xi32>], vector<16xf32>,
      } {sc.loop_unroll_factor = 4 : i64, sc.parallel_access}
      %add3A_300 = arith.addi %mul3A_2, %add3A_280 : i32
      %jit3A_301 = arith.constant 32 : i32
      %div3A_302 = arith.divsi %add3A_300, %jit3A_301 : i32
      %sign3A_303 = arith.constant 0 : i32
      %sign3A_304 = arith.cmpi sgt, %add3A_300, %sign3A_303 : i32
      %sign3A_305 = arith.extui %sign3A_304 : i1 to i32
      %sign3A_306 = arith.constant 0 : i32
      %sign3A_307 = arith.cmpi slt, %add3A_300, %sign3A_306 : i32
      %sign3A_308 = arith.extui %sign3A_307 : i1 to i32
      %sign3A_309 = arith.subi %sign3A_305, %sign3A_308 : i32
      %sign3A_310 = arith.constant 0 : i32
      %sign3A_311 = arith.cmpi sgt, %jit3A_301, %sign3A_310 : i32
      %sign3A_312 = arith.extui %sign3A_311 : i1 to i32
      %sign3A_313 = arith.constant 0 : i32
      %sign3A_314 = arith.cmpi slt, %jit3A_301, %sign3A_313 : i32
      %sign3A_315 = arith.extui %sign3A_314 : i1 to i32
      %sign3A_316 = arith.subi %sign3A_312, %sign3A_315 : i32
      %ne3A_317 = arith.cmpi ne, %sign3A_309, %sign3A_316 : i32
      %rem3A_318 = arith.remsi %add3A_300, %jit3A_301 : i32
      %ne3A_319 = arith.constant 0 : i32
      %ne3A_320 = arith.cmpi ne, %rem3A_318, %ne3A_319 : i32
      %and3A_321 = arith.andi %ne3A_317, %ne3A_320 : i1
      %sub3A_322 = arith.constant 1 : i32
      %sub3A_323 = arith.subi %div3A_302, %sub3A_322 : i32
      %select_n3A_324 = arith.select %and3A_321, %sub3A_323, %div3A_302 : i32
      %jit3A_325 = arith.constant 32 : i32
      %eq3A_326 = arith.constant 0 : i32
      %eq3A_327 = arith.cmpi eq, %jit3A_325, %eq3A_326 : i32
      %jit3A_328 = arith.constant 1 : i32
      %select_n3A_329 = arith.select %eq3A_327, %jit3A_328, %jit3A_325 : i32
      %rem3A_330 = arith.remsi %add3A_300, %select_n3A_329 : i32
      %ne3A_331 = arith.constant 0 : i32
      %ne3A_332 = arith.cmpi ne, %rem3A_330, %ne3A_331 : i32
      %lt3A_333 = arith.constant 0 : i32
      %lt3A_334 = arith.cmpi slt, %rem3A_330, %lt3A_333 : i32
      %lt3A_335 = arith.constant 0 : i32
      %lt3A_336 = arith.cmpi slt, %select_n3A_329, %lt3A_335 : i32
      %ne3A_337 = arith.xori %lt3A_334, %lt3A_336 : i1
      %and3A_338 = arith.andi %ne3A_337, %ne3A_332 : i1
      %add3A_339 = arith.addi %rem3A_330, %select_n3A_329 : i32
      %select_n3A_340 = arith.select %and3A_338, %add3A_339, %rem3A_330 : i32
      %dma_start3A_341 = arith.constant 1 : i32
      %dma_start3A_342 = arith.constant 0 : i32
      %dma_start3A_343 = arith.constant 0 : i32
      %dma_start3A_344 = arith.constant 0 : i32
      %dma_start3A_345 = tpu.memref_slice %arg7[%dma_start3A_341, %dma_start3A_342, %dma_start3A_343, %dma_start3A_344] : memref<2x8x8x128xf32, #tpu.memory_space<vmem>> -> memref<1x8x8x128xf32, #tpu.memory_space<vmem>>
      %dma_start3A_346 = tpu.memref_squeeze %dma_start3A_345 : memref<1x8x8x128xf32, #tpu.memory_space<vmem>> -> memref<8x8x128xf32, #tpu.memory_space<vmem>>
      %dma_start3A_347 = arith.constant 0 : i32
      %dma_start3A_348 = arith.constant 0 : i32
      %dma_start3A_349 = arith.constant 0 : i32
      %dma_start3A_350 = tpu.memref_slice %arg4[%select_n3A_324, %dma_start3A_347, %select_n3A_340, %dma_start3A_348, %dma_start3A_349] : memref<200x8x32x8x128xf32, #tpu.memory_space<hbm>> -> memref<1x8x1x8x128xf32, #tpu.memory_space<hbm>>
      %dma_start3A_351 = tpu.memref_squeeze %dma_start3A_350 : memref<1x8x1x8x128xf32, #tpu.memory_space<hbm>> -> memref<8x8x128xf32, #tpu.memory_space<hbm>>
      %dma_start3A_352 = arith.constant 0 : i32
      %dma_start3A_353 = arith.constant 0 : i32
      %dma_start3A_354 = arith.constant 0 : i32
      %dma_start3A_355 = tpu.memref_slice %arg4[%select_n3A_324, %dma_start3A_352, %select_n3A_340, %dma_start3A_353, %dma_start3A_354] : memref<200x8x32x8x128xf32, #tpu.memory_space<hbm>> -> memref<1x8x1x8x128xf32, #tpu.memory_space<hbm>>
      %dma_start3A_356 = tpu.memref_squeeze %dma_start3A_355 : memref<1x8x1x8x128xf32, #tpu.memory_space<hbm>> -> memref<8x8x128xf32, #tpu.memory_space<hbm>>
      %dma_start3A_357 = arith.constant 0 : i32
      %dma_start3A_358 = arith.constant 0 : i32
      %dma_start3A_359 = arith.constant 0 : i32
      %dma_start3A_360 = tpu.memref_slice %arg7[%dma_start3A_341, %dma_start3A_357, %dma_start3A_358, %dma_start3A_359] : memref<2x8x8x128xf32, #tpu.memory_space<vmem>> -> memref<1x8x8x128xf32, #tpu.memory_space<vmem>>
      %dma_start3A_361 = tpu.memref_squeeze %dma_start3A_360 : memref<1x8x8x128xf32, #tpu.memory_space<vmem>> -> memref<8x8x128xf32, #tpu.memory_space<vmem>>
      tpu.enqueue_dma source(%dma_start3A_361 : memref<8x8x128xf32, #tpu.memory_space<vmem>>) target(%dma_start3A_356 : memref<8x8x128xf32, #tpu.memory_space<hbm>>) target_semaphore(%arg13 : memref<!tpu.dma_semaphore, #tpu.memory_space<semaphore_mem>>)
      %add3A_362 = arith.constant 4 : i32
      %add3A_363 = arith.addi %add3A_280, %add3A_362 : i32
      %lt3A_364 = arith.constant 200 : i32
      %lt3A_365 = arith.cmpi slt, %add3A_363, %lt3A_364 : i32
      %convert_element_type3A_366 = arith.extui %lt3A_365 : i1 to i32
      %cond3A_367 = arith.constant 0 : i32
      %cond3A_368 = arith.cmpi ne, %convert_element_type3A_366, %cond3A_367 : i32
      scf.if %cond3A_368 {
        %add3A_553 = arith.constant 4 : i32
        %add3A_554 = arith.addi %add3A_280, %add3A_553 : i32
        %mul3A_555 = arith.constant 128 : i32
        %mul3A_556 = arith.muli %add3A_554, %mul3A_555 : i32
        %dma_start3A_557 = arith.constant 1 : i32
        %dma_start3A_558 = arith.constant 0 : i32
        %dma_start3A_559 = arith.constant 0 : i32
        %dma_start3A_560 = tpu.memref_slice %arg6[%dma_start3A_557, %dma_start3A_558, %dma_start3A_559] : memref<4x128x64xf32, #tpu.memory_space<vmem>> -> memref<1x128x64xf32, #tpu.memory_space<vmem>>
        %dma_start3A_561 = tpu.memref_squeeze %dma_start3A_560 : memref<1x128x64xf32, #tpu.memory_space<vmem>> -> memref<128x64xf32, #tpu.memory_space<vmem>>
        %dma_start3A_562 = tpu.memref_slice %arg5[%mul3A_556] : memref<25600xi32, #tpu.memory_space<vmem>> -> memref<128xi32, #tpu.memory_space<vmem>>
        %dma_start3A_563 = arith.constant 0 : i32
        %dma_start3A_564 = arith.constant 0 : i32
        %dma_start3A_565 = tpu.memref_slice %arg3[%dma_start3A_563, %dma_start3A_564] : memref<100000x64xf32, #tpu.memory_space<hbm>> -> memref<100000x64xf32, #tpu.memory_space<hbm>>
        tpu.enqueue_indirect_dma source(%dma_start3A_565 : memref<100000x64xf32, #tpu.memory_space<hbm>>) target(%dma_start3A_561 : memref<128x64xf32, #tpu.memory_space<vmem>>) offsets(%dma_start3A_562 : memref<128xi32, #tpu.memory_space<vmem>>) semaphore(%arg9 : memref<!tpu.dma_semaphore, #tpu.memory_space<semaphore_mem>>)
      } else {
      }
      %mul3A_369 = arith.constant 4 : i32
      %mul3A_370 = arith.muli %scan3A_188, %mul3A_369 : i32
      %add3A_371 = arith.constant 2 : i32
      %add3A_372 = arith.addi %mul3A_370, %add3A_371 : i32
      %ge3A_373 = arith.constant 2 : i32
      %ge3A_374 = arith.cmpi sge, %add3A_372, %ge3A_373 : i32
      %convert_element_type3A_375 = arith.extui %ge3A_374 : i1 to i32
      %cond3A_376 = arith.constant 0 : i32
      %cond3A_377 = arith.cmpi ne, %convert_element_type3A_375, %cond3A_376 : i32
      scf.if %cond3A_377 {
        %sub3A_553 = arith.constant 2 : i32
        %sub3A_554 = arith.subi %add3A_372, %sub3A_553 : i32
        %add3A_555 = arith.addi %mul3A_2, %sub3A_554 : i32
        %jit3A_556 = arith.constant 32 : i32
        %div3A_557 = arith.divsi %add3A_555, %jit3A_556 : i32
        %sign3A_558 = arith.constant 0 : i32
        %sign3A_559 = arith.cmpi sgt, %add3A_555, %sign3A_558 : i32
        %sign3A_560 = arith.extui %sign3A_559 : i1 to i32
        %sign3A_561 = arith.constant 0 : i32
        %sign3A_562 = arith.cmpi slt, %add3A_555, %sign3A_561 : i32
        %sign3A_563 = arith.extui %sign3A_562 : i1 to i32
        %sign3A_564 = arith.subi %sign3A_560, %sign3A_563 : i32
        %sign3A_565 = arith.constant 0 : i32
        %sign3A_566 = arith.cmpi sgt, %jit3A_556, %sign3A_565 : i32
        %sign3A_567 = arith.extui %sign3A_566 : i1 to i32
        %sign3A_568 = arith.constant 0 : i32
        %sign3A_569 = arith.cmpi slt, %jit3A_556, %sign3A_568 : i32
        %sign3A_570 = arith.extui %sign3A_569 : i1 to i32
        %sign3A_571 = arith.subi %sign3A_567, %sign3A_570 : i32
        %ne3A_572 = arith.cmpi ne, %sign3A_564, %sign3A_571 : i32
        %rem3A_573 = arith.remsi %add3A_555, %jit3A_556 : i32
        %ne3A_574 = arith.constant 0 : i32
        %ne3A_575 = arith.cmpi ne, %rem3A_573, %ne3A_574 : i32
        %and3A_576 = arith.andi %ne3A_572, %ne3A_575 : i1
        %sub3A_577 = arith.constant 1 : i32
        %sub3A_578 = arith.subi %div3A_557, %sub3A_577 : i32
        %select_n3A_579 = arith.select %and3A_576, %sub3A_578, %div3A_557 : i32
        %jit3A_580 = arith.constant 32 : i32
        %eq3A_581 = arith.constant 0 : i32
        %eq3A_582 = arith.cmpi eq, %jit3A_580, %eq3A_581 : i32
        %jit3A_583 = arith.constant 1 : i32
        %select_n3A_584 = arith.select %eq3A_582, %jit3A_583, %jit3A_580 : i32
        %rem3A_585 = arith.remsi %add3A_555, %select_n3A_584 : i32
        %ne3A_586 = arith.constant 0 : i32
        %ne3A_587 = arith.cmpi ne, %rem3A_585, %ne3A_586 : i32
        %lt3A_588 = arith.constant 0 : i32
        %lt3A_589 = arith.cmpi slt, %rem3A_585, %lt3A_588 : i32
        %lt3A_590 = arith.constant 0 : i32
        %lt3A_591 = arith.cmpi slt, %select_n3A_584, %lt3A_590 : i32
        %ne3A_592 = arith.xori %lt3A_589, %lt3A_591 : i1
        %and3A_593 = arith.andi %ne3A_592, %ne3A_587 : i1
        %add3A_594 = arith.addi %rem3A_585, %select_n3A_584 : i32
        %select_n3A_595 = arith.select %and3A_593, %add3A_594, %rem3A_585 : i32
        %dma_wait3A_596 = arith.constant 0 : i32
        %dma_wait3A_597 = arith.constant 0 : i32
        %dma_wait3A_598 = arith.constant 0 : i32
        %dma_wait3A_599 = arith.constant 0 : i32
        %dma_wait3A_600 = tpu.memref_slice %arg7[%dma_wait3A_596, %dma_wait3A_597, %dma_wait3A_598, %dma_wait3A_599] : memref<2x8x8x128xf32, #tpu.memory_space<vmem>> -> memref<1x8x8x128xf32, #tpu.memory_space<vmem>>
        %dma_wait3A_601 = tpu.memref_squeeze %dma_wait3A_600 : memref<1x8x8x128xf32, #tpu.memory_space<vmem>> -> memref<8x8x128xf32, #tpu.memory_space<vmem>>
        %dma_wait3A_602 = arith.constant 0 : i32
        %dma_wait3A_603 = arith.constant 0 : i32
        %dma_wait3A_604 = arith.constant 0 : i32
        %dma_wait3A_605 = tpu.memref_slice %arg4[%select_n3A_579, %dma_wait3A_602, %select_n3A_595, %dma_wait3A_603, %dma_wait3A_604] : memref<200x8x32x8x128xf32, #tpu.memory_space<hbm>> -> memref<1x8x1x8x128xf32, #tpu.memory_space<hbm>>
        %dma_wait3A_606 = tpu.memref_squeeze %dma_wait3A_605 : memref<1x8x1x8x128xf32, #tpu.memory_space<hbm>> -> memref<8x8x128xf32, #tpu.memory_space<hbm>>
        %dma_wait3A_607 = arith.constant 0 : i32
        %dma_wait3A_608 = arith.constant 0 : i32
        %dma_wait3A_609 = arith.constant 0 : i32
        %dma_wait3A_610 = tpu.memref_slice %arg4[%select_n3A_579, %dma_wait3A_607, %select_n3A_595, %dma_wait3A_608, %dma_wait3A_609] : memref<200x8x32x8x128xf32, #tpu.memory_space<hbm>> -> memref<1x8x1x8x128xf32, #tpu.memory_space<hbm>>
        %dma_wait3A_611 = tpu.memref_squeeze %dma_wait3A_610 : memref<1x8x1x8x128xf32, #tpu.memory_space<hbm>> -> memref<8x8x128xf32, #tpu.memory_space<hbm>>
        %dma_wait3A_612 = arith.constant 0 : i32
        %dma_wait3A_613 = arith.constant 0 : i32
        %dma_wait3A_614 = arith.constant 0 : i32
        %dma_wait3A_615 = tpu.memref_slice %arg7[%dma_wait3A_596, %dma_wait3A_612, %dma_wait3A_613, %dma_wait3A_614] : memref<2x8x8x128xf32, #tpu.memory_space<vmem>> -> memref<1x8x8x128xf32, #tpu.memory_space<vmem>>
        %dma_wait3A_616 = tpu.memref_squeeze %dma_wait3A_615 : memref<1x8x8x128xf32, #tpu.memory_space<vmem>> -> memref<8x8x128xf32, #tpu.memory_space<vmem>>
        tpu.wait_dma2 semaphore(%arg12 : memref<!tpu.dma_semaphore, #tpu.memory_space<semaphore_mem>>) src(%dma_wait3A_616 : memref<8x8x128xf32, #tpu.memory_space<vmem>>) dst(%dma_wait3A_611 : memref<8x8x128xf32, #tpu.memory_space<hbm>>)
      } else {
      }
      %mul3A_378 = arith.constant 128 : i32
      %mul3A_379 = arith.muli %add3A_372, %mul3A_378 : i32
      %dma_wait3A_380 = arith.constant 2 : i32
      %dma_wait3A_381 = arith.constant 0 : i32
      %dma_wait3A_382 = arith.constant 0 : i32
      %dma_wait3A_383 = tpu.memref_slice %arg6[%dma_wait3A_380, %dma_wait3A_381, %dma_wait3A_382] : memref<4x128x64xf32, #tpu.memory_space<vmem>> -> memref<1x128x64xf32, #tpu.memory_space<vmem>>
      %dma_wait3A_384 = tpu.memref_squeeze %dma_wait3A_383 : memref<1x128x64xf32, #tpu.memory_space<vmem>> -> memref<128x64xf32, #tpu.memory_space<vmem>>
      %dma_wait3A_385 = tpu.memref_slice %arg5[%mul3A_379] : memref<25600xi32, #tpu.memory_space<vmem>> -> memref<128xi32, #tpu.memory_space<vmem>>
      %dma_wait3A_386 = arith.constant 0 : i32
      %dma_wait3A_387 = arith.constant 0 : i32
      %dma_wait3A_388 = tpu.memref_slice %arg3[%dma_wait3A_386, %dma_wait3A_387] : memref<100000x64xf32, #tpu.memory_space<hbm>> -> memref<100000x64xf32, #tpu.memory_space<hbm>>
      tpu.wait_indirect_dma semaphore(%arg10 : memref<!tpu.dma_semaphore, #tpu.memory_space<semaphore_mem>>) src(%dma_wait3A_388 : memref<100000x64xf32, #tpu.memory_space<hbm>>) dst(%dma_wait3A_384 : memref<128x64xf32, #tpu.memory_space<vmem>>)
      %parallel_loop3A_389 = arith.constant 0 : i32
      %parallel_loop3A_390 = arith.constant 64 : i32
      %parallel_loop3A_391 = arith.constant 1 : i32
      scf.for %parallel_loop3A_553 = %parallel_loop3A_389 to %parallel_loop3A_390 step %parallel_loop3A_391  : i32 {
        %parallel_loop3A_554 = vector.broadcast %parallel_loop3A_553 : i32 to vector<16xi32>
        %parallel_loop3A_555 = arith.addi %parallel_loop3A_554, %iota3A : vector<16xi32>
        %parallel_loop3A_556 = arith.constant 63 : i32
        %parallel_loop3A_557 = vector.broadcast %parallel_loop3A_556 : i32 to vector<16xi32>
        %parallel_loop3A_558 = arith.andi %parallel_loop3A_555, %parallel_loop3A_557 : vector<16xi32>
        %parallel_loop3A_559 = arith.constant 3 : i32
        %parallel_loop3A_560 = vector.broadcast %parallel_loop3A_559 : i32 to vector<16xi32>
        %parallel_loop3A_561 = arith.shrsi %parallel_loop3A_558, %parallel_loop3A_560 : vector<16xi32>
        %parallel_loop3A_562 = arith.constant 7 : i32
        %parallel_loop3A_563 = vector.broadcast %parallel_loop3A_562 : i32 to vector<16xi32>
        %parallel_loop3A_564 = arith.andi %parallel_loop3A_558, %parallel_loop3A_563 : vector<16xi32>
        %parallel_loop3A_565 = arith.constant 2 : i32
        %parallel_loop3A_566 = arith.constant 0 : i32
        %parallel_loop3A_567 = arith.constant 0 : i32
        %parallel_loop3A_568 = tpu.memref_slice %arg6[%parallel_loop3A_565, %parallel_loop3A_566, %parallel_loop3A_567] : memref<4x128x64xf32, #tpu.memory_space<vmem>> -> memref<1x128x64xf32, #tpu.memory_space<vmem>>
        %parallel_loop3A_569 = tpu.memref_squeeze %parallel_loop3A_568 : memref<1x128x64xf32, #tpu.memory_space<vmem>> -> memref<128x64xf32, #tpu.memory_space<vmem>>
        %parallel_loop3A_570 = tpu.vector_load_idx %parallel_loop3A_569[%add3A_5, %parallel_loop3A_558] : memref<128x64xf32, #tpu.memory_space<vmem>>[vector<16xi32>, vector<16xi32>], vector<16xf32>,
        %parallel_loop3A_571 = arith.constant 0 : i32
        %parallel_loop3A_572 = arith.constant 0 : i32
        %parallel_loop3A_573 = arith.constant 0 : i32
        %parallel_loop3A_574 = arith.constant 0 : i32
        %parallel_loop3A_575 = tpu.memref_slice %arg7[%parallel_loop3A_571, %parallel_loop3A_572, %parallel_loop3A_573, %parallel_loop3A_574] : memref<2x8x8x128xf32, #tpu.memory_space<vmem>> -> memref<1x8x8x128xf32, #tpu.memory_space<vmem>>
        %parallel_loop3A_576 = tpu.memref_squeeze %parallel_loop3A_575 : memref<1x8x8x128xf32, #tpu.memory_space<vmem>> -> memref<8x8x128xf32, #tpu.memory_space<vmem>>
        tpu.vector_store_idx %parallel_loop3A_576[%parallel_loop3A_561, %parallel_loop3A_564, %add3A_5], %parallel_loop3A_570 : memref<8x8x128xf32, #tpu.memory_space<vmem>>[vector<16xi32>, vector<16xi32>, vector<16xi32>], vector<16xf32>,
        %parallel_loop3A_577 = arith.constant 2 : i32
        %parallel_loop3A_578 = arith.constant 0 : i32
        %parallel_loop3A_579 = arith.constant 0 : i32
        %parallel_loop3A_580 = tpu.memref_slice %arg6[%parallel_loop3A_577, %parallel_loop3A_578, %parallel_loop3A_579] : memref<4x128x64xf32, #tpu.memory_space<vmem>> -> memref<1x128x64xf32, #tpu.memory_space<vmem>>
        %parallel_loop3A_581 = tpu.memref_squeeze %parallel_loop3A_580 : memref<1x128x64xf32, #tpu.memory_space<vmem>> -> memref<128x64xf32, #tpu.memory_space<vmem>>
        %parallel_loop3A_582 = tpu.vector_load_idx %parallel_loop3A_581[%add3A_8, %parallel_loop3A_558] : memref<128x64xf32, #tpu.memory_space<vmem>>[vector<16xi32>, vector<16xi32>], vector<16xf32>,
        %parallel_loop3A_583 = arith.constant 0 : i32
        %parallel_loop3A_584 = arith.constant 0 : i32
        %parallel_loop3A_585 = arith.constant 0 : i32
        %parallel_loop3A_586 = arith.constant 0 : i32
        %parallel_loop3A_587 = tpu.memref_slice %arg7[%parallel_loop3A_583, %parallel_loop3A_584, %parallel_loop3A_585, %parallel_loop3A_586] : memref<2x8x8x128xf32, #tpu.memory_space<vmem>> -> memref<1x8x8x128xf32, #tpu.memory_space<vmem>>
        %parallel_loop3A_588 = tpu.memref_squeeze %parallel_loop3A_587 : memref<1x8x8x128xf32, #tpu.memory_space<vmem>> -> memref<8x8x128xf32, #tpu.memory_space<vmem>>
        tpu.vector_store_idx %parallel_loop3A_588[%parallel_loop3A_561, %parallel_loop3A_564, %add3A_8], %parallel_loop3A_582 : memref<8x8x128xf32, #tpu.memory_space<vmem>>[vector<16xi32>, vector<16xi32>, vector<16xi32>], vector<16xf32>,
        %parallel_loop3A_589 = arith.constant 2 : i32
        %parallel_loop3A_590 = arith.constant 0 : i32
        %parallel_loop3A_591 = arith.constant 0 : i32
        %parallel_loop3A_592 = tpu.memref_slice %arg6[%parallel_loop3A_589, %parallel_loop3A_590, %parallel_loop3A_591] : memref<4x128x64xf32, #tpu.memory_space<vmem>> -> memref<1x128x64xf32, #tpu.memory_space<vmem>>
        %parallel_loop3A_593 = tpu.memref_squeeze %parallel_loop3A_592 : memref<1x128x64xf32, #tpu.memory_space<vmem>> -> memref<128x64xf32, #tpu.memory_space<vmem>>
        %parallel_loop3A_594 = tpu.vector_load_idx %parallel_loop3A_593[%add3A_11, %parallel_loop3A_558] : memref<128x64xf32, #tpu.memory_space<vmem>>[vector<16xi32>, vector<16xi32>], vector<16xf32>,
        %parallel_loop3A_595 = arith.constant 0 : i32
        %parallel_loop3A_596 = arith.constant 0 : i32
        %parallel_loop3A_597 = arith.constant 0 : i32
        %parallel_loop3A_598 = arith.constant 0 : i32
        %parallel_loop3A_599 = tpu.memref_slice %arg7[%parallel_loop3A_595, %parallel_loop3A_596, %parallel_loop3A_597, %parallel_loop3A_598] : memref<2x8x8x128xf32, #tpu.memory_space<vmem>> -> memref<1x8x8x128xf32, #tpu.memory_space<vmem>>
        %parallel_loop3A_600 = tpu.memref_squeeze %parallel_loop3A_599 : memref<1x8x8x128xf32, #tpu.memory_space<vmem>> -> memref<8x8x128xf32, #tpu.memory_space<vmem>>
        tpu.vector_store_idx %parallel_loop3A_600[%parallel_loop3A_561, %parallel_loop3A_564, %add3A_11], %parallel_loop3A_594 : memref<8x8x128xf32, #tpu.memory_space<vmem>>[vector<16xi32>, vector<16xi32>, vector<16xi32>], vector<16xf32>,
        %parallel_loop3A_601 = arith.constant 2 : i32
        %parallel_loop3A_602 = arith.constant 0 : i32
        %parallel_loop3A_603 = arith.constant 0 : i32
        %parallel_loop3A_604 = tpu.memref_slice %arg6[%parallel_loop3A_601, %parallel_loop3A_602, %parallel_loop3A_603] : memref<4x128x64xf32, #tpu.memory_space<vmem>> -> memref<1x128x64xf32, #tpu.memory_space<vmem>>
        %parallel_loop3A_605 = tpu.memref_squeeze %parallel_loop3A_604 : memref<1x128x64xf32, #tpu.memory_space<vmem>> -> memref<128x64xf32, #tpu.memory_space<vmem>>
        %parallel_loop3A_606 = tpu.vector_load_idx %parallel_loop3A_605[%add3A_14, %parallel_loop3A_558] : memref<128x64xf32, #tpu.memory_space<vmem>>[vector<16xi32>, vector<16xi32>], vector<16xf32>,
        %parallel_loop3A_607 = arith.constant 0 : i32
        %parallel_loop3A_608 = arith.constant 0 : i32
        %parallel_loop3A_609 = arith.constant 0 : i32
        %parallel_loop3A_610 = arith.constant 0 : i32
        %parallel_loop3A_611 = tpu.memref_slice %arg7[%parallel_loop3A_607, %parallel_loop3A_608, %parallel_loop3A_609, %parallel_loop3A_610] : memref<2x8x8x128xf32, #tpu.memory_space<vmem>> -> memref<1x8x8x128xf32, #tpu.memory_space<vmem>>
        %parallel_loop3A_612 = tpu.memref_squeeze %parallel_loop3A_611 : memref<1x8x8x128xf32, #tpu.memory_space<vmem>> -> memref<8x8x128xf32, #tpu.memory_space<vmem>>
        tpu.vector_store_idx %parallel_loop3A_612[%parallel_loop3A_561, %parallel_loop3A_564, %add3A_14], %parallel_loop3A_606 : memref<8x8x128xf32, #tpu.memory_space<vmem>>[vector<16xi32>, vector<16xi32>, vector<16xi32>], vector<16xf32>,
        %parallel_loop3A_613 = arith.constant 2 : i32
        %parallel_loop3A_614 = arith.constant 0 : i32
        %parallel_loop3A_615 = arith.constant 0 : i32
        %parallel_loop3A_616 = tpu.memref_slice %arg6[%parallel_loop3A_613, %parallel_loop3A_614, %parallel_loop3A_615] : memref<4x128x64xf32, #tpu.memory_space<vmem>> -> memref<1x128x64xf32, #tpu.memory_space<vmem>>
        %parallel_loop3A_617 = tpu.memref_squeeze %parallel_loop3A_616 : memref<1x128x64xf32, #tpu.memory_space<vmem>> -> memref<128x64xf32, #tpu.memory_space<vmem>>
        %parallel_loop3A_618 = tpu.vector_load_idx %parallel_loop3A_617[%add3A_17, %parallel_loop3A_558] : memref<128x64xf32, #tpu.memory_space<vmem>>[vector<16xi32>, vector<16xi32>], vector<16xf32>,
        %parallel_loop3A_619 = arith.constant 0 : i32
        %parallel_loop3A_620 = arith.constant 0 : i32
        %parallel_loop3A_621 = arith.constant 0 : i32
        %parallel_loop3A_622 = arith.constant 0 : i32
        %parallel_loop3A_623 = tpu.memref_slice %arg7[%parallel_loop3A_619, %parallel_loop3A_620, %parallel_loop3A_621, %parallel_loop3A_622] : memref<2x8x8x128xf32, #tpu.memory_space<vmem>> -> memref<1x8x8x128xf32, #tpu.memory_space<vmem>>
        %parallel_loop3A_624 = tpu.memref_squeeze %parallel_loop3A_623 : memref<1x8x8x128xf32, #tpu.memory_space<vmem>> -> memref<8x8x128xf32, #tpu.memory_space<vmem>>
        tpu.vector_store_idx %parallel_loop3A_624[%parallel_loop3A_561, %parallel_loop3A_564, %add3A_17], %parallel_loop3A_618 : memref<8x8x128xf32, #tpu.memory_space<vmem>>[vector<16xi32>, vector<16xi32>, vector<16xi32>], vector<16xf32>,
        %parallel_loop3A_625 = arith.constant 2 : i32
        %parallel_loop3A_626 = arith.constant 0 : i32
        %parallel_loop3A_627 = arith.constant 0 : i32
        %parallel_loop3A_628 = tpu.memref_slice %arg6[%parallel_loop3A_625, %parallel_loop3A_626, %parallel_loop3A_627] : memref<4x128x64xf32, #tpu.memory_space<vmem>> -> memref<1x128x64xf32, #tpu.memory_space<vmem>>
        %parallel_loop3A_629 = tpu.memref_squeeze %parallel_loop3A_628 : memref<1x128x64xf32, #tpu.memory_space<vmem>> -> memref<128x64xf32, #tpu.memory_space<vmem>>
        %parallel_loop3A_630 = tpu.vector_load_idx %parallel_loop3A_629[%add3A_20, %parallel_loop3A_558] : memref<128x64xf32, #tpu.memory_space<vmem>>[vector<16xi32>, vector<16xi32>], vector<16xf32>,
        %parallel_loop3A_631 = arith.constant 0 : i32
        %parallel_loop3A_632 = arith.constant 0 : i32
        %parallel_loop3A_633 = arith.constant 0 : i32
        %parallel_loop3A_634 = arith.constant 0 : i32
        %parallel_loop3A_635 = tpu.memref_slice %arg7[%parallel_loop3A_631, %parallel_loop3A_632, %parallel_loop3A_633, %parallel_loop3A_634] : memref<2x8x8x128xf32, #tpu.memory_space<vmem>> -> memref<1x8x8x128xf32, #tpu.memory_space<vmem>>
        %parallel_loop3A_636 = tpu.memref_squeeze %parallel_loop3A_635 : memref<1x8x8x128xf32, #tpu.memory_space<vmem>> -> memref<8x8x128xf32, #tpu.memory_space<vmem>>
        tpu.vector_store_idx %parallel_loop3A_636[%parallel_loop3A_561, %parallel_loop3A_564, %add3A_20], %parallel_loop3A_630 : memref<8x8x128xf32, #tpu.memory_space<vmem>>[vector<16xi32>, vector<16xi32>, vector<16xi32>], vector<16xf32>,
        %parallel_loop3A_637 = arith.constant 2 : i32
        %parallel_loop3A_638 = arith.constant 0 : i32
        %parallel_loop3A_639 = arith.constant 0 : i32
        %parallel_loop3A_640 = tpu.memref_slice %arg6[%parallel_loop3A_637, %parallel_loop3A_638, %parallel_loop3A_639] : memref<4x128x64xf32, #tpu.memory_space<vmem>> -> memref<1x128x64xf32, #tpu.memory_space<vmem>>
        %parallel_loop3A_641 = tpu.memref_squeeze %parallel_loop3A_640 : memref<1x128x64xf32, #tpu.memory_space<vmem>> -> memref<128x64xf32, #tpu.memory_space<vmem>>
        %parallel_loop3A_642 = tpu.vector_load_idx %parallel_loop3A_641[%add3A_23, %parallel_loop3A_558] : memref<128x64xf32, #tpu.memory_space<vmem>>[vector<16xi32>, vector<16xi32>], vector<16xf32>,
        %parallel_loop3A_643 = arith.constant 0 : i32
        %parallel_loop3A_644 = arith.constant 0 : i32
        %parallel_loop3A_645 = arith.constant 0 : i32
        %parallel_loop3A_646 = arith.constant 0 : i32
        %parallel_loop3A_647 = tpu.memref_slice %arg7[%parallel_loop3A_643, %parallel_loop3A_644, %parallel_loop3A_645, %parallel_loop3A_646] : memref<2x8x8x128xf32, #tpu.memory_space<vmem>> -> memref<1x8x8x128xf32, #tpu.memory_space<vmem>>
        %parallel_loop3A_648 = tpu.memref_squeeze %parallel_loop3A_647 : memref<1x8x8x128xf32, #tpu.memory_space<vmem>> -> memref<8x8x128xf32, #tpu.memory_space<vmem>>
        tpu.vector_store_idx %parallel_loop3A_648[%parallel_loop3A_561, %parallel_loop3A_564, %add3A_23], %parallel_loop3A_642 : memref<8x8x128xf32, #tpu.memory_space<vmem>>[vector<16xi32>, vector<16xi32>, vector<16xi32>], vector<16xf32>,
        %parallel_loop3A_649 = arith.constant 2 : i32
        %parallel_loop3A_650 = arith.constant 0 : i32
        %parallel_loop3A_651 = arith.constant 0 : i32
        %parallel_loop3A_652 = tpu.memref_slice %arg6[%parallel_loop3A_649, %parallel_loop3A_650, %parallel_loop3A_651] : memref<4x128x64xf32, #tpu.memory_space<vmem>> -> memref<1x128x64xf32, #tpu.memory_space<vmem>>
        %parallel_loop3A_653 = tpu.memref_squeeze %parallel_loop3A_652 : memref<1x128x64xf32, #tpu.memory_space<vmem>> -> memref<128x64xf32, #tpu.memory_space<vmem>>
        %parallel_loop3A_654 = tpu.vector_load_idx %parallel_loop3A_653[%add3A_26, %parallel_loop3A_558] : memref<128x64xf32, #tpu.memory_space<vmem>>[vector<16xi32>, vector<16xi32>], vector<16xf32>,
        %parallel_loop3A_655 = arith.constant 0 : i32
        %parallel_loop3A_656 = arith.constant 0 : i32
        %parallel_loop3A_657 = arith.constant 0 : i32
        %parallel_loop3A_658 = arith.constant 0 : i32
        %parallel_loop3A_659 = tpu.memref_slice %arg7[%parallel_loop3A_655, %parallel_loop3A_656, %parallel_loop3A_657, %parallel_loop3A_658] : memref<2x8x8x128xf32, #tpu.memory_space<vmem>> -> memref<1x8x8x128xf32, #tpu.memory_space<vmem>>
        %parallel_loop3A_660 = tpu.memref_squeeze %parallel_loop3A_659 : memref<1x8x8x128xf32, #tpu.memory_space<vmem>> -> memref<8x8x128xf32, #tpu.memory_space<vmem>>
        tpu.vector_store_idx %parallel_loop3A_660[%parallel_loop3A_561, %parallel_loop3A_564, %add3A_26], %parallel_loop3A_654 : memref<8x8x128xf32, #tpu.memory_space<vmem>>[vector<16xi32>, vector<16xi32>, vector<16xi32>], vector<16xf32>,
      } {sc.loop_unroll_factor = 4 : i64, sc.parallel_access}
      %add3A_392 = arith.addi %mul3A_2, %add3A_372 : i32
      %jit3A_393 = arith.constant 32 : i32
      %div3A_394 = arith.divsi %add3A_392, %jit3A_393 : i32
      %sign3A_395 = arith.constant 0 : i32
      %sign3A_396 = arith.cmpi sgt, %add3A_392, %sign3A_395 : i32
      %sign3A_397 = arith.extui %sign3A_396 : i1 to i32
      %sign3A_398 = arith.constant 0 : i32
      %sign3A_399 = arith.cmpi slt, %add3A_392, %sign3A_398 : i32
      %sign3A_400 = arith.extui %sign3A_399 : i1 to i32
      %sign3A_401 = arith.subi %sign3A_397, %sign3A_400 : i32
      %sign3A_402 = arith.constant 0 : i32
      %sign3A_403 = arith.cmpi sgt, %jit3A_393, %sign3A_402 : i32
      %sign3A_404 = arith.extui %sign3A_403 : i1 to i32
      %sign3A_405 = arith.constant 0 : i32
      %sign3A_406 = arith.cmpi slt, %jit3A_393, %sign3A_405 : i32
      %sign3A_407 = arith.extui %sign3A_406 : i1 to i32
      %sign3A_408 = arith.subi %sign3A_404, %sign3A_407 : i32
      %ne3A_409 = arith.cmpi ne, %sign3A_401, %sign3A_408 : i32
      %rem3A_410 = arith.remsi %add3A_392, %jit3A_393 : i32
      %ne3A_411 = arith.constant 0 : i32
      %ne3A_412 = arith.cmpi ne, %rem3A_410, %ne3A_411 : i32
      %and3A_413 = arith.andi %ne3A_409, %ne3A_412 : i1
      %sub3A_414 = arith.constant 1 : i32
      %sub3A_415 = arith.subi %div3A_394, %sub3A_414 : i32
      %select_n3A_416 = arith.select %and3A_413, %sub3A_415, %div3A_394 : i32
      %jit3A_417 = arith.constant 32 : i32
      %eq3A_418 = arith.constant 0 : i32
      %eq3A_419 = arith.cmpi eq, %jit3A_417, %eq3A_418 : i32
      %jit3A_420 = arith.constant 1 : i32
      %select_n3A_421 = arith.select %eq3A_419, %jit3A_420, %jit3A_417 : i32
      %rem3A_422 = arith.remsi %add3A_392, %select_n3A_421 : i32
      %ne3A_423 = arith.constant 0 : i32
      %ne3A_424 = arith.cmpi ne, %rem3A_422, %ne3A_423 : i32
      %lt3A_425 = arith.constant 0 : i32
      %lt3A_426 = arith.cmpi slt, %rem3A_422, %lt3A_425 : i32
      %lt3A_427 = arith.constant 0 : i32
      %lt3A_428 = arith.cmpi slt, %select_n3A_421, %lt3A_427 : i32
      %ne3A_429 = arith.xori %lt3A_426, %lt3A_428 : i1
      %and3A_430 = arith.andi %ne3A_429, %ne3A_424 : i1
      %add3A_431 = arith.addi %rem3A_422, %select_n3A_421 : i32
      %select_n3A_432 = arith.select %and3A_430, %add3A_431, %rem3A_422 : i32
      %dma_start3A_433 = arith.constant 0 : i32
      %dma_start3A_434 = arith.constant 0 : i32
      %dma_start3A_435 = arith.constant 0 : i32
      %dma_start3A_436 = arith.constant 0 : i32
      %dma_start3A_437 = tpu.memref_slice %arg7[%dma_start3A_433, %dma_start3A_434, %dma_start3A_435, %dma_start3A_436] : memref<2x8x8x128xf32, #tpu.memory_space<vmem>> -> memref<1x8x8x128xf32, #tpu.memory_space<vmem>>
      %dma_start3A_438 = tpu.memref_squeeze %dma_start3A_437 : memref<1x8x8x128xf32, #tpu.memory_space<vmem>> -> memref<8x8x128xf32, #tpu.memory_space<vmem>>
      %dma_start3A_439 = arith.constant 0 : i32
      %dma_start3A_440 = arith.constant 0 : i32
      %dma_start3A_441 = arith.constant 0 : i32
      %dma_start3A_442 = tpu.memref_slice %arg4[%select_n3A_416, %dma_start3A_439, %select_n3A_432, %dma_start3A_440, %dma_start3A_441] : memref<200x8x32x8x128xf32, #tpu.memory_space<hbm>> -> memref<1x8x1x8x128xf32, #tpu.memory_space<hbm>>
      %dma_start3A_443 = tpu.memref_squeeze %dma_start3A_442 : memref<1x8x1x8x128xf32, #tpu.memory_space<hbm>> -> memref<8x8x128xf32, #tpu.memory_space<hbm>>
      %dma_start3A_444 = arith.constant 0 : i32
      %dma_start3A_445 = arith.constant 0 : i32
      %dma_start3A_446 = arith.constant 0 : i32
      %dma_start3A_447 = tpu.memref_slice %arg4[%select_n3A_416, %dma_start3A_444, %select_n3A_432, %dma_start3A_445, %dma_start3A_446] : memref<200x8x32x8x128xf32, #tpu.memory_space<hbm>> -> memref<1x8x1x8x128xf32, #tpu.memory_space<hbm>>
      %dma_start3A_448 = tpu.memref_squeeze %dma_start3A_447 : memref<1x8x1x8x128xf32, #tpu.memory_space<hbm>> -> memref<8x8x128xf32, #tpu.memory_space<hbm>>
      %dma_start3A_449 = arith.constant 0 : i32
      %dma_start3A_450 = arith.constant 0 : i32
      %dma_start3A_451 = arith.constant 0 : i32
      %dma_start3A_452 = tpu.memref_slice %arg7[%dma_start3A_433, %dma_start3A_449, %dma_start3A_450, %dma_start3A_451] : memref<2x8x8x128xf32, #tpu.memory_space<vmem>> -> memref<1x8x8x128xf32, #tpu.memory_space<vmem>>
      %dma_start3A_453 = tpu.memref_squeeze %dma_start3A_452 : memref<1x8x8x128xf32, #tpu.memory_space<vmem>> -> memref<8x8x128xf32, #tpu.memory_space<vmem>>
      tpu.enqueue_dma source(%dma_start3A_453 : memref<8x8x128xf32, #tpu.memory_space<vmem>>) target(%dma_start3A_448 : memref<8x8x128xf32, #tpu.memory_space<hbm>>) target_semaphore(%arg12 : memref<!tpu.dma_semaphore, #tpu.memory_space<semaphore_mem>>)
      %add3A_454 = arith.constant 4 : i32
      %add3A_455 = arith.addi %add3A_372, %add3A_454 : i32
      %lt3A_456 = arith.constant 200 : i32
      %lt3A_457 = arith.cmpi slt, %add3A_455, %lt3A_456 : i32
      %convert_element_type3A_458 = arith.extui %lt3A_457 : i1 to i32
      %cond3A_459 = arith.constant 0 : i32
      %cond3A_460 = arith.cmpi ne, %convert_element_type3A_458, %cond3A_459 : i32
      scf.if %cond3A_460 {
        %add3A_553 = arith.constant 4 : i32
        %add3A_554 = arith.addi %add3A_372, %add3A_553 : i32
        %mul3A_555 = arith.constant 128 : i32
        %mul3A_556 = arith.muli %add3A_554, %mul3A_555 : i32
        %dma_start3A_557 = arith.constant 2 : i32
        %dma_start3A_558 = arith.constant 0 : i32
        %dma_start3A_559 = arith.constant 0 : i32
        %dma_start3A_560 = tpu.memref_slice %arg6[%dma_start3A_557, %dma_start3A_558, %dma_start3A_559] : memref<4x128x64xf32, #tpu.memory_space<vmem>> -> memref<1x128x64xf32, #tpu.memory_space<vmem>>
        %dma_start3A_561 = tpu.memref_squeeze %dma_start3A_560 : memref<1x128x64xf32, #tpu.memory_space<vmem>> -> memref<128x64xf32, #tpu.memory_space<vmem>>
        %dma_start3A_562 = tpu.memref_slice %arg5[%mul3A_556] : memref<25600xi32, #tpu.memory_space<vmem>> -> memref<128xi32, #tpu.memory_space<vmem>>
        %dma_start3A_563 = arith.constant 0 : i32
        %dma_start3A_564 = arith.constant 0 : i32
        %dma_start3A_565 = tpu.memref_slice %arg3[%dma_start3A_563, %dma_start3A_564] : memref<100000x64xf32, #tpu.memory_space<hbm>> -> memref<100000x64xf32, #tpu.memory_space<hbm>>
        tpu.enqueue_indirect_dma source(%dma_start3A_565 : memref<100000x64xf32, #tpu.memory_space<hbm>>) target(%dma_start3A_561 : memref<128x64xf32, #tpu.memory_space<vmem>>) offsets(%dma_start3A_562 : memref<128xi32, #tpu.memory_space<vmem>>) semaphore(%arg10 : memref<!tpu.dma_semaphore, #tpu.memory_space<semaphore_mem>>)
      } else {
      }
      %mul3A_461 = arith.constant 4 : i32
      %mul3A_462 = arith.muli %scan3A_188, %mul3A_461 : i32
      %add3A_463 = arith.constant 3 : i32
      %add3A_464 = arith.addi %mul3A_462, %add3A_463 : i32
      %ge3A_465 = arith.constant 2 : i32
      %ge3A_466 = arith.cmpi sge, %add3A_464, %ge3A_465 : i32
      %convert_element_type3A_467 = arith.extui %ge3A_466 : i1 to i32
      %cond3A_468 = arith.constant 0 : i32
      %cond3A_469 = arith.cmpi ne, %convert_element_type3A_467, %cond3A_468 : i32
      scf.if %cond3A_469 {
        %sub3A_553 = arith.constant 2 : i32
        %sub3A_554 = arith.subi %add3A_464, %sub3A_553 : i32
        %add3A_555 = arith.addi %mul3A_2, %sub3A_554 : i32
        %jit3A_556 = arith.constant 32 : i32
        %div3A_557 = arith.divsi %add3A_555, %jit3A_556 : i32
        %sign3A_558 = arith.constant 0 : i32
        %sign3A_559 = arith.cmpi sgt, %add3A_555, %sign3A_558 : i32
        %sign3A_560 = arith.extui %sign3A_559 : i1 to i32
        %sign3A_561 = arith.constant 0 : i32
        %sign3A_562 = arith.cmpi slt, %add3A_555, %sign3A_561 : i32
        %sign3A_563 = arith.extui %sign3A_562 : i1 to i32
        %sign3A_564 = arith.subi %sign3A_560, %sign3A_563 : i32
        %sign3A_565 = arith.constant 0 : i32
        %sign3A_566 = arith.cmpi sgt, %jit3A_556, %sign3A_565 : i32
        %sign3A_567 = arith.extui %sign3A_566 : i1 to i32
        %sign3A_568 = arith.constant 0 : i32
        %sign3A_569 = arith.cmpi slt, %jit3A_556, %sign3A_568 : i32
        %sign3A_570 = arith.extui %sign3A_569 : i1 to i32
        %sign3A_571 = arith.subi %sign3A_567, %sign3A_570 : i32
        %ne3A_572 = arith.cmpi ne, %sign3A_564, %sign3A_571 : i32
        %rem3A_573 = arith.remsi %add3A_555, %jit3A_556 : i32
        %ne3A_574 = arith.constant 0 : i32
        %ne3A_575 = arith.cmpi ne, %rem3A_573, %ne3A_574 : i32
        %and3A_576 = arith.andi %ne3A_572, %ne3A_575 : i1
        %sub3A_577 = arith.constant 1 : i32
        %sub3A_578 = arith.subi %div3A_557, %sub3A_577 : i32
        %select_n3A_579 = arith.select %and3A_576, %sub3A_578, %div3A_557 : i32
        %jit3A_580 = arith.constant 32 : i32
        %eq3A_581 = arith.constant 0 : i32
        %eq3A_582 = arith.cmpi eq, %jit3A_580, %eq3A_581 : i32
        %jit3A_583 = arith.constant 1 : i32
        %select_n3A_584 = arith.select %eq3A_582, %jit3A_583, %jit3A_580 : i32
        %rem3A_585 = arith.remsi %add3A_555, %select_n3A_584 : i32
        %ne3A_586 = arith.constant 0 : i32
        %ne3A_587 = arith.cmpi ne, %rem3A_585, %ne3A_586 : i32
        %lt3A_588 = arith.constant 0 : i32
        %lt3A_589 = arith.cmpi slt, %rem3A_585, %lt3A_588 : i32
        %lt3A_590 = arith.constant 0 : i32
        %lt3A_591 = arith.cmpi slt, %select_n3A_584, %lt3A_590 : i32
        %ne3A_592 = arith.xori %lt3A_589, %lt3A_591 : i1
        %and3A_593 = arith.andi %ne3A_592, %ne3A_587 : i1
        %add3A_594 = arith.addi %rem3A_585, %select_n3A_584 : i32
        %select_n3A_595 = arith.select %and3A_593, %add3A_594, %rem3A_585 : i32
        %dma_wait3A_596 = arith.constant 1 : i32
        %dma_wait3A_597 = arith.constant 0 : i32
        %dma_wait3A_598 = arith.constant 0 : i32
        %dma_wait3A_599 = arith.constant 0 : i32
        %dma_wait3A_600 = tpu.memref_slice %arg7[%dma_wait3A_596, %dma_wait3A_597, %dma_wait3A_598, %dma_wait3A_599] : memref<2x8x8x128xf32, #tpu.memory_space<vmem>> -> memref<1x8x8x128xf32, #tpu.memory_space<vmem>>
        %dma_wait3A_601 = tpu.memref_squeeze %dma_wait3A_600 : memref<1x8x8x128xf32, #tpu.memory_space<vmem>> -> memref<8x8x128xf32, #tpu.memory_space<vmem>>
        %dma_wait3A_602 = arith.constant 0 : i32
        %dma_wait3A_603 = arith.constant 0 : i32
        %dma_wait3A_604 = arith.constant 0 : i32
        %dma_wait3A_605 = tpu.memref_slice %arg4[%select_n3A_579, %dma_wait3A_602, %select_n3A_595, %dma_wait3A_603, %dma_wait3A_604] : memref<200x8x32x8x128xf32, #tpu.memory_space<hbm>> -> memref<1x8x1x8x128xf32, #tpu.memory_space<hbm>>
        %dma_wait3A_606 = tpu.memref_squeeze %dma_wait3A_605 : memref<1x8x1x8x128xf32, #tpu.memory_space<hbm>> -> memref<8x8x128xf32, #tpu.memory_space<hbm>>
        %dma_wait3A_607 = arith.constant 0 : i32
        %dma_wait3A_608 = arith.constant 0 : i32
        %dma_wait3A_609 = arith.constant 0 : i32
        %dma_wait3A_610 = tpu.memref_slice %arg4[%select_n3A_579, %dma_wait3A_607, %select_n3A_595, %dma_wait3A_608, %dma_wait3A_609] : memref<200x8x32x8x128xf32, #tpu.memory_space<hbm>> -> memref<1x8x1x8x128xf32, #tpu.memory_space<hbm>>
        %dma_wait3A_611 = tpu.memref_squeeze %dma_wait3A_610 : memref<1x8x1x8x128xf32, #tpu.memory_space<hbm>> -> memref<8x8x128xf32, #tpu.memory_space<hbm>>
        %dma_wait3A_612 = arith.constant 0 : i32
        %dma_wait3A_613 = arith.constant 0 : i32
        %dma_wait3A_614 = arith.constant 0 : i32
        %dma_wait3A_615 = tpu.memref_slice %arg7[%dma_wait3A_596, %dma_wait3A_612, %dma_wait3A_613, %dma_wait3A_614] : memref<2x8x8x128xf32, #tpu.memory_space<vmem>> -> memref<1x8x8x128xf32, #tpu.memory_space<vmem>>
        %dma_wait3A_616 = tpu.memref_squeeze %dma_wait3A_615 : memref<1x8x8x128xf32, #tpu.memory_space<vmem>> -> memref<8x8x128xf32, #tpu.memory_space<vmem>>
        tpu.wait_dma2 semaphore(%arg13 : memref<!tpu.dma_semaphore, #tpu.memory_space<semaphore_mem>>) src(%dma_wait3A_616 : memref<8x8x128xf32, #tpu.memory_space<vmem>>) dst(%dma_wait3A_611 : memref<8x8x128xf32, #tpu.memory_space<hbm>>)
      } else {
      }
      %mul3A_470 = arith.constant 128 : i32
      %mul3A_471 = arith.muli %add3A_464, %mul3A_470 : i32
      %dma_wait3A_472 = arith.constant 3 : i32
      %dma_wait3A_473 = arith.constant 0 : i32
      %dma_wait3A_474 = arith.constant 0 : i32
      %dma_wait3A_475 = tpu.memref_slice %arg6[%dma_wait3A_472, %dma_wait3A_473, %dma_wait3A_474] : memref<4x128x64xf32, #tpu.memory_space<vmem>> -> memref<1x128x64xf32, #tpu.memory_space<vmem>>
      %dma_wait3A_476 = tpu.memref_squeeze %dma_wait3A_475 : memref<1x128x64xf32, #tpu.memory_space<vmem>> -> memref<128x64xf32, #tpu.memory_space<vmem>>
      %dma_wait3A_477 = tpu.memref_slice %arg5[%mul3A_471] : memref<25600xi32, #tpu.memory_space<vmem>> -> memref<128xi32, #tpu.memory_space<vmem>>
      %dma_wait3A_478 = arith.constant 0 : i32
      %dma_wait3A_479 = arith.constant 0 : i32
      %dma_wait3A_480 = tpu.memref_slice %arg3[%dma_wait3A_478, %dma_wait3A_479] : memref<100000x64xf32, #tpu.memory_space<hbm>> -> memref<100000x64xf32, #tpu.memory_space<hbm>>
      tpu.wait_indirect_dma semaphore(%arg11 : memref<!tpu.dma_semaphore, #tpu.memory_space<semaphore_mem>>) src(%dma_wait3A_480 : memref<100000x64xf32, #tpu.memory_space<hbm>>) dst(%dma_wait3A_476 : memref<128x64xf32, #tpu.memory_space<vmem>>)
      %parallel_loop3A_481 = arith.constant 0 : i32
      %parallel_loop3A_482 = arith.constant 64 : i32
      %parallel_loop3A_483 = arith.constant 1 : i32
      scf.for %parallel_loop3A_553 = %parallel_loop3A_481 to %parallel_loop3A_482 step %parallel_loop3A_483  : i32 {
        %parallel_loop3A_554 = vector.broadcast %parallel_loop3A_553 : i32 to vector<16xi32>
        %parallel_loop3A_555 = arith.addi %parallel_loop3A_554, %iota3A : vector<16xi32>
        %parallel_loop3A_556 = arith.constant 63 : i32
        %parallel_loop3A_557 = vector.broadcast %parallel_loop3A_556 : i32 to vector<16xi32>
        %parallel_loop3A_558 = arith.andi %parallel_loop3A_555, %parallel_loop3A_557 : vector<16xi32>
        %parallel_loop3A_559 = arith.constant 3 : i32
        %parallel_loop3A_560 = vector.broadcast %parallel_loop3A_559 : i32 to vector<16xi32>
        %parallel_loop3A_561 = arith.shrsi %parallel_loop3A_558, %parallel_loop3A_560 : vector<16xi32>
        %parallel_loop3A_562 = arith.constant 7 : i32
        %parallel_loop3A_563 = vector.broadcast %parallel_loop3A_562 : i32 to vector<16xi32>
        %parallel_loop3A_564 = arith.andi %parallel_loop3A_558, %parallel_loop3A_563 : vector<16xi32>
        %parallel_loop3A_565 = arith.constant 3 : i32
        %parallel_loop3A_566 = arith.constant 0 : i32
        %parallel_loop3A_567 = arith.constant 0 : i32
        %parallel_loop3A_568 = tpu.memref_slice %arg6[%parallel_loop3A_565, %parallel_loop3A_566, %parallel_loop3A_567] : memref<4x128x64xf32, #tpu.memory_space<vmem>> -> memref<1x128x64xf32, #tpu.memory_space<vmem>>
        %parallel_loop3A_569 = tpu.memref_squeeze %parallel_loop3A_568 : memref<1x128x64xf32, #tpu.memory_space<vmem>> -> memref<128x64xf32, #tpu.memory_space<vmem>>
        %parallel_loop3A_570 = tpu.vector_load_idx %parallel_loop3A_569[%add3A_5, %parallel_loop3A_558] : memref<128x64xf32, #tpu.memory_space<vmem>>[vector<16xi32>, vector<16xi32>], vector<16xf32>,
        %parallel_loop3A_571 = arith.constant 1 : i32
        %parallel_loop3A_572 = arith.constant 0 : i32
        %parallel_loop3A_573 = arith.constant 0 : i32
        %parallel_loop3A_574 = arith.constant 0 : i32
        %parallel_loop3A_575 = tpu.memref_slice %arg7[%parallel_loop3A_571, %parallel_loop3A_572, %parallel_loop3A_573, %parallel_loop3A_574] : memref<2x8x8x128xf32, #tpu.memory_space<vmem>> -> memref<1x8x8x128xf32, #tpu.memory_space<vmem>>
        %parallel_loop3A_576 = tpu.memref_squeeze %parallel_loop3A_575 : memref<1x8x8x128xf32, #tpu.memory_space<vmem>> -> memref<8x8x128xf32, #tpu.memory_space<vmem>>
        tpu.vector_store_idx %parallel_loop3A_576[%parallel_loop3A_561, %parallel_loop3A_564, %add3A_5], %parallel_loop3A_570 : memref<8x8x128xf32, #tpu.memory_space<vmem>>[vector<16xi32>, vector<16xi32>, vector<16xi32>], vector<16xf32>,
        %parallel_loop3A_577 = arith.constant 3 : i32
        %parallel_loop3A_578 = arith.constant 0 : i32
        %parallel_loop3A_579 = arith.constant 0 : i32
        %parallel_loop3A_580 = tpu.memref_slice %arg6[%parallel_loop3A_577, %parallel_loop3A_578, %parallel_loop3A_579] : memref<4x128x64xf32, #tpu.memory_space<vmem>> -> memref<1x128x64xf32, #tpu.memory_space<vmem>>
        %parallel_loop3A_581 = tpu.memref_squeeze %parallel_loop3A_580 : memref<1x128x64xf32, #tpu.memory_space<vmem>> -> memref<128x64xf32, #tpu.memory_space<vmem>>
        %parallel_loop3A_582 = tpu.vector_load_idx %parallel_loop3A_581[%add3A_8, %parallel_loop3A_558] : memref<128x64xf32, #tpu.memory_space<vmem>>[vector<16xi32>, vector<16xi32>], vector<16xf32>,
        %parallel_loop3A_583 = arith.constant 1 : i32
        %parallel_loop3A_584 = arith.constant 0 : i32
        %parallel_loop3A_585 = arith.constant 0 : i32
        %parallel_loop3A_586 = arith.constant 0 : i32
        %parallel_loop3A_587 = tpu.memref_slice %arg7[%parallel_loop3A_583, %parallel_loop3A_584, %parallel_loop3A_585, %parallel_loop3A_586] : memref<2x8x8x128xf32, #tpu.memory_space<vmem>> -> memref<1x8x8x128xf32, #tpu.memory_space<vmem>>
        %parallel_loop3A_588 = tpu.memref_squeeze %parallel_loop3A_587 : memref<1x8x8x128xf32, #tpu.memory_space<vmem>> -> memref<8x8x128xf32, #tpu.memory_space<vmem>>
        tpu.vector_store_idx %parallel_loop3A_588[%parallel_loop3A_561, %parallel_loop3A_564, %add3A_8], %parallel_loop3A_582 : memref<8x8x128xf32, #tpu.memory_space<vmem>>[vector<16xi32>, vector<16xi32>, vector<16xi32>], vector<16xf32>,
        %parallel_loop3A_589 = arith.constant 3 : i32
        %parallel_loop3A_590 = arith.constant 0 : i32
        %parallel_loop3A_591 = arith.constant 0 : i32
        %parallel_loop3A_592 = tpu.memref_slice %arg6[%parallel_loop3A_589, %parallel_loop3A_590, %parallel_loop3A_591] : memref<4x128x64xf32, #tpu.memory_space<vmem>> -> memref<1x128x64xf32, #tpu.memory_space<vmem>>
        %parallel_loop3A_593 = tpu.memref_squeeze %parallel_loop3A_592 : memref<1x128x64xf32, #tpu.memory_space<vmem>> -> memref<128x64xf32, #tpu.memory_space<vmem>>
        %parallel_loop3A_594 = tpu.vector_load_idx %parallel_loop3A_593[%add3A_11, %parallel_loop3A_558] : memref<128x64xf32, #tpu.memory_space<vmem>>[vector<16xi32>, vector<16xi32>], vector<16xf32>,
        %parallel_loop3A_595 = arith.constant 1 : i32
        %parallel_loop3A_596 = arith.constant 0 : i32
        %parallel_loop3A_597 = arith.constant 0 : i32
        %parallel_loop3A_598 = arith.constant 0 : i32
        %parallel_loop3A_599 = tpu.memref_slice %arg7[%parallel_loop3A_595, %parallel_loop3A_596, %parallel_loop3A_597, %parallel_loop3A_598] : memref<2x8x8x128xf32, #tpu.memory_space<vmem>> -> memref<1x8x8x128xf32, #tpu.memory_space<vmem>>
        %parallel_loop3A_600 = tpu.memref_squeeze %parallel_loop3A_599 : memref<1x8x8x128xf32, #tpu.memory_space<vmem>> -> memref<8x8x128xf32, #tpu.memory_space<vmem>>
        tpu.vector_store_idx %parallel_loop3A_600[%parallel_loop3A_561, %parallel_loop3A_564, %add3A_11], %parallel_loop3A_594 : memref<8x8x128xf32, #tpu.memory_space<vmem>>[vector<16xi32>, vector<16xi32>, vector<16xi32>], vector<16xf32>,
        %parallel_loop3A_601 = arith.constant 3 : i32
        %parallel_loop3A_602 = arith.constant 0 : i32
        %parallel_loop3A_603 = arith.constant 0 : i32
        %parallel_loop3A_604 = tpu.memref_slice %arg6[%parallel_loop3A_601, %parallel_loop3A_602, %parallel_loop3A_603] : memref<4x128x64xf32, #tpu.memory_space<vmem>> -> memref<1x128x64xf32, #tpu.memory_space<vmem>>
        %parallel_loop3A_605 = tpu.memref_squeeze %parallel_loop3A_604 : memref<1x128x64xf32, #tpu.memory_space<vmem>> -> memref<128x64xf32, #tpu.memory_space<vmem>>
        %parallel_loop3A_606 = tpu.vector_load_idx %parallel_loop3A_605[%add3A_14, %parallel_loop3A_558] : memref<128x64xf32, #tpu.memory_space<vmem>>[vector<16xi32>, vector<16xi32>], vector<16xf32>,
        %parallel_loop3A_607 = arith.constant 1 : i32
        %parallel_loop3A_608 = arith.constant 0 : i32
        %parallel_loop3A_609 = arith.constant 0 : i32
        %parallel_loop3A_610 = arith.constant 0 : i32
        %parallel_loop3A_611 = tpu.memref_slice %arg7[%parallel_loop3A_607, %parallel_loop3A_608, %parallel_loop3A_609, %parallel_loop3A_610] : memref<2x8x8x128xf32, #tpu.memory_space<vmem>> -> memref<1x8x8x128xf32, #tpu.memory_space<vmem>>
        %parallel_loop3A_612 = tpu.memref_squeeze %parallel_loop3A_611 : memref<1x8x8x128xf32, #tpu.memory_space<vmem>> -> memref<8x8x128xf32, #tpu.memory_space<vmem>>
        tpu.vector_store_idx %parallel_loop3A_612[%parallel_loop3A_561, %parallel_loop3A_564, %add3A_14], %parallel_loop3A_606 : memref<8x8x128xf32, #tpu.memory_space<vmem>>[vector<16xi32>, vector<16xi32>, vector<16xi32>], vector<16xf32>,
        %parallel_loop3A_613 = arith.constant 3 : i32
        %parallel_loop3A_614 = arith.constant 0 : i32
        %parallel_loop3A_615 = arith.constant 0 : i32
        %parallel_loop3A_616 = tpu.memref_slice %arg6[%parallel_loop3A_613, %parallel_loop3A_614, %parallel_loop3A_615] : memref<4x128x64xf32, #tpu.memory_space<vmem>> -> memref<1x128x64xf32, #tpu.memory_space<vmem>>
        %parallel_loop3A_617 = tpu.memref_squeeze %parallel_loop3A_616 : memref<1x128x64xf32, #tpu.memory_space<vmem>> -> memref<128x64xf32, #tpu.memory_space<vmem>>
        %parallel_loop3A_618 = tpu.vector_load_idx %parallel_loop3A_617[%add3A_17, %parallel_loop3A_558] : memref<128x64xf32, #tpu.memory_space<vmem>>[vector<16xi32>, vector<16xi32>], vector<16xf32>,
        %parallel_loop3A_619 = arith.constant 1 : i32
        %parallel_loop3A_620 = arith.constant 0 : i32
        %parallel_loop3A_621 = arith.constant 0 : i32
        %parallel_loop3A_622 = arith.constant 0 : i32
        %parallel_loop3A_623 = tpu.memref_slice %arg7[%parallel_loop3A_619, %parallel_loop3A_620, %parallel_loop3A_621, %parallel_loop3A_622] : memref<2x8x8x128xf32, #tpu.memory_space<vmem>> -> memref<1x8x8x128xf32, #tpu.memory_space<vmem>>
        %parallel_loop3A_624 = tpu.memref_squeeze %parallel_loop3A_623 : memref<1x8x8x128xf32, #tpu.memory_space<vmem>> -> memref<8x8x128xf32, #tpu.memory_space<vmem>>
        tpu.vector_store_idx %parallel_loop3A_624[%parallel_loop3A_561, %parallel_loop3A_564, %add3A_17], %parallel_loop3A_618 : memref<8x8x128xf32, #tpu.memory_space<vmem>>[vector<16xi32>, vector<16xi32>, vector<16xi32>], vector<16xf32>,
        %parallel_loop3A_625 = arith.constant 3 : i32
        %parallel_loop3A_626 = arith.constant 0 : i32
        %parallel_loop3A_627 = arith.constant 0 : i32
        %parallel_loop3A_628 = tpu.memref_slice %arg6[%parallel_loop3A_625, %parallel_loop3A_626, %parallel_loop3A_627] : memref<4x128x64xf32, #tpu.memory_space<vmem>> -> memref<1x128x64xf32, #tpu.memory_space<vmem>>
        %parallel_loop3A_629 = tpu.memref_squeeze %parallel_loop3A_628 : memref<1x128x64xf32, #tpu.memory_space<vmem>> -> memref<128x64xf32, #tpu.memory_space<vmem>>
        %parallel_loop3A_630 = tpu.vector_load_idx %parallel_loop3A_629[%add3A_20, %parallel_loop3A_558] : memref<128x64xf32, #tpu.memory_space<vmem>>[vector<16xi32>, vector<16xi32>], vector<16xf32>,
        %parallel_loop3A_631 = arith.constant 1 : i32
        %parallel_loop3A_632 = arith.constant 0 : i32
        %parallel_loop3A_633 = arith.constant 0 : i32
        %parallel_loop3A_634 = arith.constant 0 : i32
        %parallel_loop3A_635 = tpu.memref_slice %arg7[%parallel_loop3A_631, %parallel_loop3A_632, %parallel_loop3A_633, %parallel_loop3A_634] : memref<2x8x8x128xf32, #tpu.memory_space<vmem>> -> memref<1x8x8x128xf32, #tpu.memory_space<vmem>>
        %parallel_loop3A_636 = tpu.memref_squeeze %parallel_loop3A_635 : memref<1x8x8x128xf32, #tpu.memory_space<vmem>> -> memref<8x8x128xf32, #tpu.memory_space<vmem>>
        tpu.vector_store_idx %parallel_loop3A_636[%parallel_loop3A_561, %parallel_loop3A_564, %add3A_20], %parallel_loop3A_630 : memref<8x8x128xf32, #tpu.memory_space<vmem>>[vector<16xi32>, vector<16xi32>, vector<16xi32>], vector<16xf32>,
        %parallel_loop3A_637 = arith.constant 3 : i32
        %parallel_loop3A_638 = arith.constant 0 : i32
        %parallel_loop3A_639 = arith.constant 0 : i32
        %parallel_loop3A_640 = tpu.memref_slice %arg6[%parallel_loop3A_637, %parallel_loop3A_638, %parallel_loop3A_639] : memref<4x128x64xf32, #tpu.memory_space<vmem>> -> memref<1x128x64xf32, #tpu.memory_space<vmem>>
        %parallel_loop3A_641 = tpu.memref_squeeze %parallel_loop3A_640 : memref<1x128x64xf32, #tpu.memory_space<vmem>> -> memref<128x64xf32, #tpu.memory_space<vmem>>
        %parallel_loop3A_642 = tpu.vector_load_idx %parallel_loop3A_641[%add3A_23, %parallel_loop3A_558] : memref<128x64xf32, #tpu.memory_space<vmem>>[vector<16xi32>, vector<16xi32>], vector<16xf32>,
        %parallel_loop3A_643 = arith.constant 1 : i32
        %parallel_loop3A_644 = arith.constant 0 : i32
        %parallel_loop3A_645 = arith.constant 0 : i32
        %parallel_loop3A_646 = arith.constant 0 : i32
        %parallel_loop3A_647 = tpu.memref_slice %arg7[%parallel_loop3A_643, %parallel_loop3A_644, %parallel_loop3A_645, %parallel_loop3A_646] : memref<2x8x8x128xf32, #tpu.memory_space<vmem>> -> memref<1x8x8x128xf32, #tpu.memory_space<vmem>>
        %parallel_loop3A_648 = tpu.memref_squeeze %parallel_loop3A_647 : memref<1x8x8x128xf32, #tpu.memory_space<vmem>> -> memref<8x8x128xf32, #tpu.memory_space<vmem>>
        tpu.vector_store_idx %parallel_loop3A_648[%parallel_loop3A_561, %parallel_loop3A_564, %add3A_23], %parallel_loop3A_642 : memref<8x8x128xf32, #tpu.memory_space<vmem>>[vector<16xi32>, vector<16xi32>, vector<16xi32>], vector<16xf32>,
        %parallel_loop3A_649 = arith.constant 3 : i32
        %parallel_loop3A_650 = arith.constant 0 : i32
        %parallel_loop3A_651 = arith.constant 0 : i32
        %parallel_loop3A_652 = tpu.memref_slice %arg6[%parallel_loop3A_649, %parallel_loop3A_650, %parallel_loop3A_651] : memref<4x128x64xf32, #tpu.memory_space<vmem>> -> memref<1x128x64xf32, #tpu.memory_space<vmem>>
        %parallel_loop3A_653 = tpu.memref_squeeze %parallel_loop3A_652 : memref<1x128x64xf32, #tpu.memory_space<vmem>> -> memref<128x64xf32, #tpu.memory_space<vmem>>
        %parallel_loop3A_654 = tpu.vector_load_idx %parallel_loop3A_653[%add3A_26, %parallel_loop3A_558] : memref<128x64xf32, #tpu.memory_space<vmem>>[vector<16xi32>, vector<16xi32>], vector<16xf32>,
        %parallel_loop3A_655 = arith.constant 1 : i32
        %parallel_loop3A_656 = arith.constant 0 : i32
        %parallel_loop3A_657 = arith.constant 0 : i32
        %parallel_loop3A_658 = arith.constant 0 : i32
        %parallel_loop3A_659 = tpu.memref_slice %arg7[%parallel_loop3A_655, %parallel_loop3A_656, %parallel_loop3A_657, %parallel_loop3A_658] : memref<2x8x8x128xf32, #tpu.memory_space<vmem>> -> memref<1x8x8x128xf32, #tpu.memory_space<vmem>>
        %parallel_loop3A_660 = tpu.memref_squeeze %parallel_loop3A_659 : memref<1x8x8x128xf32, #tpu.memory_space<vmem>> -> memref<8x8x128xf32, #tpu.memory_space<vmem>>
        tpu.vector_store_idx %parallel_loop3A_660[%parallel_loop3A_561, %parallel_loop3A_564, %add3A_26], %parallel_loop3A_654 : memref<8x8x128xf32, #tpu.memory_space<vmem>>[vector<16xi32>, vector<16xi32>, vector<16xi32>], vector<16xf32>,
      } {sc.loop_unroll_factor = 4 : i64, sc.parallel_access}
      %add3A_484 = arith.addi %mul3A_2, %add3A_464 : i32
      %jit3A_485 = arith.constant 32 : i32
      %div3A_486 = arith.divsi %add3A_484, %jit3A_485 : i32
      %sign3A_487 = arith.constant 0 : i32
      %sign3A_488 = arith.cmpi sgt, %add3A_484, %sign3A_487 : i32
      %sign3A_489 = arith.extui %sign3A_488 : i1 to i32
      %sign3A_490 = arith.constant 0 : i32
      %sign3A_491 = arith.cmpi slt, %add3A_484, %sign3A_490 : i32
      %sign3A_492 = arith.extui %sign3A_491 : i1 to i32
      %sign3A_493 = arith.subi %sign3A_489, %sign3A_492 : i32
      %sign3A_494 = arith.constant 0 : i32
      %sign3A_495 = arith.cmpi sgt, %jit3A_485, %sign3A_494 : i32
      %sign3A_496 = arith.extui %sign3A_495 : i1 to i32
      %sign3A_497 = arith.constant 0 : i32
      %sign3A_498 = arith.cmpi slt, %jit3A_485, %sign3A_497 : i32
      %sign3A_499 = arith.extui %sign3A_498 : i1 to i32
      %sign3A_500 = arith.subi %sign3A_496, %sign3A_499 : i32
      %ne3A_501 = arith.cmpi ne, %sign3A_493, %sign3A_500 : i32
      %rem3A_502 = arith.remsi %add3A_484, %jit3A_485 : i32
      %ne3A_503 = arith.constant 0 : i32
      %ne3A_504 = arith.cmpi ne, %rem3A_502, %ne3A_503 : i32
      %and3A_505 = arith.andi %ne3A_501, %ne3A_504 : i1
      %sub3A_506 = arith.constant 1 : i32
      %sub3A_507 = arith.subi %div3A_486, %sub3A_506 : i32
      %select_n3A_508 = arith.select %and3A_505, %sub3A_507, %div3A_486 : i32
      %jit3A_509 = arith.constant 32 : i32
      %eq3A_510 = arith.constant 0 : i32
      %eq3A_511 = arith.cmpi eq, %jit3A_509, %eq3A_510 : i32
      %jit3A_512 = arith.constant 1 : i32
      %select_n3A_513 = arith.select %eq3A_511, %jit3A_512, %jit3A_509 : i32
      %rem3A_514 = arith.remsi %add3A_484, %select_n3A_513 : i32
      %ne3A_515 = arith.constant 0 : i32
      %ne3A_516 = arith.cmpi ne, %rem3A_514, %ne3A_515 : i32
      %lt3A_517 = arith.constant 0 : i32
      %lt3A_518 = arith.cmpi slt, %rem3A_514, %lt3A_517 : i32
      %lt3A_519 = arith.constant 0 : i32
      %lt3A_520 = arith.cmpi slt, %select_n3A_513, %lt3A_519 : i32
      %ne3A_521 = arith.xori %lt3A_518, %lt3A_520 : i1
      %and3A_522 = arith.andi %ne3A_521, %ne3A_516 : i1
      %add3A_523 = arith.addi %rem3A_514, %select_n3A_513 : i32
      %select_n3A_524 = arith.select %and3A_522, %add3A_523, %rem3A_514 : i32
      %dma_start3A_525 = arith.constant 1 : i32
      %dma_start3A_526 = arith.constant 0 : i32
      %dma_start3A_527 = arith.constant 0 : i32
      %dma_start3A_528 = arith.constant 0 : i32
      %dma_start3A_529 = tpu.memref_slice %arg7[%dma_start3A_525, %dma_start3A_526, %dma_start3A_527, %dma_start3A_528] : memref<2x8x8x128xf32, #tpu.memory_space<vmem>> -> memref<1x8x8x128xf32, #tpu.memory_space<vmem>>
      %dma_start3A_530 = tpu.memref_squeeze %dma_start3A_529 : memref<1x8x8x128xf32, #tpu.memory_space<vmem>> -> memref<8x8x128xf32, #tpu.memory_space<vmem>>
      %dma_start3A_531 = arith.constant 0 : i32
      %dma_start3A_532 = arith.constant 0 : i32
      %dma_start3A_533 = arith.constant 0 : i32
      %dma_start3A_534 = tpu.memref_slice %arg4[%select_n3A_508, %dma_start3A_531, %select_n3A_524, %dma_start3A_532, %dma_start3A_533] : memref<200x8x32x8x128xf32, #tpu.memory_space<hbm>> -> memref<1x8x1x8x128xf32, #tpu.memory_space<hbm>>
      %dma_start3A_535 = tpu.memref_squeeze %dma_start3A_534 : memref<1x8x1x8x128xf32, #tpu.memory_space<hbm>> -> memref<8x8x128xf32, #tpu.memory_space<hbm>>
      %dma_start3A_536 = arith.constant 0 : i32
      %dma_start3A_537 = arith.constant 0 : i32
      %dma_start3A_538 = arith.constant 0 : i32
      %dma_start3A_539 = tpu.memref_slice %arg4[%select_n3A_508, %dma_start3A_536, %select_n3A_524, %dma_start3A_537, %dma_start3A_538] : memref<200x8x32x8x128xf32, #tpu.memory_space<hbm>> -> memref<1x8x1x8x128xf32, #tpu.memory_space<hbm>>
      %dma_start3A_540 = tpu.memref_squeeze %dma_start3A_539 : memref<1x8x1x8x128xf32, #tpu.memory_space<hbm>> -> memref<8x8x128xf32, #tpu.memory_space<hbm>>
      %dma_start3A_541 = arith.constant 0 : i32
      %dma_start3A_542 = arith.constant 0 : i32
      %dma_start3A_543 = arith.constant 0 : i32
      %dma_start3A_544 = tpu.memref_slice %arg7[%dma_start3A_525, %dma_start3A_541, %dma_start3A_542, %dma_start3A_543] : memref<2x8x8x128xf32, #tpu.memory_space<vmem>> -> memref<1x8x8x128xf32, #tpu.memory_space<vmem>>
      %dma_start3A_545 = tpu.memref_squeeze %dma_start3A_544 : memref<1x8x8x128xf32, #tpu.memory_space<vmem>> -> memref<8x8x128xf32, #tpu.memory_space<vmem>>
      tpu.enqueue_dma source(%dma_start3A_545 : memref<8x8x128xf32, #tpu.memory_space<vmem>>) target(%dma_start3A_540 : memref<8x8x128xf32, #tpu.memory_space<hbm>>) target_semaphore(%arg13 : memref<!tpu.dma_semaphore, #tpu.memory_space<semaphore_mem>>)
      %add3A_546 = arith.constant 4 : i32
      %add3A_547 = arith.addi %add3A_464, %add3A_546 : i32
      %lt3A_548 = arith.constant 200 : i32
      %lt3A_549 = arith.cmpi slt, %add3A_547, %lt3A_548 : i32
      %convert_element_type3A_550 = arith.extui %lt3A_549 : i1 to i32
      %cond3A_551 = arith.constant 0 : i32
      %cond3A_552 = arith.cmpi ne, %convert_element_type3A_550, %cond3A_551 : i32
      scf.if %cond3A_552 {
        %add3A_553 = arith.constant 4 : i32
        %add3A_554 = arith.addi %add3A_464, %add3A_553 : i32
        %mul3A_555 = arith.constant 128 : i32
        %mul3A_556 = arith.muli %add3A_554, %mul3A_555 : i32
        %dma_start3A_557 = arith.constant 3 : i32
        %dma_start3A_558 = arith.constant 0 : i32
        %dma_start3A_559 = arith.constant 0 : i32
        %dma_start3A_560 = tpu.memref_slice %arg6[%dma_start3A_557, %dma_start3A_558, %dma_start3A_559] : memref<4x128x64xf32, #tpu.memory_space<vmem>> -> memref<1x128x64xf32, #tpu.memory_space<vmem>>
        %dma_start3A_561 = tpu.memref_squeeze %dma_start3A_560 : memref<1x128x64xf32, #tpu.memory_space<vmem>> -> memref<128x64xf32, #tpu.memory_space<vmem>>
        %dma_start3A_562 = tpu.memref_slice %arg5[%mul3A_556] : memref<25600xi32, #tpu.memory_space<vmem>> -> memref<128xi32, #tpu.memory_space<vmem>>
        %dma_start3A_563 = arith.constant 0 : i32
        %dma_start3A_564 = arith.constant 0 : i32
        %dma_start3A_565 = tpu.memref_slice %arg3[%dma_start3A_563, %dma_start3A_564] : memref<100000x64xf32, #tpu.memory_space<hbm>> -> memref<100000x64xf32, #tpu.memory_space<hbm>>
        tpu.enqueue_indirect_dma source(%dma_start3A_565 : memref<100000x64xf32, #tpu.memory_space<hbm>>) target(%dma_start3A_561 : memref<128x64xf32, #tpu.memory_space<vmem>>) offsets(%dma_start3A_562 : memref<128xi32, #tpu.memory_space<vmem>>) semaphore(%arg11 : memref<!tpu.dma_semaphore, #tpu.memory_space<semaphore_mem>>)
      } else {
      }
    }
    %scan3A_72 = arith.constant 50 : i32
    %add3A_73 = arith.constant 198 : i32
    %add3A_74 = arith.addi %mul3A_2, %add3A_73 : i32
    %jit3A = arith.constant 32 : i32
    %div3A = arith.divsi %add3A_74, %jit3A : i32
    %sign3A = arith.constant 0 : i32
    %sign3A_75 = arith.cmpi sgt, %add3A_74, %sign3A : i32
    %sign3A_76 = arith.extui %sign3A_75 : i1 to i32
    %sign3A_77 = arith.constant 0 : i32
    %sign3A_78 = arith.cmpi slt, %add3A_74, %sign3A_77 : i32
    %sign3A_79 = arith.extui %sign3A_78 : i1 to i32
    %sign3A_80 = arith.subi %sign3A_76, %sign3A_79 : i32
    %sign3A_81 = arith.constant 0 : i32
    %sign3A_82 = arith.cmpi sgt, %jit3A, %sign3A_81 : i32
    %sign3A_83 = arith.extui %sign3A_82 : i1 to i32
    %sign3A_84 = arith.constant 0 : i32
    %sign3A_85 = arith.cmpi slt, %jit3A, %sign3A_84 : i32
    %sign3A_86 = arith.extui %sign3A_85 : i1 to i32
    %sign3A_87 = arith.subi %sign3A_83, %sign3A_86 : i32
    %ne3A = arith.cmpi ne, %sign3A_80, %sign3A_87 : i32
    %rem3A = arith.remsi %add3A_74, %jit3A : i32
    %ne3A_88 = arith.constant 0 : i32
    %ne3A_89 = arith.cmpi ne, %rem3A, %ne3A_88 : i32
    %and3A = arith.andi %ne3A, %ne3A_89 : i1
    %sub3A = arith.constant 1 : i32
    %sub3A_90 = arith.subi %div3A, %sub3A : i32
    %select_n3A = arith.select %and3A, %sub3A_90, %div3A : i32
    %jit3A_91 = arith.constant 32 : i32
    %eq3A = arith.constant 0 : i32
    %eq3A_92 = arith.cmpi eq, %jit3A_91, %eq3A : i32
    %jit3A_93 = arith.constant 1 : i32
    %select_n3A_94 = arith.select %eq3A_92, %jit3A_93, %jit3A_91 : i32
    %rem3A_95 = arith.remsi %add3A_74, %select_n3A_94 : i32
    %ne3A_96 = arith.constant 0 : i32
    %ne3A_97 = arith.cmpi ne, %rem3A_95, %ne3A_96 : i32
    %lt3A = arith.constant 0 : i32
    %lt3A_98 = arith.cmpi slt, %rem3A_95, %lt3A : i32
    %lt3A_99 = arith.constant 0 : i32
    %lt3A_100 = arith.cmpi slt, %select_n3A_94, %lt3A_99 : i32
    %ne3A_101 = arith.xori %lt3A_98, %lt3A_100 : i1
    %and3A_102 = arith.andi %ne3A_101, %ne3A_97 : i1
    %add3A_103 = arith.addi %rem3A_95, %select_n3A_94 : i32
    %select_n3A_104 = arith.select %and3A_102, %add3A_103, %rem3A_95 : i32
    %dma_wait3A = arith.constant 0 : i32
    %dma_wait3A_105 = arith.constant 0 : i32
    %dma_wait3A_106 = arith.constant 0 : i32
    %dma_wait3A_107 = arith.constant 0 : i32
    %dma_wait3A_108 = tpu.memref_slice %arg7[%dma_wait3A, %dma_wait3A_105, %dma_wait3A_106, %dma_wait3A_107] : memref<2x8x8x128xf32, #tpu.memory_space<vmem>> -> memref<1x8x8x128xf32, #tpu.memory_space<vmem>>
    %dma_wait3A_109 = tpu.memref_squeeze %dma_wait3A_108 : memref<1x8x8x128xf32, #tpu.memory_space<vmem>> -> memref<8x8x128xf32, #tpu.memory_space<vmem>>
    %dma_wait3A_110 = arith.constant 0 : i32
    %dma_wait3A_111 = arith.constant 0 : i32
    %dma_wait3A_112 = arith.constant 0 : i32
    %dma_wait3A_113 = tpu.memref_slice %arg4[%select_n3A, %dma_wait3A_110, %select_n3A_104, %dma_wait3A_111, %dma_wait3A_112] : memref<200x8x32x8x128xf32, #tpu.memory_space<hbm>> -> memref<1x8x1x8x128xf32, #tpu.memory_space<hbm>>
    %dma_wait3A_114 = tpu.memref_squeeze %dma_wait3A_113 : memref<1x8x1x8x128xf32, #tpu.memory_space<hbm>> -> memref<8x8x128xf32, #tpu.memory_space<hbm>>
    %dma_wait3A_115 = arith.constant 0 : i32
    %dma_wait3A_116 = arith.constant 0 : i32
    %dma_wait3A_117 = arith.constant 0 : i32
    %dma_wait3A_118 = tpu.memref_slice %arg4[%select_n3A, %dma_wait3A_115, %select_n3A_104, %dma_wait3A_116, %dma_wait3A_117] : memref<200x8x32x8x128xf32, #tpu.memory_space<hbm>> -> memref<1x8x1x8x128xf32, #tpu.memory_space<hbm>>
    %dma_wait3A_119 = tpu.memref_squeeze %dma_wait3A_118 : memref<1x8x1x8x128xf32, #tpu.memory_space<hbm>> -> memref<8x8x128xf32, #tpu.memory_space<hbm>>
    %dma_wait3A_120 = arith.constant 0 : i32
    %dma_wait3A_121 = arith.constant 0 : i32
    %dma_wait3A_122 = arith.constant 0 : i32
    %dma_wait3A_123 = tpu.memref_slice %arg7[%dma_wait3A, %dma_wait3A_120, %dma_wait3A_121, %dma_wait3A_122] : memref<2x8x8x128xf32, #tpu.memory_space<vmem>> -> memref<1x8x8x128xf32, #tpu.memory_space<vmem>>
    %dma_wait3A_124 = tpu.memref_squeeze %dma_wait3A_123 : memref<1x8x8x128xf32, #tpu.memory_space<vmem>> -> memref<8x8x128xf32, #tpu.memory_space<vmem>>
    tpu.wait_dma2 semaphore(%arg12 : memref<!tpu.dma_semaphore, #tpu.memory_space<semaphore_mem>>) src(%dma_wait3A_124 : memref<8x8x128xf32, #tpu.memory_space<vmem>>) dst(%dma_wait3A_119 : memref<8x8x128xf32, #tpu.memory_space<hbm>>)
    %add3A_125 = arith.constant 199 : i32
    %add3A_126 = arith.addi %mul3A_2, %add3A_125 : i32
    %jit3A_127 = arith.constant 32 : i32
    %div3A_128 = arith.divsi %add3A_126, %jit3A_127 : i32
    %sign3A_129 = arith.constant 0 : i32
    %sign3A_130 = arith.cmpi sgt, %add3A_126, %sign3A_129 : i32
    %sign3A_131 = arith.extui %sign3A_130 : i1 to i32
    %sign3A_132 = arith.constant 0 : i32
    %sign3A_133 = arith.cmpi slt, %add3A_126, %sign3A_132 : i32
    %sign3A_134 = arith.extui %sign3A_133 : i1 to i32
    %sign3A_135 = arith.subi %sign3A_131, %sign3A_134 : i32
    %sign3A_136 = arith.constant 0 : i32
    %sign3A_137 = arith.cmpi sgt, %jit3A_127, %sign3A_136 : i32
    %sign3A_138 = arith.extui %sign3A_137 : i1 to i32
    %sign3A_139 = arith.constant 0 : i32
    %sign3A_140 = arith.cmpi slt, %jit3A_127, %sign3A_139 : i32
    %sign3A_141 = arith.extui %sign3A_140 : i1 to i32
    %sign3A_142 = arith.subi %sign3A_138, %sign3A_141 : i32
    %ne3A_143 = arith.cmpi ne, %sign3A_135, %sign3A_142 : i32
    %rem3A_144 = arith.remsi %add3A_126, %jit3A_127 : i32
    %ne3A_145 = arith.constant 0 : i32
    %ne3A_146 = arith.cmpi ne, %rem3A_144, %ne3A_145 : i32
    %and3A_147 = arith.andi %ne3A_143, %ne3A_146 : i1
    %sub3A_148 = arith.constant 1 : i32
    %sub3A_149 = arith.subi %div3A_128, %sub3A_148 : i32
    %select_n3A_150 = arith.select %and3A_147, %sub3A_149, %div3A_128 : i32
    %jit3A_151 = arith.constant 32 : i32
    %eq3A_152 = arith.constant 0 : i32
    %eq3A_153 = arith.cmpi eq, %jit3A_151, %eq3A_152 : i32
    %jit3A_154 = arith.constant 1 : i32
    %select_n3A_155 = arith.select %eq3A_153, %jit3A_154, %jit3A_151 : i32
    %rem3A_156 = arith.remsi %add3A_126, %select_n3A_155 : i32
    %ne3A_157 = arith.constant 0 : i32
    %ne3A_158 = arith.cmpi ne, %rem3A_156, %ne3A_157 : i32
    %lt3A_159 = arith.constant 0 : i32
    %lt3A_160 = arith.cmpi slt, %rem3A_156, %lt3A_159 : i32
    %lt3A_161 = arith.constant 0 : i32
    %lt3A_162 = arith.cmpi slt, %select_n3A_155, %lt3A_161 : i32
    %ne3A_163 = arith.xori %lt3A_160, %lt3A_162 : i1
    %and3A_164 = arith.andi %ne3A_163, %ne3A_158 : i1
    %add3A_165 = arith.addi %rem3A_156, %select_n3A_155 : i32
    %select_n3A_166 = arith.select %and3A_164, %add3A_165, %rem3A_156 : i32
    %dma_wait3A_167 = arith.constant 1 : i32
    %dma_wait3A_168 = arith.constant 0 : i32
    %dma_wait3A_169 = arith.constant 0 : i32
    %dma_wait3A_170 = arith.constant 0 : i32
    %dma_wait3A_171 = tpu.memref_slice %arg7[%dma_wait3A_167, %dma_wait3A_168, %dma_wait3A_169, %dma_wait3A_170] : memref<2x8x8x128xf32, #tpu.memory_space<vmem>> -> memref<1x8x8x128xf32, #tpu.memory_space<vmem>>
    %dma_wait3A_172 = tpu.memref_squeeze %dma_wait3A_171 : memref<1x8x8x128xf32, #tpu.memory_space<vmem>> -> memref<8x8x128xf32, #tpu.memory_space<vmem>>
    %dma_wait3A_173 = arith.constant 0 : i32
    %dma_wait3A_174 = arith.constant 0 : i32
    %dma_wait3A_175 = arith.constant 0 : i32
    %dma_wait3A_176 = tpu.memref_slice %arg4[%select_n3A_150, %dma_wait3A_173, %select_n3A_166, %dma_wait3A_174, %dma_wait3A_175] : memref<200x8x32x8x128xf32, #tpu.memory_space<hbm>> -> memref<1x8x1x8x128xf32, #tpu.memory_space<hbm>>
    %dma_wait3A_177 = tpu.memref_squeeze %dma_wait3A_176 : memref<1x8x1x8x128xf32, #tpu.memory_space<hbm>> -> memref<8x8x128xf32, #tpu.memory_space<hbm>>
    %dma_wait3A_178 = arith.constant 0 : i32
    %dma_wait3A_179 = arith.constant 0 : i32
    %dma_wait3A_180 = arith.constant 0 : i32
    %dma_wait3A_181 = tpu.memref_slice %arg4[%select_n3A_150, %dma_wait3A_178, %select_n3A_166, %dma_wait3A_179, %dma_wait3A_180] : memref<200x8x32x8x128xf32, #tpu.memory_space<hbm>> -> memref<1x8x1x8x128xf32, #tpu.memory_space<hbm>>
    %dma_wait3A_182 = tpu.memref_squeeze %dma_wait3A_181 : memref<1x8x1x8x128xf32, #tpu.memory_space<hbm>> -> memref<8x8x128xf32, #tpu.memory_space<hbm>>
    %dma_wait3A_183 = arith.constant 0 : i32
    %dma_wait3A_184 = arith.constant 0 : i32
    %dma_wait3A_185 = arith.constant 0 : i32
    %dma_wait3A_186 = tpu.memref_slice %arg7[%dma_wait3A_167, %dma_wait3A_183, %dma_wait3A_184, %dma_wait3A_185] : memref<2x8x8x128xf32, #tpu.memory_space<vmem>> -> memref<1x8x8x128xf32, #tpu.memory_space<vmem>>
    %dma_wait3A_187 = tpu.memref_squeeze %dma_wait3A_186 : memref<1x8x8x128xf32, #tpu.memory_space<vmem>> -> memref<8x8x128xf32, #tpu.memory_space<vmem>>
    tpu.wait_dma2 semaphore(%arg13 : memref<!tpu.dma_semaphore, #tpu.memory_space<semaphore_mem>>) src(%dma_wait3A_187 : memref<8x8x128xf32, #tpu.memory_space<vmem>>) dst(%dma_wait3A_182 : memref<8x8x128xf32, #tpu.memory_space<hbm>>)
    return
  }
}

</mosaic_0001>

<sc_bundles>
// kernel: _sc_gather.3.cloned.1.call-start
scs
__scs_entry_jumppad:
0x0: {  	(pc) =	sbr.rel $0x88, $3  }
0x1: {  	(tag) =	ssettag $0x0;
	lr =	simm.s32 $0x1  }
0x2: {  	[smem:$0x3F9F] =	sst lr;
	_ =	strace $0xD0000000  }
0x3: {  	_ = 	snop  }
0x4: {  	_ = 	snop  }
0x5: {  	_ = 	snop  }
0x6: {  	_ = 	snop  }
0x7: {  	_ = 	snop  }
__scs_overlays_trampoline_lowered:
0x8: {  	[smem:$0x3FAE] =	sst s0  }
0x9: {  	[smem:$0x3FAF] =	sst s1  }
0xa: {  	[smem:$0x3FB0] =	sst s2  }
0xb: {  	[smem:$0x3FB1] =	sst s3  }
0xc: {  	[smem:$0x3FB2] =	sst s4  }
0xd: {  	[smem:$0x3FB3] =	sst s5  }
0xe: {  	[smem:$0x3FB4] =	sst s6  }
0xf: {  	[smem:$0x3FB5] =	sst s7  }
0x10: {  	[smem:$0x3FB6] =	sst s8  }
0x11: {  	[smem:$0x3FB7] =	sst s9;
	s0 =	simm.s32 @!p0 $0x0  }
0x12: {  	s1 =	sld [smem:$0x3F9D];
	s0 =	simm.s32 @p0 $0x1  }
0x13: {  	[smem:$0x3FB8] =	sst s0;
	s0 =	simm.s32 @!p1 $0x0  }
0x14: {  	s2 =	sld [smem:$0x3F9C];
	s0 =	simm.s32 @p1 $0x1  }
0x15: {  	[smem:$0x3FB9] =	sst s0;
	s0 =	simm.s32 @!p2 $0x0  }
0x16: {  	s3 =	sld [smem:$0x3FDB];
	s0 =	simm.s32 @p2 $0x1  }
0x17: {  	s4 =	simm.s32 $0x1BF5;
	[smem:$0x3FBB] =	sst s0  }
0x18: {  	s0 =	sld [smem:$0x3F9E];
	_ =	swait.ge [sflag:s4], $0x0  }
0x19: {  	s7 =	sld [smem:$0x3F9F]  }
0x1a: {  	s8 =	sadd.s32 $0xFFFFE003, lr  }
0x1b: {  	s9 =	sadd.s32 $0xFFFFFEF7, lr;
	s5 =	simm.s32 $0xFFFFFFFF;
	p2 =	slt.u32 s8, $0xFFFFF086  }
0x1c: {  	p1 =	slt.u32 s9, $0xF7A;
	s5 =	simm.s32 @!p2 $0x0  }
0x1d: {  	s5 =	simm.s32 @p1 $0x1;
	p0 =	seq.s32 s7, s2  }
0x1e: {  	s7 =	smul.u32 @!p0 $0xF7A, s2;
	p2 =	seq.s32 @!p0 s5, $0x0  }
0x1f: {  	s9 =	smul.u32 $0xF7A, s1;
	s8 =	simm.s32 @!p0 $0x1BF5;
	p2 =	por !p2, p0  }
0x20: {  	[sflag:s8] =	ssyncset.s32 @!p0 $0xFFFFF086;
	s6 =	sadd.s32 @!p0 s3, s7;
	s7 =	simm.s32 @!p0 $0x108  }
0x21: {  	s3 =	sadd.s32 s3, s9;
	s6 =	sadd.s32 @!p0 $0x88, s6;
	s7 =	simm.s32 @p2 $0x1082  }
0x22: {  	[simem:s7], [sflag:s8] =	dma.local @!p0 [hbm:s6], $0xF7A  }
0x23: {  	s9 =	sor.u32 $0xD0000000, s2;
	s6 =	simm.s32 $0x108;
	_ =	swait.ge @!p0 [sflag:s8], $0x0  }
0x24: {  	s3 =	sadd.s32 $0x88, s3;
	s6 =	simm.s32 @!p1 $0x1082;
	[sflag:s4] =	ssyncset.s32 $0xFFFFF086  }
0x25: {  	[simem:s6], [sflag:s4] =	dma.local [hbm:s3], $0xF7A  }
0x26: {  	[smem:$0x3F9F] =	sst s1;
	(tag) =	ssettag s2;
	_ =	strace s9  }
0x27: {  	s1 =	sld [smem:$0x3FAF]  }
0x28: {  	s2 =	sld [smem:$0x3FB0]  }
0x29: {  	s4 =	sld [smem:$0x3FB2]  }
0x2a: {  	p0 =	seq.s32 s5, $0x0;
	s5 =	sld [smem:$0x3FB3]  }
0x2b: {  	s6 =	sld [smem:$0x3FB4]  }
0x2c: {  	s7 =	sld [smem:$0x3FB5]  }
0x2d: {  	s3 =	simm.s32 $0x108;
	s8 =	sld [smem:$0x3FB6]  }
0x2e: {  	s3 =	simm.s32 @!p0 $0x1082;
	s9 =	sld [smem:$0x3FB7]  }
0x2f: {  	lr =	sadd.s32 s0, s3;
	s0 =	sld [smem:$0x3FAE]  }
0x30: {  	s3 =	sld [smem:$0x3FB1]  }
0x31: {  	[smem:$0x3FBA] =	sst s10  }
0x32: {  	s10 =	sld [smem:$0x3FB8];
	_ =	sdelay $0x3  }
0x33: {  	p0 =	seq.s32 s10, $0x1;
	s10 =	sld [smem:$0x3FBA];
	_ =	sdelay $0x3  }
0x34: {  	[smem:$0x3FBA] =	sst s10  }
0x35: {  	s10 =	sld [smem:$0x3FB9];
	_ =	sdelay $0x3  }
0x36: {  	p1 =	seq.s32 s10, $0x1;
	s10 =	sld [smem:$0x3FBA];
	_ =	sdelay $0x3  }
0x37: {  	[smem:$0x3FBA] =	sst s10  }
0x38: {  	s10 =	sld [smem:$0x3FBB]  }
0x39: {  	_ = 	snop;
	(pc) =	sbr.ind lr, $3  }
0x3a: {  	_ = 	snop  }
0x3b: {  	_ = 	snop  }
0x3c: {  	p2 =	seq.s32 s10, $0x1;
	s10 =	sld [smem:$0x3FBA]  }
0x3d: {  	_ =	shalt  }
0x3e: {  	_ =	shalt  }
0x3f: {  	_ =	shalt  }
0x40: {  	_ =	shalt  }
0x41: {  	_ =	shalt  }
0x42: {  	_ =	shalt  }
0x43: {  	_ =	shalt  }
0x44: {  	_ =	shalt  }
0x45: {  	_ =	shalt  }
0x46: {  	_ =	shalt  }
0x47: {  	_ =	shalt  }
0x48: {  	_ =	shalt  }
0x49: {  	_ =	shalt  }
0x4a: {  	_ =	shalt  }
0x4b: {  	_ =	shalt  }
0x4c: {  	_ =	shalt  }
0x4d: {  	_ =	shalt  }
0x4e: {  	_ =	shalt  }
0x4f: {  	_ =	shalt  }
0x50: {  	_ =	shalt  }
0x51: {  	_ =	shalt  }
0x52: {  	_ =	shalt  }
0x53: {  	_ =	shalt  }
0x54: {  	_ =	shalt  }
0x55: {  	_ =	shalt  }
0x56: {  	_ =	shalt  }
0x57: {  	_ =	shalt  }
0x58: {  	_ =	shalt  }
0x59: {  	_ =	shalt  }
0x5a: {  	_ =	shalt  }
0x5b: {  	_ =	shalt  }
0x5c: {  	_ =	shalt  }
0x5d: {  	_ =	shalt  }
0x5e: {  	_ =	shalt  }
0x5f: {  	_ =	shalt  }
0x60: {  	_ =	shalt  }
0x61: {  	_ =	shalt  }
0x62: {  	_ =	shalt  }
0x63: {  	_ =	shalt  }
0x64: {  	_ =	shalt  }
0x65: {  	_ =	shalt  }
0x66: {  	_ =	shalt  }
0x67: {  	_ =	shalt  }
0x68: {  	_ =	shalt  }
0x69: {  	_ =	shalt  }
0x6a: {  	_ =	shalt  }
0x6b: {  	_ =	shalt  }
0x6c: {  	_ =	shalt  }
0x6d: {  	_ =	shalt  }
0x6e: {  	_ =	shalt  }
0x6f: {  	_ =	shalt  }
0x70: {  	_ =	shalt  }
0x71: {  	_ =	shalt  }
0x72: {  	_ =	shalt  }
0x73: {  	_ =	shalt  }
0x74: {  	_ =	shalt  }
0x75: {  	_ =	shalt  }
0x76: {  	_ =	shalt  }
0x77: {  	_ =	shalt  }
0x78: {  	_ =	shalt  }
0x79: {  	_ =	shalt  }
0x7a: {  	_ =	shalt  }
0x7b: {  	_ =	shalt  }
0x7c: {  	_ =	shalt  }
0x7d: {  	_ =	shalt  }
0x7e: {  	_ =	shalt  }
0x7f: {  	_ =	shalt  }
0x80: {  	_ =	shalt  }
0x81: {  	_ =	shalt  }
0x82: {  	_ =	shalt  }
0x83: {  	_ =	shalt  }
0x84: {  	_ =	shalt  }
0x85: {  	_ =	shalt  }
0x86: {  	_ =	shalt  }
0x87: {  	_ =	shalt  }
.Lfunc_end0:
.L_simem_size_0:
called_computation_lowered:
.L_overlay_start_0:
0x88: {  	s2 =	sld [smem:$0x3FD9]  }
0x89: {  	s3 =	sld [smem:$0x3FFE];
	_ =	sdelay $0x1  }
0x8a: {  	s1 =	srdreg.scid  }
0x8b: {  	s0 =	sand.u32 $0x1, s1  }
0x8c: {  	s17 =	sshll.u32 s0, $0xA;
	s2 =	sadd.s32 s3, s2  }
0x8d: {  	s2 =	sadd.s32 s2, s17  }
0x8e: {  	[smem:$0x3FC6] =	sst s2  }
0x8f: {  	_ = 	snop  }
0x90: {  	s2 =	sld [smem:$0x3FC9]  }
0x91: {  	s18 =	sld [smem:$0x3FD0];
	(tm) =	ssettm $0x1  }
0x92: {  	s4 =	sld [smem:$0x3FFB];
	_ =	sdelay $0x3  }
0x93: {  	_ =	strace s4  }
0x94: {  	s4 =	sld [smem:$0x3FFC];
	_ =	sdelay $0x3  }
0x95: {  	_ =	strace s4  }
0x96: {  	s4 =	sld [smem:$0x3FFD];
	_ =	sdelay $0x3  }
0x97: {  	_ =	strace s4  }
0x98: {  	_ =	strace $0x8FFFFFFF  }
0x99: {  	s19 =	sld [smem:$0x3FDB];
	_ =	sdelay $0x1  }
0x9a: {  	s5 =	simm.s32 $_scs_section_size  }
0x9b: {  	s6 =	simm.s32 $_size__tile_overlayer_lowered;
	s7 =	simm.s32 $_tile_overlayer_lowered  }
0x9c: {  	s22 =	simm.s32 $0x1BFF;
	s21 =	sshll.u32 s7, $0x1;
	s4 =	sadd.s32 s5, s19  }
0x9d: {  	s8 =	simm.s32 $0x0;
	s20 =	sshll.u32 s6, $0x1;
	s6 =	sadd.s32 s21, s4  }
0x9e: {  	[timem:s8], [sflag:s22] =	dma.local [hbm:s6], s20  }
0x9f: {  	_ =	swait.ge [sflag:s22], s20  }
0xa0: {  	s5 =	ssub.s32 $0x0, s20;
	[sflag:s22] =	ssyncset.done $0x0  }
0xa1: {  	[sflag:s22] =	ssyncadd.s32 s5;
	_ =	sdelay $0x1  }
0xa2: {  	s23 =	simm.s32 $0x1B8B  }
0xa3: {  	_ =	swait.ge [sflag:s23], $0x1  }
0xa4: {  	[sflag:s23] =	ssyncset.done $0x0  }
0xa5: {  	s25 =	simm.s32 $0x1B8E;
	s24 =	sld [smem:$0x3FFE];
	[sflag:s23] =	ssyncadd.s32 $0xFFFFFFFF  }
0xa6: {  	s26 =	simm.s32 $execute0_lowered;
	[smem:$0x3FD2] =	sst s25  }
0xa7: {  	s6 =	sshll.u32 s26, $0x1;
	_ =	strace $0x80000046;
	[dreg:$0x1] =	wrdreg $0xFFFFFFFF  }
0xa8: {  	s28 =	simm.s32 $_size_execute0_lowered;
	s4 =	sadd.s32 s4, s6;
	[dreg:$0x0] =	wrdreg $0x0  }
0xa9: {  	s6 =	sshll.u32 s28, $0x1;
	[dreg:$0x2] =	wrdreg s4  }
0xaa: {  	[dreg:$0x3] =	wrdreg s6  }
0xab: {  	[dreg:$0x4] =	wrdreg $0xC0  }
0xac: {  	_ =	task [dreg:s8], $0x5FFFF  }
0xad: {  	[dreg:$0x1] =	wrdreg $0xFFFFFFFF  }
0xae: {  	[dreg:$0x0] =	wrdreg $0x60  }
0xaf: {  	[dreg:$0x2] =	wrdreg s2  }
0xb0: {  	[dreg:$0x3] =	wrdreg s24  }
0xb1: {  	[dreg:$0x4] =	wrdreg s18  }
0xb2: {  	[dreg:$0x5] =	wrdreg $0x9  }
0xb3: {  	_ =	task.clear_ibuf [dreg:s8], $0x6FFFF;
	_ =	strace $0x90000046  }
0xb4: {  	s29 =	simm.s32 $0x9;
	_ =	strace $0x80000048  }
0xb5: {  	_ =	swait.ge [sflag:s29], $0x1  }
0xb6: {  	[sflag:s29] =	ssyncadd.s32 $0xFFFFFFFF  }
0xb7: {  	_ =	strace $0x90000048  }
0xb8: {  	_ =	sfence  }
0xb9: {  	s30 =	sld [smem:$0x0];
	_ =	sdelay $0x2  }
0xba: {  	s31 =	sshll.u32 s1, $0xD;
	s1 =	sshrl.u32 s1, $0x2  }
0xbb: {  	s3 =	sand.u32 $0x4000, s31;
	s1 =	sadd.s32 s1, s30  }
0xbc: {  	s0 =	sor.u32 s3, s0;
	s1 =	sshll.u32 s1, $0x11  }
0xbd: {  	s0 =	sor.u32 s1, s0  }
0xbe: {  	s0 =	sadd.s32 $0x8F2B, s0  }
0xbf: {  	[sflag:s0] =	ssyncadd.remote.s32 $0x1  }
0xc0: {  	_ =	sfence.sel $0xFFFF  }
0xc1: {  	[dreg:$0x0] =	wrdreg $0xFFFFFFFF;
	(pc) =	sbr.abs _section_cstart, $3  }
0xc2: {  	[dreg:$0x1] =	wrdreg $0xFFFFFFFF  }
0xc3: {  	_ =	task.clear_ibuf [dreg:s8], $0x2FFFF;
	_ =	strace $0x9FFFFFFF  }
0xc4: {  	(tm) =	ssettm $0x7FFFFFFF  }
0xc5: {  	_ =	shalt  }
tec
execute0_lowered:
.L_overlay_start_1:
0x0: {  	(tag) =	ssettag $0x1  }
0x1: {  	s0 =	rddreg [dreg:$0x0]  }
0x2: {  	s4 =	rddreg [dreg:$0x1]  }
0x3: {  	s2 =	rddreg [dreg:$0x2];
	s5 =	srdreg.scid  }
0x4: {  	s1 =	stileid.u32;
	s3 =	simm.s32 $0x0;
	s9 =	simm.s32 $0x80  }
0x5: {  	s10 =	simm.s32 $0x6400;
	s11 =	simm.s32 $0x8400;
	s13 =	simm.s32 $0xA400  }
0x6: {  	s15 =	simm.s32 $0xC400;
	s16 =	simm.s32 $0x1;
	s17 =	simm.s32 $0xE400  }
0x7: {  	s18 =	simm.s32 $0x400;
	s19 =	simm.s32 $0x8000;
	s20 =	simm.s32 $0x2  }
0x8: {  	s21 =	simm.s32 $0x10400;
	s22 =	simm.s32 $0x5;
	s23 =	simm.s32 $0x3  }
0x9: {  	v0 =	vlaneseq.u32;
	s24 =	simm.s32 $0x6;
	s25 =	simm.s32 $0x4;
	s26 =	simm.s32 $0x0  }
.Ltmp0:
0xa: {  	s5 =	sand.u32 $0x1, s5;
	s6 =	sshll.u32 s1, $0x1;
	v1 =	vmul.u32 $0x40, v0;
	v3 =	vor.u32 $0x10, v0;
	v5 =	vor.u32 $0x20, v0;
	(pc) =	sbr.rel .LBB2_1-.Ltmp0, $4  }
0xb: {  	[smem:$0x7FF] =	sst s3;
	v7 =	vor.u32 $0x30, v0;
	v9 =	vor.u32 $0x40, v0;
	v11 =	vor.u32 $0x50, v0;
	s7 =	ssub.s32 $0x2, s5;
	s5 =	sor.u32 s5, s6  }
0xc: {  	s4 =	sadd.s32 $0x400, s4;
	v13 =	vor.u32 $0x60, v0;
	v15 =	vor.u32 $0x70, v0;
	s31 =	sshrl.u32 s7, $0x1;
	s8 =	smul.u32 $0xC80, s5;
	v2 =	vor.u32 $0x400, v1  }
0xd: {  	_ =	strace $0x80000047;
	s5 =	smul.u32 $0xC8, s5;
	v4 =	vor.u32 $0x800, v1;
	v6 =	vor.u32 $0xC00, v1;
	v8 =	vor.u32 $0x1000, v1;
	s7 =	ssub.s32 s7, s31  }
0xe: {  	v10 =	vor.u32 $0x1400, v1;
	v12 =	vor.u32 $0x1800, v1;
	v14 =	vor.u32 $0x1C00, v1;
	s6 =	sadd.s32 s0, s8;
	s7 =	smax.u32 s7, $0x1;
	s8 =	simm.s32 $0x7  }
.LBB2_14:
0xf: {  	s26 =	sadd.s32 $0x1, s26  }
0x10: {  	_ =	swait.ge [sflag:s22], $0x2000;
	p0 =	sne.s32 s26, s7  }
.Ltmp1:
0x11: {  	[sflag:s22] =	ssyncset.done $0x0;
	(pc) =	sbr.rel @!p0 .LBB2_15-.Ltmp1, $4  }
0x12: {  	[sflag:s22] =	ssyncadd.s32 $0xFFFFE000  }
0x13: {  	_ =	swait.ge [sflag:s24], $0x2000  }
0x14: {  	[sflag:s24] =	ssyncset.done $0x0  }
0x15: {  	[sflag:s24] =	ssyncadd.s32 $0xFFFFE000  }
.LBB2_1:
0x16: {  	[tilespmem:s3], [sflag:$0x7] =	stream.linear.gather [hbm4b:s6+s3], $0x6400, $0x38;
	[tilespmem:$0x12400] =	vst v63  }
0x17: {  	_ =	swait.ge [sflag:s8], $0x6400  }
0x18: {  	[sflag:s8] =	ssyncset.done $0x0  }
0x19: {  	[sflag:s8] =	ssyncadd.s32 $0xFFFF9C00  }
0x1a: {  	[tilespmem:s10], [sflag:$0x1] =	stream.indirect.gather [hbm4b:s4+s9], $0x40, s3, s9, $0xb8;
	[tilespmem:$0x12400] =	vst v63  }
0x1b: {  	_ = 	snop  }
0x1c: {  	[tilespmem:s11], [sflag:$0x2] =	stream.indirect.gather [hbm4b:s4+s9], $0x40, s9, s9, $0xb8;
	[tilespmem:$0x12400] =	vst v63  }
0x1d: {  	s0 =	simm.s32 $0x100  }
0x1e: {  	[tilespmem:s13], [sflag:$0x3] =	stream.indirect.gather [hbm4b:s4+s9], $0x40, s0, s9, $0xb8;
	[tilespmem:$0x12400] =	vst v63  }
0x1f: {  	s31 =	simm.s32 $0x180;
	s28 =	simm.s32 $0x0  }
0x20: {  	[tilespmem:s15], [sflag:$0x4] =	stream.indirect.gather [hbm4b:s4+s9], $0x40, s31, s9, $0xb8;
	[tilespmem:$0x12400] =	vst v63  }
.LBB2_2:
0x21: {  	p0 =	seq.s32 s28, $0x0;
	s0 =	simm.s32 $0x0  }
0x22: {  	s29 =	simm.s32 @!p0 $0x5;
	v16 =	vadd.s32 s0, v0  }
0x23: {  	s1 =	simm.s32 $0x3;
	_ =	swait.ge @!p0 [sflag:s29], $0x2000;
	v31 =	vand.u32 $0x3F, v16  }
0x24: {  	s12 =	simm.s32 $0x2;
	v17 =	vadd.s32 s1, v0;
	[sflag:s29] =	ssyncset.done @!p0 $0x0;
	v18 =	vor.u32 v1, v31  }
0x25: {  	v19 =	vadd.s32 s12, v0;
	v32 =	vand.u32 $0x3F, v17;
	[sflag:s29] =	ssyncadd.s32 @!p0 $0xFFFFE000;
	s29 =	simm.s32 $0x1  }
0x26: {  	v36 =	vand.u32 $0x3F, v19;
	v21 =	vor.u32 v1, v32;
	_ =	swait.ge [sflag:s16], $0x2000;
	v22 =	vadd.s32 s29, v0  }
0x27: {  	v16 =	vshll.u32 v16, $0x7;
	v23 =	vor.u32 v1, v36;
	[sflag:s16] =	ssyncset.done $0x0;
	v33 =	vand.u32 $0x3F, v22  }
0x28: {  	v17 =	vshll.u32 v17, $0x7;
	v20 =	vand.u32 $0x1F80, v16;
	[sflag:s16] =	ssyncadd.s32 $0xFFFFE000;
	v24 =	vor.u32 v1, v33  }
0x29: {  	v37 =	vand.u32 $0x1F80, v17;
	v16 =	vor.u32 v0, v20;
	v17 =	vld.idx.msk [tilespmem:v18+s10+$0x0], $0xffff  }
0x2a: {  	v25 =	vor.u32 v2, v31;
	v18 =	vshll.u32 v19, $0x7  }
0x2b: {  	v22 =	vshll.u32 v22, $0x7;
	v19 =	vor.u32 v0, v37;
	v21 =	vld.idx.msk [tilespmem:v21+s10+$0x0], $0xffff;
	v35 =	vand.u32 $0x1F80, v18  }
0x2c: {  	v34 =	vand.u32 $0x1F80, v22;
	v23 =	vld.idx.msk [tilespmem:v23+s10+$0x0], $0xffff;
	v18 =	vor.u32 v2, v32;
	v22 =	vor.u32 v0, v35  }
0x2d: {  	v26 =	vor.u32 v2, v36;
	v27 =	vor.u32 v0, v34;
	v24 =	vld.idx.msk [tilespmem:v24+s10+$0x0], $0xffff  }
0x2e: {  	v28 =	vor.u32 v2, v33;
	[tilespmem:v16+s17+$0x0] =	vst.idx.msk $0xffff, v17  }
0x2f: {  	v17 =	vor.u32 v3, v20;
	v16 =	vld.idx.msk [tilespmem:v25+s10+$0x0], $0xffff  }
0x30: {  	[tilespmem:v19+s17+$0x0] =	vst.idx.msk $0xffff, v21  }
0x31: {  	v19 =	vor.u32 v4, v31;
	v21 =	vor.u32 v3, v37;
	v18 =	vld.idx.msk [tilespmem:v18+s10+$0x0], $0xffff;
	[tilespmem:v22+s17+$0x0] =	vst.idx.msk $0xffff, v23  }
0x32: {  	v22 =	vor.u32 v4, v32;
	v23 =	vld.idx.msk [tilespmem:v26+s10+$0x0], $0xffff;
	[tilespmem:v27+s17+$0x0] =	vst.idx.msk $0xffff, v24;
	v24 =	vor.u32 v3, v35  }
0x33: {  	v26 =	vor.u32 v3, v34;
	v25 =	vld.idx.msk [tilespmem:v28+s10+$0x0], $0xffff;
	v28 =	vor.u32 v4, v36  }
0x34: {  	[tilespmem:v17+s17+$0x0] =	vst.idx.msk $0xffff, v16;
	v16 =	vor.u32 v4, v33  }
0x35: {  	v29 =	vor.u32 v6, v32;
	v38 =	vor.u32 v10, v31  }
0x36: {  	v39 =	vor.u32 v10, v36;
	[tilespmem:v21+s17+$0x0] =	vst.idx.msk $0xffff, v18;
	v18 =	vor.u32 v5, v20;
	v17 =	vld.idx.msk [tilespmem:v19+s10+$0x0], $0xffff  }
0x37: {  	v21 =	vor.u32 v6, v31;
	v19 =	vld.idx.msk [tilespmem:v22+s10+$0x0], $0xffff;
	v22 =	vor.u32 v5, v37;
	[tilespmem:v24+s17+$0x0] =	vst.idx.msk $0xffff, v23  }
0x38: {  	v42 =	vor.u32 v8, v36;
	v24 =	vor.u32 v5, v35;
	[tilespmem:v26+s17+$0x0] =	vst.idx.msk $0xffff, v25;
	v23 =	vld.idx.msk [tilespmem:v28+s10+$0x0], $0xffff  }
0x39: {  	v50 =	vor.u32 v10, v32;
	v25 =	vor.u32 v5, v34;
	v26 =	vor.u32 v6, v36;
	v16 =	vld.idx.msk [tilespmem:v16+s10+$0x0], $0xffff  }
0x3a: {  	s14 =	simm.s32 $0x5;
	v61 =	vor.u32 v12, v32;
	v30 =	vor.u32 v7, v37;
	v46 =	vor.u32 v9, v20  }
0x3b: {  	s31 =	simm.s32 $0x6;
	v44 =	vadd.s32 s14, v0;
	v60 =	vor.u32 v11, v37;
	s29 =	simm.s32 $0x4;
	[tilespmem:v18+s17+$0x0] =	vst.idx.msk $0xffff, v17;
	v17 =	vor.u32 v6, v33  }
0x3c: {  	v47 =	vadd.s32 s31, v0;
	v45 =	vadd.s32 s29, v0;
	[tilespmem:v22+s17+$0x0] =	vst.idx.msk $0xffff, v19;
	v19 =	vor.u32 v7, v20;
	v18 =	vld.idx.msk [tilespmem:v21+s10+$0x0], $0xffff  }
0x3d: {  	v41 =	vor.u32 v8, v33;
	v21 =	vld.idx.msk [tilespmem:v29+s10+$0x0], $0xffff;
	v29 =	vor.u32 v8, v31;
	[tilespmem:v24+s17+$0x0] =	vst.idx.msk $0xffff, v23  }
0x3e: {  	v23 =	vor.u32 v8, v32;
	[tilespmem:v25+s17+$0x0] =	vst.idx.msk $0xffff, v16;
	v24 =	vld.idx.msk [tilespmem:v26+s10+$0x0], $0xffff;
	v25 =	vor.u32 v7, v35  }
0x3f: {  	v56 =	vor.u32 v12, v33;
	v40 =	vor.u32 v9, v34;
	v16 =	vand.u32 $0x3F, v45  }
0x40: {  	v43 =	vor.u32 v7, v34;
	v57 =	vor.u32 v9, v35;
	v17 =	vld.idx.msk [tilespmem:v17+s10+$0x0], $0xffff;
	v49 =	vor.u32 v1, v16  }
0x41: {  	v27 =	vor.u32 v15, v37;
	v28 =	vor.u32 v10, v33;
	v22 =	vand.u32 $0x3F, v44;
	[tilespmem:v19+s17+$0x0] =	vst.idx.msk $0xffff, v18  }
0x42: {  	[tilespmem:v30+s17+$0x0] =	vst.idx.msk $0xffff, v21;
	v21 =	vor.u32 v1, v22;
	v18 =	vand.u32 $0x3F, v47;
	v29 =	vld.idx.msk [tilespmem:v29+s10+$0x0], $0xffff  }
0x43: {  	s29 =	simm.s32 $0x7;
	v33 =	vor.u32 v14, v33;
	v51 =	vor.u32 v1, v18;
	v48 =	vld.idx.msk [tilespmem:v23+s10+$0x0], $0xffff;
	[tilespmem:v25+s17+$0x0] =	vst.idx.msk $0xffff, v24  }
0x44: {  	v55 =	vor.u32 v2, v22;
	v26 =	vor.u32 v9, v37;
	v19 =	vadd.s32 s29, v0;
	v42 =	vld.idx.msk [tilespmem:v42+s10+$0x0], $0xffff  }
0x45: {  	v58 =	vshll.u32 v47, $0x7;
	v52 =	vor.u32 v2, v16;
	v23 =	vand.u32 $0x3F, v19;
	[tilespmem:v43+s17+$0x0] =	vst.idx.msk $0xffff, v17;
	v62 =	vld.idx.msk [tilespmem:v49+s10+$0x0], $0xffff  }
0x46: {  	v24 =	vshll.u32 v19, $0x7;
	v19 =	vshll.u32 v44, $0x7;
	v63 =	vor.u32 v1, v23;
	v41 =	vld.idx.msk [tilespmem:v41+s10+$0x0], $0xffff  }
0x47: {  	v53 =	vor.u32 v2, v18;
	v19 =	vand.u32 $0x1F80, v19;
	v17 =	vshll.u32 v45, $0x7;
	v47 =	vld.idx.msk [tilespmem:v21+s10+$0x0], $0xffff  }
0x48: {  	v17 =	vand.u32 $0x1F80, v17;
	v54 =	vor.u32 v0, v19;
	[tilespmem:v46+s17+$0x0] =	vst.idx.msk $0xffff, v29;
	v51 =	vld.idx.msk [tilespmem:v51+s10+$0x0], $0xffff  }
0x49: {  	v21 =	vand.u32 $0x1F80, v58;
	v59 =	vor.u32 v0, v17;
	[tilespmem:v26+s17+$0x0] =	vst.idx.msk $0xffff, v48;
	v45 =	vld.idx.msk [tilespmem:v38+s10+$0x0], $0xffff  }
0x4a: {  	v30 =	vor.u32 v6, v23;
	v25 =	vand.u32 $0x1F80, v24;
	v48 =	vor.u32 v0, v21;
	v50 =	vld.idx.msk [tilespmem:v50+s10+$0x0], $0xffff  }
0x4b: {  	v49 =	vor.u32 v0, v25;
	v24 =	vor.u32 v15, v25;
	v44 =	vld.idx.msk [tilespmem:v63+s10+$0x0], $0xffff;
	[tilespmem:v57+s17+$0x0] =	vst.idx.msk $0xffff, v42  }
0x4c: {  	v29 =	vor.u32 v14, v31;
	v63 =	vor.u32 v2, v23;
	[tilespmem:v40+s17+$0x0] =	vst.idx.msk $0xffff, v41;
	v39 =	vld.idx.msk [tilespmem:v39+s10+$0x0], $0xffff  }
0x4d: {  	v43 =	vor.u32 v5, v17;
	[tilespmem:v54+s17+$0x0] =	vst.idx.msk $0xffff, v47;
	v54 =	vor.u32 v11, v35;
	v41 =	vld.idx.msk [tilespmem:v28+s10+$0x0], $0xffff  }
0x4e: {  	[tilespmem:v59+s17+$0x0] =	vst.idx.msk $0xffff, v62;
	v62 =	vor.u32 v11, v34;
	v38 =	vld.idx.msk [tilespmem:v55+s10+$0x0], $0xffff;
	v55 =	vor.u32 v12, v36  }
0x4f: {  	v57 =	vor.u32 v3, v17;
	v47 =	vor.u32 v11, v20;
	v52 =	vld.idx.msk [tilespmem:v52+s10+$0x0], $0xffff;
	[tilespmem:v48+s17+$0x0] =	vst.idx.msk $0xffff, v51  }
0x50: {  	v40 =	vor.u32 v4, v16;
	[tilespmem:v49+s17+$0x0] =	vst.idx.msk $0xffff, v44;
	v49 =	vor.u32 v12, v31;
	v53 =	vld.idx.msk [tilespmem:v53+s10+$0x0], $0xffff  }
0x51: {  	v59 =	vor.u32 v4, v23;
	[tilespmem:v60+s17+$0x0] =	vst.idx.msk $0xffff, v50;
	v50 =	vor.u32 v3, v25;
	v58 =	vld.idx.msk [tilespmem:v63+s10+$0x0], $0xffff  }
0x52: {  	v31 =	vor.u32 v14, v36;
	v60 =	vor.u32 v13, v37;
	v51 =	vld.idx.msk [tilespmem:v61+s10+$0x0], $0xffff;
	[tilespmem:v54+s17+$0x0] =	vst.idx.msk $0xffff, v39  }
0x53: {  	v61 =	vor.u32 v3, v21;
	v63 =	vor.u32 v14, v32;
	[tilespmem:v62+s17+$0x0] =	vst.idx.msk $0xffff, v41;
	v37 =	vld.idx.msk [tilespmem:v55+s10+$0x0], $0xffff  }
0x54: {  	v44 =	vor.u32 v4, v18;
	[tilespmem:v47+s17+$0x0] =	vst.idx.msk $0xffff, v45;
	v47 =	vor.u32 v3, v19;
	v36 =	vld.idx.msk [tilespmem:v56+s10+$0x0], $0xffff  }
0x55: {  	v48 =	vor.u32 v4, v22;
	v41 =	vor.u32 v13, v34;
	[tilespmem:v57+s17+$0x0] =	vst.idx.msk $0xffff, v52;
	v32 =	vld.idx.msk [tilespmem:v49+s10+$0x0], $0xffff  }
0x56: {  	v26 =	vor.u32 v15, v20;
	v39 =	vor.u32 v13, v35;
	v42 =	vld.idx.msk [tilespmem:v40+s10+$0x0], $0xffff;
	[tilespmem:v50+s17+$0x0] =	vst.idx.msk $0xffff, v58  }
0x57: {  	v28 =	vor.u32 v15, v35;
	v45 =	vor.u32 v6, v16;
	[tilespmem:v60+s17+$0x0] =	vst.idx.msk $0xffff, v51;
	v46 =	vld.idx.msk [tilespmem:v59+s10+$0x0], $0xffff  }
0x58: {  	s30 =	simm.s32 $0x8;
	s29 =	sshll.u32 s28, $0x2;
	v34 =	vor.u32 v15, v34;
	v49 =	vor.u32 v5, v25;
	[tilespmem:v61+s17+$0x0] =	vst.idx.msk $0xffff, v53;
	v40 =	vld.idx.msk [tilespmem:v63+s10+$0x0], $0xffff  }
.LBB2_3:
0x59: {  	p0 =	slt.u32 s30, $0x3C;
	v35 =	vor.u32 v10, v16;
	[tilespmem:v47+s17+$0x0] =	vst.idx.msk $0xffff, v38;
	v38 =	vld.idx.msk [tilespmem:v44+s10+$0x0], $0xffff;
	v20 =	vor.u32 v13, v20;
	s0 =	smov.u32 s30;
	s30 =	sadd.s32 $0x4, s30  }
0x5a: {  	v47 =	vor.u32 v10, v22;
	v44 =	vld.idx.msk [tilespmem:v48+s10+$0x0], $0xffff;
	v48 =	vor.u32 v5, v21;
	[tilespmem:v41+s17+$0x0] =	vst.idx.msk $0xffff, v36  }
0x5b: {  	v36 =	vor.u32 v5, v19;
	v41 =	vor.u32 v6, v18;
	v50 =	vld.idx.msk [tilespmem:v33+s10+$0x0], $0xffff;
	[tilespmem:v39+s17+$0x0] =	vst.idx.msk $0xffff, v37  }
0x5c: {  	v37 =	vor.u32 v6, v22;
	v39 =	vor.u32 v10, v18;
	[tilespmem:v43+s17+$0x0] =	vst.idx.msk $0xffff, v42;
	v31 =	vld.idx.msk [tilespmem:v31+s10+$0x0], $0xffff  }
0x5d: {  	v43 =	vor.u32 v9, v19;
	v42 =	vld.idx.msk [tilespmem:v45+s10+$0x0], $0xffff;
	[tilespmem:v49+s17+$0x0] =	vst.idx.msk $0xffff, v46;
	v45 =	vor.u32 v10, v23  }
0x5e: {  	v46 =	vor.u32 v7, v17;
	v49 =	vor.u32 v8, v22;
	v30 =	vld.idx.msk [tilespmem:v30+s10+$0x0], $0xffff;
	[tilespmem:v27+s17+$0x0] =	vst.idx.msk $0xffff, v40  }
0x5f: {  	v33 =	vmov v22;
	v27 =	vor.u32 v8, v16;
	[tilespmem:v48+s17+$0x0] =	vst.idx.msk $0xffff, v38;
	v38 =	vor.u32 v7, v25  }
0x60: {  	v40 =	vor.u32 v8, v23;
	[tilespmem:v36+s17+$0x0] =	vst.idx.msk $0xffff, v44;
	v36 =	vld.idx.msk [tilespmem:v41+s10+$0x0], $0xffff;
	v41 =	vor.u32 v9, v25  }
0x61: {  	v48 =	vor.u32 v8, v18;
	v44 =	vor.u32 v7, v21;
	v37 =	vld.idx.msk [tilespmem:v37+s10+$0x0], $0xffff;
	[tilespmem:v34+s17+$0x0] =	vst.idx.msk $0xffff, v50  }
0x62: {  	v51 =	vor.u32 v7, v19;
	s31 =	sadd.s32 $0x1, s0;
	s1 =	sadd.s32 $0x2, s0;
	v34 =	vadd.s32 s0, v0;
	s0 =	sadd.s32 $0x3, s0;
	v50 =	vor.u32 v9, v17;
	[tilespmem:v20+s17+$0x0] =	vst.idx.msk $0xffff, v32  }
0x63: {  	v20 =	vadd.s32 s31, v0;
	v32 =	vadd.s32 s1, v0;
	v52 =	vadd.s32 s0, v0;
	[tilespmem:v46+s17+$0x0] =	vst.idx.msk $0xffff, v42;
	v42 =	vmovc v18;
	v46 =	vmovc v16  }
0x64: {  	v55 =	vmovc v23;
	v22 =	vand.u32 $0x3F, v20;
	v18 =	vand.u32 $0x3F, v32;
	v53 =	vshll.u32 v52, $0x7;
	v54 =	vld.idx.msk [tilespmem:v27+s10+$0x0], $0xffff;
	[tilespmem:v38+s17+$0x0] =	vst.idx.msk $0xffff, v30  }
0x65: {  	v57 =	vmovc v19;
	v16 =	vand.u32 $0x3F, v34;
	v38 =	vor.u32 v1, v22;
	v56 =	vor.u32 v1, v18;
	v40 =	vld.idx.msk [tilespmem:v40+s10+$0x0], $0xffff  }
0x66: {  	v19 =	vshll.u32 v20, $0x7;
	v23 =	vand.u32 $0x3F, v52;
	v58 =	vor.u32 v1, v16;
	[tilespmem:v44+s17+$0x0] =	vst.idx.msk $0xffff, v36;
	v29 =	vld.idx.msk [tilespmem:v29+s10+$0x0], $0xffff  }
0x67: {  	v19 =	vand.u32 $0x1F80, v19;
	v36 =	vor.u32 v1, v23;
	[tilespmem:v51+s17+$0x0] =	vst.idx.msk $0xffff, v37;
	v37 =	vmovc v25;
	v25 =	vand.u32 $0x1F80, v53  }
0x68: {  	v30 =	vor.u32 v6, v23;
	v20 =	vmov v17;
	v44 =	vshll.u32 v34, $0x7;
	v34 =	vld.idx.msk [tilespmem:v48+s10+$0x0], $0xffff;
	[tilespmem:v28+s17+$0x0] =	vst.idx.msk $0xffff, v31  }
0x69: {  	v27 =	vmovc v24;
	v17 =	vand.u32 $0x1F80, v44;
	v28 =	vshll.u32 v32, $0x7;
	v32 =	vor.u32 v9, v21;
	v31 =	vld.idx.msk [tilespmem:v49+s10+$0x0], $0xffff;
	v49 =	vmovc v21  }
0x6a: {  	v44 =	vor.u32 v0, v17;
	v21 =	vand.u32 $0x1F80, v28;
	v38 =	vld.idx.msk [tilespmem:v38+s10+$0x0], $0xffff;
	[tilespmem:v50+s17+$0x0] =	vst.idx.msk $0xffff, v54  }
0x6b: {  	v51 =	vor.u32 v0, v25;
	v50 =	vor.u32 v0, v21;
	v48 =	vld.idx.msk [tilespmem:v58+s10+$0x0], $0xffff;
	[tilespmem:v41+s17+$0x0] =	vst.idx.msk $0xffff, v40  }
0x6c: {  	v40 =	vor.u32 v2, v16;
	v41 =	vor.u32 v2, v18;
	v45 =	vld.idx.msk [tilespmem:v45+s10+$0x0], $0xffff;
	[tilespmem:v26+s17+$0x0] =	vst.idx.msk $0xffff, v29  }
0x6d: {  	v52 =	vor.u32 v0, v19;
	v24 =	vor.u32 v15, v25;
	v36 =	vld.idx.msk [tilespmem:v36+s10+$0x0], $0xffff  }
0x6e: {  	v53 =	vor.u32 v2, v22;
	v29 =	vor.u32 v14, v46;
	v54 =	vld.idx.msk [tilespmem:v56+s10+$0x0], $0xffff;
	[tilespmem:v32+s17+$0x0] =	vst.idx.msk $0xffff, v34  }
0x6f: {  	v32 =	vor.u32 v2, v23;
	[tilespmem:v43+s17+$0x0] =	vst.idx.msk $0xffff, v31;
	v34 =	vld.idx.msk [tilespmem:v39+s10+$0x0], $0xffff;
	v39 =	vor.u32 v11, v37  }
0x70: {  	v28 =	vor.u32 v15, v49;
	v26 =	vor.u32 v15, v20;
	v43 =	vld.idx.msk [tilespmem:v47+s10+$0x0], $0xffff;
	v47 =	vor.u32 v12, v55  }
0x71: {  	[tilespmem:v44+s17+$0x0] =	vst.idx.msk $0xffff, v48;
	v35 =	vld.idx.msk [tilespmem:v35+s10+$0x0], $0xffff;
	v44 =	vor.u32 v11, v57;
	v48 =	vor.u32 v12, v33  }
0x72: {  	v56 =	vor.u32 v11, v49;
	v40 =	vld.idx.msk [tilespmem:v40+s10+$0x0], $0xffff;
	[tilespmem:v52+s17+$0x0] =	vst.idx.msk $0xffff, v38;
	v52 =	vor.u32 v11, v20  }
0x73: {  	v46 =	vor.u32 v12, v46;
	v38 =	vld.idx.msk [tilespmem:v53+s10+$0x0], $0xffff;
	[tilespmem:v51+s17+$0x0] =	vst.idx.msk $0xffff, v36;
	v51 =	vor.u32 v12, v42  }
0x74: {  	v31 =	vor.u32 v14, v42;
	v53 =	vor.u32 v3, v17;
	v58 =	vld.idx.msk [tilespmem:v32+s10+$0x0], $0xffff;
	[tilespmem:v39+s17+$0x0] =	vst.idx.msk $0xffff, v45  }
0x75: {  	v39 =	vor.u32 v4, v16;
	v45 =	vor.u32 v3, v25;
	[tilespmem:v50+s17+$0x0] =	vst.idx.msk $0xffff, v54;
	v50 =	vld.idx.msk [tilespmem:v47+s10+$0x0], $0xffff  }
0x76: {  	v59 =	vor.u32 v4, v23;
	v60 =	vor.u32 v13, v37;
	v54 =	vld.idx.msk [tilespmem:v41+s10+$0x0], $0xffff;
	[tilespmem:v44+s17+$0x0] =	vst.idx.msk $0xffff, v43  }
0x77: {  	v61 =	vor.u32 v3, v21;
	[tilespmem:v52+s17+$0x0] =	vst.idx.msk $0xffff, v35;
	v36 =	vld.idx.msk [tilespmem:v48+s10+$0x0], $0xffff;
	v35 =	vor.u32 v14, v55  }
.Ltmp2:
0x78: {  	v47 =	vor.u32 v3, v19;
	v44 =	vor.u32 v4, v18;
	v32 =	vld.idx.msk [tilespmem:v46+s10+$0x0], $0xffff;
	[tilespmem:v56+s17+$0x0] =	vst.idx.msk $0xffff, v34;
	(pc) =	sbr.rel @p0 .LBB2_3-.Ltmp2, $4  }
0x79: {  	v41 =	vor.u32 v13, v57;
	v48 =	vor.u32 v4, v22;
	[tilespmem:v53+s17+$0x0] =	vst.idx.msk $0xffff, v40;
	v37 =	vld.idx.msk [tilespmem:v51+s10+$0x0], $0xffff  }
0x7a: {  	v33 =	vor.u32 v14, v33;
	v42 =	vld.idx.msk [tilespmem:v39+s10+$0x0], $0xffff;
	[tilespmem:v45+s17+$0x0] =	vst.idx.msk $0xffff, v58;
	v39 =	vor.u32 v13, v49  }
0x7b: {  	v43 =	vor.u32 v5, v17;
	v34 =	vor.u32 v15, v57;
	v46 =	vld.idx.msk [tilespmem:v59+s10+$0x0], $0xffff;
	[tilespmem:v60+s17+$0x0] =	vst.idx.msk $0xffff, v50  }
0x7c: {  	v45 =	vor.u32 v6, v16;
	v49 =	vor.u32 v5, v25;
	[tilespmem:v61+s17+$0x0] =	vst.idx.msk $0xffff, v54;
	v40 =	vld.idx.msk [tilespmem:v35+s10+$0x0], $0xffff  }
0x7d: {  	_ =	sdelay $0x3  }
0x7e: {  	[tilespmem:v47+s17+$0x0] =	vst.idx.msk $0xffff, v38;
	v44 =	vld.idx.msk [tilespmem:v44+s10+$0x0], $0xffff;
	v63 =	vor.u32 v5, v21  }
0x7f: {  	v62 =	vor.u32 v5, v19;
	v50 =	vor.u32 v6, v18;
	v35 =	vld.idx.msk [tilespmem:v48+s10+$0x0], $0xffff  }
0x80: {  	v52 =	vor.u32 v6, v22  }
0x81: {  	[tilespmem:v49+s17+$0x0] =	vst.idx.msk $0xffff, v46  }
0x82: {  	v53 =	vor.u32 v7, v25;
	[tilespmem:v43+s17+$0x0] =	vst.idx.msk $0xffff, v42;
	v30 =	vld.idx.msk [tilespmem:v30+s10+$0x0], $0xffff  }
0x83: {  	v54 =	vor.u32 v8, v23;
	v59 =	vor.u32 v7, v17;
	v45 =	vld.idx.msk [tilespmem:v45+s10+$0x0], $0xffff;
	[tilespmem:v63+s17+$0x0] =	vst.idx.msk $0xffff, v44  }
0x84: {  	v58 =	vor.u32 v7, v21;
	v61 =	vor.u32 v8, v16;
	[tilespmem:v62+s17+$0x0] =	vst.idx.msk $0xffff, v35;
	v57 =	vld.idx.msk [tilespmem:v50+s10+$0x0], $0xffff  }
0x85: {  	v55 =	vor.u32 v7, v19;
	v60 =	vor.u32 v8, v18;
	v38 =	vld.idx.msk [tilespmem:v52+s10+$0x0], $0xffff  }
0x86: {  	v56 =	vor.u32 v8, v22  }
0x87: {  	[tilespmem:v53+s17+$0x0] =	vst.idx.msk $0xffff, v30  }
0x88: {  	v62 =	vor.u32 v9, v25;
	[tilespmem:v59+s17+$0x0] =	vst.idx.msk $0xffff, v45;
	v35 =	vld.idx.msk [tilespmem:v54+s10+$0x0], $0xffff  }
0x89: {  	v52 =	vor.u32 v10, v23;
	[tilespmem:v58+s17+$0x0] =	vst.idx.msk $0xffff, v57;
	v57 =	vor.u32 v9, v17;
	v58 =	vld.idx.msk [tilespmem:v61+s10+$0x0], $0xffff  }
0x8a: {  	v59 =	vor.u32 v10, v16;
	[tilespmem:v55+s17+$0x0] =	vst.idx.msk $0xffff, v38;
	v54 =	vld.idx.msk [tilespmem:v60+s10+$0x0], $0xffff;
	v55 =	vor.u32 v9, v21  }
0x8b: {  	v63 =	vor.u32 v9, v19;
	v42 =	vld.idx.msk [tilespmem:v56+s10+$0x0], $0xffff;
	v56 =	vor.u32 v10, v18  }
0x8c: {  	[tilespmem:v41+s17+$0x0] =	vst.idx.msk $0xffff, v36;
	v53 =	vor.u32 v10, v22  }
0x8d: {  	[tilespmem:v62+s17+$0x0] =	vst.idx.msk $0xffff, v35  }
0x8e: {  	v60 =	vor.u32 v11, v25;
	v30 =	vld.idx.msk [tilespmem:v52+s10+$0x0], $0xffff;
	[tilespmem:v57+s17+$0x0] =	vst.idx.msk $0xffff, v58  }
0x8f: {  	v50 =	vor.u32 v11, v17;
	v61 =	vor.u32 v12, v23;
	[tilespmem:v55+s17+$0x0] =	vst.idx.msk $0xffff, v54;
	v36 =	vld.idx.msk [tilespmem:v59+s10+$0x0], $0xffff  }
0x90: {  	v49 =	vor.u32 v11, v21;
	v52 =	vor.u32 v12, v16;
	[tilespmem:v63+s17+$0x0] =	vst.idx.msk $0xffff, v42;
	v63 =	vld.idx.msk [tilespmem:v56+s10+$0x0], $0xffff  }
0x91: {  	v51 =	vor.u32 v12, v18;
	[tilespmem:v39+s17+$0x0] =	vst.idx.msk $0xffff, v37;
	v62 =	vor.u32 v11, v19;
	v38 =	vld.idx.msk [tilespmem:v53+s10+$0x0], $0xffff  }
0x92: {  	v20 =	vor.u32 v13, v20;
	v48 =	vor.u32 v12, v22;
	[tilespmem:v27+s17+$0x0] =	vst.idx.msk $0xffff, v40  }
0x93: {  	v33 =	vld.idx.msk [tilespmem:v33+s10+$0x0], $0xffff;
	[tilespmem:v60+s17+$0x0] =	vst.idx.msk $0xffff, v30  }
0x94: {  	v53 =	vor.u32 v13, v25;
	v30 =	vld.idx.msk [tilespmem:v61+s10+$0x0], $0xffff;
	[tilespmem:v50+s17+$0x0] =	vst.idx.msk $0xffff, v36  }
0x95: {  	v55 =	vor.u32 v14, v23;
	v61 =	vor.u32 v13, v17;
	[tilespmem:v49+s17+$0x0] =	vst.idx.msk $0xffff, v63;
	v27 =	vld.idx.msk [tilespmem:v52+s10+$0x0], $0xffff  }
0x96: {  	v16 =	vor.u32 v14, v16;
	v59 =	vor.u32 v13, v21;
	[tilespmem:v62+s17+$0x0] =	vst.idx.msk $0xffff, v38;
	v57 =	vld.idx.msk [tilespmem:v51+s10+$0x0], $0xffff  }
0x97: {  	[tilespmem:v20+s17+$0x0] =	vst.idx.msk $0xffff, v32;
	v56 =	vor.u32 v13, v19;
	v60 =	vor.u32 v14, v18;
	v54 =	vld.idx.msk [tilespmem:v48+s10+$0x0], $0xffff  }
0x98: {  	v31 =	vld.idx.msk [tilespmem:v31+s10+$0x0], $0xffff;
	[tilespmem:v34+s17+$0x0] =	vst.idx.msk $0xffff, v33;
	v58 =	vor.u32 v14, v22  }
0x99: {  	v20 =	vld.idx.msk [tilespmem:v29+s10+$0x0], $0xffff;
	[tilespmem:v53+s17+$0x0] =	vst.idx.msk $0xffff, v30  }
0x9a: {  	v23 =	vld.idx.msk [tilespmem:v55+s10+$0x0], $0xffff;
	[tilespmem:v61+s17+$0x0] =	vst.idx.msk $0xffff, v27  }
0x9b: {  	v17 =	vor.u32 v15, v17;
	[tilespmem:v59+s17+$0x0] =	vst.idx.msk $0xffff, v57;
	v16 =	vld.idx.msk [tilespmem:v16+s10+$0x0], $0xffff  }
0x9c: {  	v63 =	vor.u32 v15, v21;
	[tilespmem:v56+s17+$0x0] =	vst.idx.msk $0xffff, v54;
	v18 =	vld.idx.msk [tilespmem:v60+s10+$0x0], $0xffff  }
0x9d: {  	[tilespmem:v28+s17+$0x0] =	vst.idx.msk $0xffff, v31;
	v62 =	vor.u32 v15, v19;
	v22 =	vld.idx.msk [tilespmem:v58+s10+$0x0], $0xffff  }
0x9e: {  	s0 =	sadd.s32 s5, s29;
	[tilespmem:v26+s17+$0x0] =	vst.idx.msk $0xffff, v20  }
0x9f: {  	s1 =	sshll.u32 s0, $0x7;
	[tilespmem:v24+s17+$0x0] =	vst.idx.msk $0xffff, v23  }
0xa0: {  	p0 =	seq.s32 s28, $0x31;
	s0 =	sshll.u32 s0, $0xA;
	s1 =	sand.u32 $0xE00, s1;
	[tilespmem:v17+s17+$0x0] =	vst.idx.msk $0xffff, v16  }
0xa1: {  	p1 =	seq.s32 @!p0 s28, $0x0;
	s0 =	sand.u32 $0xFFF8000, s0;
	s1 =	sadd.s32 s2, s1;
	[tilespmem:v63+s17+$0x0] =	vst.idx.msk $0xffff, v18  }
0xa2: {  	p1 =	por p0, !p1;
	s0 =	sadd.s32 s0, s1;
	[tilespmem:v62+s17+$0x0] =	vst.idx.msk $0xffff, v22  }
0xa3: {  	[hbm4b:s0+s18] =	stream.strided.scatter [tilespmem:s17], [sflag:$0x5], $0x2000, s19, s18, $0x38;
	[tilespmem:$0x12400] =	vst v63  }
.Ltmp3:
0xa4: {  	s0 =	sshll.u32 @!p0 s28, $0x9;
	(pc) =	sbr.rel @!p1 .LBB2_6-.Ltmp3, $4  }
0xa5: {  	s30 =	sand.u32 @!p0 $0x3FFFFE00, s0  }
0xa6: {  	s31 =	simm.s32 @!p0 $0x6400;
	s1 =	simm.s32 @!p0 $0x80;
	s0 =	sadd.s32 @!p0 $0x200, s30  }
0xa7: {  	[tilespmem:s31], [sflag:$0x1] =	stream.indirect.gather @!p0 [hbm4b:s4+s1], $0x40, s0, s1, $0xb8;
	[tilespmem:$0x12400] =	vst v63  }
0xa8: {  	s31 =	sor.u32 @!p0 $0x1, s29  }
0xa9: {  	_ =	swait.ge [sflag:s24], $0x2000  }
0xaa: {  	[sflag:s24] =	ssyncset.done $0x0  }
0xab: {  	s31 =	simm.s32 @p0 $0xC5;
	[sflag:s24] =	ssyncadd.s32 $0xFFFFE000  }
.LBB2_6:
0xac: {  	s0 =	simm.s32 $0x0  }
0xad: {  	v16 =	vadd.s32 s0, v0  }
0xae: {  	s12 =	simm.s32 $0x3;
	v31 =	vand.u32 $0x3F, v16  }
0xaf: {  	s14 =	simm.s32 $0x2;
	v17 =	vadd.s32 s12, v0;
	v18 =	vor.u32 v1, v31  }
0xb0: {  	s1 =	simm.s32 $0x1;
	v19 =	vadd.s32 s14, v0;
	v33 =	vand.u32 $0x3F, v17  }
0xb1: {  	_ =	swait.ge [sflag:s20], $0x2000;
	v22 =	vadd.s32 s1, v0;
	v36 =	vand.u32 $0x3F, v19;
	v21 =	vor.u32 v1, v33  }
0xb2: {  	[sflag:s20] =	ssyncset.done $0x0;
	v32 =	vand.u32 $0x3F, v22;
	v16 =	vshll.u32 v16, $0x7;
	v23 =	vor.u32 v1, v36  }
0xb3: {  	[sflag:s20] =	ssyncadd.s32 $0xFFFFE000;
	v17 =	vshll.u32 v17, $0x7;
	v24 =	vor.u32 v1, v32;
	v20 =	vand.u32 $0x1F80, v16  }
0xb4: {  	v37 =	vand.u32 $0x1F80, v17;
	v16 =	vor.u32 v0, v20;
	v17 =	vld.idx.msk [tilespmem:v18+s11+$0x0], $0xffff  }
0xb5: {  	v25 =	vor.u32 v2, v31;
	v18 =	vshll.u32 v19, $0x7  }
0xb6: {  	v22 =	vshll.u32 v22, $0x7;
	v19 =	vor.u32 v0, v37;
	v21 =	vld.idx.msk [tilespmem:v21+s11+$0x0], $0xffff;
	v35 =	vand.u32 $0x1F80, v18  }
0xb7: {  	v34 =	vand.u32 $0x1F80, v22;
	v23 =	vld.idx.msk [tilespmem:v23+s11+$0x0], $0xffff;
	v18 =	vor.u32 v2, v33;
	v22 =	vor.u32 v0, v35  }
0xb8: {  	v26 =	vor.u32 v2, v36;
	v27 =	vor.u32 v0, v34;
	v24 =	vld.idx.msk [tilespmem:v24+s11+$0x0], $0xffff  }
0xb9: {  	v28 =	vor.u32 v2, v32;
	[tilespmem:v16+s21+$0x0] =	vst.idx.msk $0xffff, v17  }
0xba: {  	v17 =	vor.u32 v3, v20;
	v16 =	vld.idx.msk [tilespmem:v25+s11+$0x0], $0xffff  }
0xbb: {  	[tilespmem:v19+s21+$0x0] =	vst.idx.msk $0xffff, v21  }
0xbc: {  	v19 =	vor.u32 v4, v31;
	v21 =	vor.u32 v3, v37;
	v18 =	vld.idx.msk [tilespmem:v18+s11+$0x0], $0xffff;
	[tilespmem:v22+s21+$0x0] =	vst.idx.msk $0xffff, v23  }
0xbd: {  	[tilespmem:v27+s21+$0x0] =	vst.idx.msk $0xffff, v24;
	v24 =	vor.u32 v3, v35;
	v22 =	vor.u32 v4, v33;
	v23 =	vld.idx.msk [tilespmem:v26+s11+$0x0], $0xffff  }
0xbe: {  	v25 =	vld.idx.msk [tilespmem:v28+s11+$0x0], $0xffff;
	v28 =	vor.u32 v4, v36;
	v26 =	vor.u32 v3, v34  }
0xbf: {  	s12 =	simm.s32 $0x5;
	s14 =	simm.s32 $0x4;
	[tilespmem:v17+s21+$0x0] =	vst.idx.msk $0xffff, v16;
	v16 =	vor.u32 v4, v32  }
0xc0: {  	v44 =	vadd.s32 s12, v0;
	v45 =	vadd.s32 s14, v0  }
0xc1: {  	v29 =	vor.u32 v6, v33;
	[tilespmem:v21+s21+$0x0] =	vst.idx.msk $0xffff, v18;
	v18 =	vor.u32 v5, v20;
	v17 =	vld.idx.msk [tilespmem:v19+s11+$0x0], $0xffff  }
0xc2: {  	v21 =	vor.u32 v6, v31;
	v19 =	vld.idx.msk [tilespmem:v22+s11+$0x0], $0xffff;
	v22 =	vor.u32 v5, v37;
	[tilespmem:v24+s21+$0x0] =	vst.idx.msk $0xffff, v23  }
0xc3: {  	v38 =	vor.u32 v10, v31;
	[tilespmem:v26+s21+$0x0] =	vst.idx.msk $0xffff, v25;
	v24 =	vor.u32 v5, v35;
	v23 =	vld.idx.msk [tilespmem:v28+s11+$0x0], $0xffff  }
0xc4: {  	v39 =	vor.u32 v10, v36;
	v25 =	vor.u32 v5, v34;
	v26 =	vor.u32 v6, v36;
	v16 =	vld.idx.msk [tilespmem:v16+s11+$0x0], $0xffff  }
0xc5: {  	s12 =	simm.s32 $0x6;
	v41 =	vor.u32 v8, v32;
	v42 =	vor.u32 v8, v36;
	v50 =	vor.u32 v10, v33  }
0xc6: {  	v47 =	vadd.s32 s12, v0;
	v61 =	vor.u32 v12, v33;
	[tilespmem:v18+s21+$0x0] =	vst.idx.msk $0xffff, v17;
	v17 =	vor.u32 v6, v32  }
0xc7: {  	v56 =	vor.u32 v12, v32;
	[tilespmem:v22+s21+$0x0] =	vst.idx.msk $0xffff, v19;
	v19 =	vor.u32 v7, v20;
	v18 =	vld.idx.msk [tilespmem:v21+s11+$0x0], $0xffff  }
0xc8: {  	v30 =	vor.u32 v7, v37;
	v21 =	vld.idx.msk [tilespmem:v29+s11+$0x0], $0xffff;
	v29 =	vor.u32 v8, v31;
	[tilespmem:v24+s21+$0x0] =	vst.idx.msk $0xffff, v23  }
0xc9: {  	v23 =	vor.u32 v8, v33;
	v24 =	vld.idx.msk [tilespmem:v26+s11+$0x0], $0xffff;
	[tilespmem:v25+s21+$0x0] =	vst.idx.msk $0xffff, v16;
	v25 =	vor.u32 v7, v35  }
0xca: {  	v40 =	vor.u32 v9, v34;
	v43 =	vor.u32 v7, v34;
	v16 =	vand.u32 $0x3F, v45  }
0xcb: {  	v46 =	vor.u32 v9, v20;
	v60 =	vor.u32 v11, v37;
	v17 =	vld.idx.msk [tilespmem:v17+s11+$0x0], $0xffff;
	v49 =	vor.u32 v1, v16  }
0xcc: {  	v57 =	vor.u32 v9, v35;
	v22 =	vand.u32 $0x3F, v44;
	v26 =	vor.u32 v9, v37;
	[tilespmem:v19+s21+$0x0] =	vst.idx.msk $0xffff, v18  }
0xcd: {  	s14 =	simm.s32 $0x7;
	[tilespmem:v30+s21+$0x0] =	vst.idx.msk $0xffff, v21;
	v21 =	vor.u32 v1, v22;
	v18 =	vand.u32 $0x3F, v47;
	v29 =	vld.idx.msk [tilespmem:v29+s11+$0x0], $0xffff  }
0xce: {  	v58 =	vshll.u32 v47, $0x7;
	v19 =	vadd.s32 s14, v0;
	v48 =	vld.idx.msk [tilespmem:v23+s11+$0x0], $0xffff;
	v51 =	vor.u32 v1, v18;
	[tilespmem:v25+s21+$0x0] =	vst.idx.msk $0xffff, v24  }
0xcf: {  	v27 =	vor.u32 v15, v37;
	v28 =	vor.u32 v10, v32;
	v23 =	vand.u32 $0x3F, v19;
	v42 =	vld.idx.msk [tilespmem:v42+s11+$0x0], $0xffff  }
0xd0: {  	v63 =	vor.u32 v1, v23;
	v24 =	vshll.u32 v19, $0x7;
	v19 =	vshll.u32 v44, $0x7;
	[tilespmem:v43+s21+$0x0] =	vst.idx.msk $0xffff, v17;
	v62 =	vld.idx.msk [tilespmem:v49+s11+$0x0], $0xffff  }
0xd1: {  	v32 =	vor.u32 v14, v32;
	v19 =	vand.u32 $0x1F80, v19;
	v17 =	vshll.u32 v45, $0x7;
	v41 =	vld.idx.msk [tilespmem:v41+s11+$0x0], $0xffff  }
0xd2: {  	v55 =	vor.u32 v2, v22;
	v17 =	vand.u32 $0x1F80, v17;
	v47 =	vld.idx.msk [tilespmem:v21+s11+$0x0], $0xffff;
	v54 =	vor.u32 v0, v19  }
0xd3: {  	v21 =	vand.u32 $0x1F80, v58;
	v59 =	vor.u32 v0, v17;
	[tilespmem:v26+s21+$0x0] =	vst.idx.msk $0xffff, v48;
	v51 =	vld.idx.msk [tilespmem:v51+s11+$0x0], $0xffff  }
0xd4: {  	v25 =	vand.u32 $0x1F80, v24;
	[tilespmem:v46+s21+$0x0] =	vst.idx.msk $0xffff, v29;
	v48 =	vor.u32 v0, v21;
	v50 =	vld.idx.msk [tilespmem:v50+s11+$0x0], $0xffff  }
0xd5: {  	v52 =	vor.u32 v2, v16;
	v49 =	vor.u32 v0, v25;
	v44 =	vld.idx.msk [tilespmem:v63+s11+$0x0], $0xffff;
	[tilespmem:v57+s21+$0x0] =	vst.idx.msk $0xffff, v42  }
0xd6: {  	v53 =	vor.u32 v2, v18;
	v30 =	vor.u32 v6, v23;
	v45 =	vld.idx.msk [tilespmem:v38+s11+$0x0], $0xffff;
	[tilespmem:v40+s21+$0x0] =	vst.idx.msk $0xffff, v41  }
0xd7: {  	v24 =	vor.u32 v15, v25;
	v63 =	vor.u32 v2, v23;
	v39 =	vld.idx.msk [tilespmem:v39+s11+$0x0], $0xffff;
	[tilespmem:v54+s21+$0x0] =	vst.idx.msk $0xffff, v47  }
0xd8: {  	v58 =	vor.u32 v4, v23;
	v41 =	vld.idx.msk [tilespmem:v28+s11+$0x0], $0xffff;
	[tilespmem:v59+s21+$0x0] =	vst.idx.msk $0xffff, v62;
	v62 =	vor.u32 v11, v34  }
0xd9: {  	v29 =	vor.u32 v14, v31;
	v47 =	vor.u32 v11, v20;
	v38 =	vld.idx.msk [tilespmem:v55+s11+$0x0], $0xffff;
	[tilespmem:v48+s21+$0x0] =	vst.idx.msk $0xffff, v51  }
0xda: {  	v54 =	vor.u32 v11, v35;
	v52 =	vld.idx.msk [tilespmem:v52+s11+$0x0], $0xffff;
	[tilespmem:v49+s21+$0x0] =	vst.idx.msk $0xffff, v44;
	v44 =	vor.u32 v12, v31  }
0xdb: {  	v26 =	vor.u32 v15, v20;
	v55 =	vor.u32 v3, v17;
	v49 =	vor.u32 v12, v36;
	v53 =	vld.idx.msk [tilespmem:v53+s11+$0x0], $0xffff  }
0xdc: {  	v40 =	vor.u32 v4, v16;
	[tilespmem:v60+s21+$0x0] =	vst.idx.msk $0xffff, v50;
	v50 =	vor.u32 v3, v25;
	v57 =	vld.idx.msk [tilespmem:v63+s11+$0x0], $0xffff  }
0xdd: {  	v59 =	vor.u32 v13, v37;
	v31 =	vor.u32 v14, v36;
	v51 =	vld.idx.msk [tilespmem:v61+s11+$0x0], $0xffff;
	[tilespmem:v62+s21+$0x0] =	vst.idx.msk $0xffff, v41  }
0xde: {  	v60 =	vor.u32 v3, v21;
	v63 =	vor.u32 v14, v33;
	[tilespmem:v47+s21+$0x0] =	vst.idx.msk $0xffff, v45;
	v36 =	vld.idx.msk [tilespmem:v56+s11+$0x0], $0xffff  }
0xdf: {  	v47 =	vor.u32 v3, v19;
	v45 =	vor.u32 v4, v18;
	[tilespmem:v54+s21+$0x0] =	vst.idx.msk $0xffff, v39;
	v33 =	vld.idx.msk [tilespmem:v44+s11+$0x0], $0xffff  }
0xe0: {  	v48 =	vor.u32 v4, v22;
	v41 =	vor.u32 v13, v34;
	[tilespmem:v55+s21+$0x0] =	vst.idx.msk $0xffff, v52;
	v37 =	vld.idx.msk [tilespmem:v49+s11+$0x0], $0xffff  }
0xe1: {  	v43 =	vor.u32 v5, v17;
	v42 =	vld.idx.msk [tilespmem:v40+s11+$0x0], $0xffff;
	[tilespmem:v50+s21+$0x0] =	vst.idx.msk $0xffff, v57;
	v40 =	vor.u32 v13, v35  }
0xe2: {  	v28 =	vor.u32 v15, v35;
	v34 =	vor.u32 v15, v34;
	[tilespmem:v59+s21+$0x0] =	vst.idx.msk $0xffff, v51;
	v46 =	vld.idx.msk [tilespmem:v58+s11+$0x0], $0xffff  }
0xe3: {  	s0 =	simm.s32 $0x8;
	v44 =	vor.u32 v6, v16;
	[tilespmem:v60+s21+$0x0] =	vst.idx.msk $0xffff, v53;
	v49 =	vor.u32 v5, v25;
	v39 =	vld.idx.msk [tilespmem:v63+s11+$0x0], $0xffff  }
.LBB2_7:
0xe4: {  	p1 =	slt.u32 s0, $0x3C;
	v35 =	vor.u32 v10, v16;
	[tilespmem:v47+s21+$0x0] =	vst.idx.msk $0xffff, v38;
	v38 =	vld.idx.msk [tilespmem:v45+s11+$0x0], $0xffff;
	v20 =	vor.u32 v13, v20;
	s1 =	smov.u32 s0;
	s0 =	sadd.s32 $0x4, s0  }
0xe5: {  	v47 =	vor.u32 v10, v22;
	v45 =	vld.idx.msk [tilespmem:v48+s11+$0x0], $0xffff;
	v48 =	vor.u32 v5, v21;
	[tilespmem:v41+s21+$0x0] =	vst.idx.msk $0xffff, v36  }
0xe6: {  	v36 =	vor.u32 v5, v19;
	v41 =	vor.u32 v6, v18;
	v50 =	vld.idx.msk [tilespmem:v32+s11+$0x0], $0xffff;
	[tilespmem:v40+s21+$0x0] =	vst.idx.msk $0xffff, v37  }
0xe7: {  	v37 =	vor.u32 v6, v22;
	v40 =	vor.u32 v10, v18;
	[tilespmem:v43+s21+$0x0] =	vst.idx.msk $0xffff, v42;
	v31 =	vld.idx.msk [tilespmem:v31+s11+$0x0], $0xffff  }
0xe8: {  	v43 =	vor.u32 v9, v19;
	v42 =	vld.idx.msk [tilespmem:v44+s11+$0x0], $0xffff;
	[tilespmem:v49+s21+$0x0] =	vst.idx.msk $0xffff, v46;
	v44 =	vor.u32 v10, v23  }
0xe9: {  	v46 =	vor.u32 v7, v17;
	v49 =	vor.u32 v8, v22;
	v30 =	vld.idx.msk [tilespmem:v30+s11+$0x0], $0xffff;
	[tilespmem:v27+s21+$0x0] =	vst.idx.msk $0xffff, v39  }
0xea: {  	v32 =	vmov v22;
	v27 =	vor.u32 v8, v16;
	[tilespmem:v48+s21+$0x0] =	vst.idx.msk $0xffff, v38;
	v38 =	vor.u32 v7, v25  }
0xeb: {  	v39 =	vor.u32 v8, v23;
	[tilespmem:v36+s21+$0x0] =	vst.idx.msk $0xffff, v45;
	v36 =	vld.idx.msk [tilespmem:v41+s11+$0x0], $0xffff;
	v41 =	vor.u32 v9, v25  }
0xec: {  	v48 =	vor.u32 v8, v18;
	v45 =	vor.u32 v7, v21;
	v37 =	vld.idx.msk [tilespmem:v37+s11+$0x0], $0xffff;
	[tilespmem:v34+s21+$0x0] =	vst.idx.msk $0xffff, v50  }
0xed: {  	v51 =	vor.u32 v7, v19;
	s12 =	sadd.s32 $0x1, s1;
	s14 =	sadd.s32 $0x2, s1;
	v34 =	vadd.s32 s1, v0;
	s1 =	sadd.s32 $0x3, s1;
	v50 =	vor.u32 v9, v17;
	[tilespmem:v20+s21+$0x0] =	vst.idx.msk $0xffff, v33  }
0xee: {  	v20 =	vadd.s32 s12, v0;
	v33 =	vadd.s32 s14, v0;
	v52 =	vadd.s32 s1, v0;
	[tilespmem:v46+s21+$0x0] =	vst.idx.msk $0xffff, v42;
	v42 =	vmovc v18;
	v46 =	vmovc v16  }
0xef: {  	v55 =	vmovc v23;
	v22 =	vand.u32 $0x3F, v20;
	v18 =	vand.u32 $0x3F, v33;
	v53 =	vshll.u32 v52, $0x7;
	v54 =	vld.idx.msk [tilespmem:v27+s11+$0x0], $0xffff;
	[tilespmem:v38+s21+$0x0] =	vst.idx.msk $0xffff, v30  }
0xf0: {  	v57 =	vmovc v19;
	v16 =	vand.u32 $0x3F, v34;
	v38 =	vor.u32 v1, v22;
	v56 =	vor.u32 v1, v18;
	v39 =	vld.idx.msk [tilespmem:v39+s11+$0x0], $0xffff  }
0xf1: {  	v19 =	vshll.u32 v20, $0x7;
	v23 =	vand.u32 $0x3F, v52;
	v58 =	vor.u32 v1, v16;
	[tilespmem:v45+s21+$0x0] =	vst.idx.msk $0xffff, v36;
	v29 =	vld.idx.msk [tilespmem:v29+s11+$0x0], $0xffff  }
0xf2: {  	v19 =	vand.u32 $0x1F80, v19;
	v36 =	vor.u32 v1, v23;
	[tilespmem:v51+s21+$0x0] =	vst.idx.msk $0xffff, v37;
	v37 =	vmovc v25;
	v25 =	vand.u32 $0x1F80, v53  }
0xf3: {  	v30 =	vor.u32 v6, v23;
	v20 =	vmov v17;
	v45 =	vshll.u32 v34, $0x7;
	v34 =	vld.idx.msk [tilespmem:v48+s11+$0x0], $0xffff;
	[tilespmem:v28+s21+$0x0] =	vst.idx.msk $0xffff, v31  }
0xf4: {  	v27 =	vmovc v24;
	v17 =	vand.u32 $0x1F80, v45;
	v28 =	vshll.u32 v33, $0x7;
	v33 =	vor.u32 v9, v21;
	v31 =	vld.idx.msk [tilespmem:v49+s11+$0x0], $0xffff;
	v49 =	vmovc v21  }
0xf5: {  	v45 =	vor.u32 v0, v17;
	v21 =	vand.u32 $0x1F80, v28;
	v38 =	vld.idx.msk [tilespmem:v38+s11+$0x0], $0xffff;
	[tilespmem:v50+s21+$0x0] =	vst.idx.msk $0xffff, v54  }
0xf6: {  	v51 =	vor.u32 v0, v25;
	v50 =	vor.u32 v0, v21;
	v48 =	vld.idx.msk [tilespmem:v58+s11+$0x0], $0xffff;
	[tilespmem:v41+s21+$0x0] =	vst.idx.msk $0xffff, v39  }
0xf7: {  	v39 =	vor.u32 v2, v16;
	v41 =	vor.u32 v2, v18;
	v44 =	vld.idx.msk [tilespmem:v44+s11+$0x0], $0xffff;
	[tilespmem:v26+s21+$0x0] =	vst.idx.msk $0xffff, v29  }
0xf8: {  	v52 =	vor.u32 v0, v19;
	v24 =	vor.u32 v15, v25;
	v36 =	vld.idx.msk [tilespmem:v36+s11+$0x0], $0xffff  }
0xf9: {  	v53 =	vor.u32 v2, v22;
	v29 =	vor.u32 v14, v46;
	v54 =	vld.idx.msk [tilespmem:v56+s11+$0x0], $0xffff;
	[tilespmem:v33+s21+$0x0] =	vst.idx.msk $0xffff, v34  }
0xfa: {  	v33 =	vor.u32 v2, v23;
	[tilespmem:v43+s21+$0x0] =	vst.idx.msk $0xffff, v31;
	v34 =	vld.idx.msk [tilespmem:v40+s11+$0x0], $0xffff;
	v40 =	vor.u32 v11, v37  }
0xfb: {  	v28 =	vor.u32 v15, v49;
	v26 =	vor.u32 v15, v20;
	v43 =	vld.idx.msk [tilespmem:v47+s11+$0x0], $0xffff;
	v47 =	vor.u32 v12, v55  }
0xfc: {  	[tilespmem:v45+s21+$0x0] =	vst.idx.msk $0xffff, v48;
	v35 =	vld.idx.msk [tilespmem:v35+s11+$0x0], $0xffff;
	v45 =	vor.u32 v11, v57;
	v48 =	vor.u32 v12, v32  }
0xfd: {  	v56 =	vor.u32 v11, v49;
	v39 =	vld.idx.msk [tilespmem:v39+s11+$0x0], $0xffff;
	[tilespmem:v52+s21+$0x0] =	vst.idx.msk $0xffff, v38;
	v52 =	vor.u32 v11, v20  }
0xfe: {  	v46 =	vor.u32 v12, v46;
	v38 =	vld.idx.msk [tilespmem:v53+s11+$0x0], $0xffff;
	[tilespmem:v51+s21+$0x0] =	vst.idx.msk $0xffff, v36;
	v51 =	vor.u32 v12, v42  }
0xff: {  	v31 =	vor.u32 v14, v42;
	v53 =	vor.u32 v3, v17;
	v58 =	vld.idx.msk [tilespmem:v33+s11+$0x0], $0xffff;
	[tilespmem:v40+s21+$0x0] =	vst.idx.msk $0xffff, v44  }
0x100: {  	v40 =	vor.u32 v4, v16;
	v44 =	vor.u32 v3, v25;
	[tilespmem:v50+s21+$0x0] =	vst.idx.msk $0xffff, v54;
	v50 =	vld.idx.msk [tilespmem:v47+s11+$0x0], $0xffff  }
0x101: {  	v59 =	vor.u32 v4, v23;
	v60 =	vor.u32 v13, v37;
	v54 =	vld.idx.msk [tilespmem:v41+s11+$0x0], $0xffff;
	[tilespmem:v45+s21+$0x0] =	vst.idx.msk $0xffff, v43  }
0x102: {  	v61 =	vor.u32 v3, v21;
	[tilespmem:v52+s21+$0x0] =	vst.idx.msk $0xffff, v35;
	v36 =	vld.idx.msk [tilespmem:v48+s11+$0x0], $0xffff;
	v35 =	vor.u32 v14, v55  }
.Ltmp4:
0x103: {  	v47 =	vor.u32 v3, v19;
	v45 =	vor.u32 v4, v18;
	v33 =	vld.idx.msk [tilespmem:v46+s11+$0x0], $0xffff;
	[tilespmem:v56+s21+$0x0] =	vst.idx.msk $0xffff, v34;
	(pc) =	sbr.rel @p1 .LBB2_7-.Ltmp4, $4  }
0x104: {  	v41 =	vor.u32 v13, v57;
	v48 =	vor.u32 v4, v22;
	[tilespmem:v53+s21+$0x0] =	vst.idx.msk $0xffff, v39;
	v37 =	vld.idx.msk [tilespmem:v51+s11+$0x0], $0xffff  }
0x105: {  	v32 =	vor.u32 v14, v32;
	v42 =	vld.idx.msk [tilespmem:v40+s11+$0x0], $0xffff;
	[tilespmem:v44+s21+$0x0] =	vst.idx.msk $0xffff, v58;
	v40 =	vor.u32 v13, v49  }
0x106: {  	v43 =	vor.u32 v5, v17;
	v34 =	vor.u32 v15, v57;
	v46 =	vld.idx.msk [tilespmem:v59+s11+$0x0], $0xffff;
	[tilespmem:v60+s21+$0x0] =	vst.idx.msk $0xffff, v50  }
0x107: {  	v44 =	vor.u32 v6, v16;
	v49 =	vor.u32 v5, v25;
	[tilespmem:v61+s21+$0x0] =	vst.idx.msk $0xffff, v54;
	v39 =	vld.idx.msk [tilespmem:v35+s11+$0x0], $0xffff  }
0x108: {  	_ =	sdelay $0x3  }
0x109: {  	[tilespmem:v47+s21+$0x0] =	vst.idx.msk $0xffff, v38;
	v45 =	vld.idx.msk [tilespmem:v45+s11+$0x0], $0xffff;
	v62 =	vor.u32 v5, v21  }
0x10a: {  	v61 =	vor.u32 v5, v19;
	v50 =	vor.u32 v6, v18;
	v35 =	vld.idx.msk [tilespmem:v48+s11+$0x0], $0xffff  }
0x10b: {  	v63 =	vor.u32 v6, v22;
	_ =	sdelay $0x1  }
0x10c: {  	[tilespmem:v49+s21+$0x0] =	vst.idx.msk $0xffff, v46  }
0x10d: {  	v52 =	vor.u32 v7, v25;
	v30 =	vld.idx.msk [tilespmem:v30+s11+$0x0], $0xffff;
	[tilespmem:v62+s21+$0x0] =	vst.idx.msk $0xffff, v45  }
0x10e: {  	v53 =	vor.u32 v8, v23;
	v57 =	vor.u32 v7, v21;
	[tilespmem:v61+s21+$0x0] =	vst.idx.msk $0xffff, v35;
	v56 =	vld.idx.msk [tilespmem:v50+s11+$0x0], $0xffff  }
0x10f: {  	v54 =	vor.u32 v7, v19;
	v59 =	vor.u32 v8, v18;
	[tilespmem:v43+s21+$0x0] =	vst.idx.msk $0xffff, v42;
	v38 =	vld.idx.msk [tilespmem:v63+s11+$0x0], $0xffff  }
0x110: {  	v55 =	vor.u32 v8, v22;
	v58 =	vor.u32 v7, v17;
	v44 =	vld.idx.msk [tilespmem:v44+s11+$0x0], $0xffff  }
0x111: {  	v60 =	vor.u32 v8, v16  }
0x112: {  	[tilespmem:v52+s21+$0x0] =	vst.idx.msk $0xffff, v30  }
0x113: {  	v30 =	vor.u32 v9, v25;
	v35 =	vld.idx.msk [tilespmem:v53+s11+$0x0], $0xffff;
	[tilespmem:v57+s21+$0x0] =	vst.idx.msk $0xffff, v56  }
0x114: {  	v62 =	vor.u32 v10, v23;
	v53 =	vor.u32 v9, v21;
	[tilespmem:v54+s21+$0x0] =	vst.idx.msk $0xffff, v38;
	v52 =	vld.idx.msk [tilespmem:v59+s11+$0x0], $0xffff  }
0x115: {  	v61 =	vor.u32 v9, v19;
	[tilespmem:v58+s21+$0x0] =	vst.idx.msk $0xffff, v44;
	v54 =	vor.u32 v10, v18;
	v42 =	vld.idx.msk [tilespmem:v55+s11+$0x0], $0xffff  }
0x116: {  	v63 =	vor.u32 v10, v22;
	v56 =	vld.idx.msk [tilespmem:v60+s11+$0x0], $0xffff;
	v55 =	vor.u32 v9, v17  }
0x117: {  	[tilespmem:v41+s21+$0x0] =	vst.idx.msk $0xffff, v36;
	v57 =	vor.u32 v10, v16  }
0x118: {  	[tilespmem:v30+s21+$0x0] =	vst.idx.msk $0xffff, v35  }
0x119: {  	v58 =	vor.u32 v11, v25;
	v30 =	vld.idx.msk [tilespmem:v62+s11+$0x0], $0xffff;
	[tilespmem:v53+s21+$0x0] =	vst.idx.msk $0xffff, v52  }
0x11a: {  	v48 =	vor.u32 v11, v21;
	v60 =	vor.u32 v12, v23;
	[tilespmem:v61+s21+$0x0] =	vst.idx.msk $0xffff, v42;
	v62 =	vld.idx.msk [tilespmem:v54+s11+$0x0], $0xffff  }
0x11b: {  	v51 =	vor.u32 v12, v18;
	v61 =	vor.u32 v11, v19;
	[tilespmem:v55+s21+$0x0] =	vst.idx.msk $0xffff, v56;
	v59 =	vld.idx.msk [tilespmem:v63+s11+$0x0], $0xffff  }
0x11c: {  	[tilespmem:v40+s21+$0x0] =	vst.idx.msk $0xffff, v37;
	v50 =	vor.u32 v11, v17;
	v63 =	vor.u32 v12, v22;
	v49 =	vld.idx.msk [tilespmem:v57+s11+$0x0], $0xffff  }
0x11d: {  	v20 =	vor.u32 v13, v20;
	[tilespmem:v27+s21+$0x0] =	vst.idx.msk $0xffff, v39;
	v27 =	vor.u32 v12, v16  }
0x11e: {  	v32 =	vld.idx.msk [tilespmem:v32+s11+$0x0], $0xffff;
	[tilespmem:v58+s21+$0x0] =	vst.idx.msk $0xffff, v30  }
0x11f: {  	v25 =	vor.u32 v13, v25;
	v30 =	vld.idx.msk [tilespmem:v60+s11+$0x0], $0xffff;
	[tilespmem:v48+s21+$0x0] =	vst.idx.msk $0xffff, v62  }
0x120: {  	v23 =	vor.u32 v14, v23;
	v55 =	vor.u32 v13, v21;
	[tilespmem:v61+s21+$0x0] =	vst.idx.msk $0xffff, v59;
	v54 =	vld.idx.msk [tilespmem:v51+s11+$0x0], $0xffff  }
0x121: {  	v18 =	vor.u32 v14, v18;
	v53 =	vor.u32 v13, v19;
	[tilespmem:v50+s21+$0x0] =	vst.idx.msk $0xffff, v49;
	v52 =	vld.idx.msk [tilespmem:v63+s11+$0x0], $0xffff  }
0x122: {  	[tilespmem:v20+s21+$0x0] =	vst.idx.msk $0xffff, v33;
	v56 =	vor.u32 v13, v17;
	v22 =	vor.u32 v14, v22;
	v27 =	vld.idx.msk [tilespmem:v27+s11+$0x0], $0xffff  }
0x123: {  	v31 =	vld.idx.msk [tilespmem:v31+s11+$0x0], $0xffff;
	[tilespmem:v34+s21+$0x0] =	vst.idx.msk $0xffff, v32;
	v16 =	vor.u32 v14, v16  }
0x124: {  	v20 =	vld.idx.msk [tilespmem:v29+s11+$0x0], $0xffff;
	[tilespmem:v25+s21+$0x0] =	vst.idx.msk $0xffff, v30  }
0x125: {  	v23 =	vld.idx.msk [tilespmem:v23+s11+$0x0], $0xffff;
	[tilespmem:v55+s21+$0x0] =	vst.idx.msk $0xffff, v54  }
0x126: {  	v21 =	vor.u32 v15, v21;
	[tilespmem:v53+s21+$0x0] =	vst.idx.msk $0xffff, v52;
	v18 =	vld.idx.msk [tilespmem:v18+s11+$0x0], $0xffff  }
0x127: {  	v19 =	vor.u32 v15, v19;
	[tilespmem:v56+s21+$0x0] =	vst.idx.msk $0xffff, v27;
	v22 =	vld.idx.msk [tilespmem:v22+s11+$0x0], $0xffff  }
0x128: {  	[tilespmem:v28+s21+$0x0] =	vst.idx.msk $0xffff, v31;
	v17 =	vor.u32 v15, v17;
	v16 =	vld.idx.msk [tilespmem:v16+s11+$0x0], $0xffff  }
0x129: {  	s0 =	sadd.s32 s5, s31;
	[tilespmem:v26+s21+$0x0] =	vst.idx.msk $0xffff, v20  }
0x12a: {  	s1 =	sshll.u32 s0, $0x7;
	[tilespmem:v24+s21+$0x0] =	vst.idx.msk $0xffff, v23  }
0x12b: {  	s0 =	sshll.u32 s0, $0xA;
	s1 =	sand.u32 $0xE80, s1;
	[tilespmem:v21+s21+$0x0] =	vst.idx.msk $0xffff, v18  }
0x12c: {  	s0 =	sand.u32 $0xFFF8000, s0;
	s1 =	sadd.s32 s2, s1;
	[tilespmem:v19+s21+$0x0] =	vst.idx.msk $0xffff, v22  }
0x12d: {  	s0 =	sadd.s32 s0, s1;
	[tilespmem:v17+s21+$0x0] =	vst.idx.msk $0xffff, v16  }
0x12e: {  	[hbm4b:s0+s18] =	stream.strided.scatter [tilespmem:s21], [sflag:$0x6], $0x2000, s19, s18, $0x38;
	[tilespmem:$0x12400] =	vst v63  }
0x12f: {  	s12 =	simm.s32 @!p0 $0x8400;
	s1 =	simm.s32 @!p0 $0x80;
	s0 =	sadd.s32 @!p0 $0x280, s30  }
0x130: {  	[tilespmem:s12], [sflag:$0x2] =	stream.indirect.gather @!p0 [hbm4b:s4+s1], $0x40, s0, s1, $0xb8;
	[tilespmem:$0x12400] =	vst v63  }
0x131: {  	s1 =	simm.s32 $0x0  }
0x132: {  	v16 =	vadd.s32 s1, v0  }
0x133: {  	s12 =	simm.s32 $0x3;
	_ =	swait.ge [sflag:s22], $0x2000;
	v31 =	vand.u32 $0x3F, v16  }
0x134: {  	s14 =	simm.s32 $0x2;
	v17 =	vadd.s32 s12, v0;
	[sflag:s22] =	ssyncset.done $0x0;
	v18 =	vor.u32 v1, v31  }
0x135: {  	s31 =	simm.s32 $0x1;
	v19 =	vadd.s32 s14, v0;
	v33 =	vand.u32 $0x3F, v17;
	[sflag:s22] =	ssyncadd.s32 $0xFFFFE000  }
0x136: {  	v22 =	vadd.s32 s31, v0;
	v36 =	vand.u32 $0x3F, v19;
	v21 =	vor.u32 v1, v33;
	_ =	swait.ge [sflag:s23], $0x2000  }
0x137: {  	v32 =	vand.u32 $0x3F, v22;
	v23 =	vor.u32 v1, v36;
	v16 =	vshll.u32 v16, $0x7;
	[sflag:s23] =	ssyncset.done $0x0  }
0x138: {  	v24 =	vor.u32 v1, v32;
	v17 =	vshll.u32 v17, $0x7;
	v20 =	vand.u32 $0x1F80, v16;
	[sflag:s23] =	ssyncadd.s32 $0xFFFFE000  }
0x139: {  	v37 =	vand.u32 $0x1F80, v17;
	v16 =	vor.u32 v0, v20;
	v17 =	vld.idx.msk [tilespmem:v18+s13+$0x0], $0xffff  }
0x13a: {  	v25 =	vor.u32 v2, v31;
	v18 =	vshll.u32 v19, $0x7  }
0x13b: {  	v22 =	vshll.u32 v22, $0x7;
	v19 =	vor.u32 v0, v37;
	v21 =	vld.idx.msk [tilespmem:v21+s13+$0x0], $0xffff;
	v35 =	vand.u32 $0x1F80, v18  }
0x13c: {  	v34 =	vand.u32 $0x1F80, v22;
	v23 =	vld.idx.msk [tilespmem:v23+s13+$0x0], $0xffff;
	v18 =	vor.u32 v2, v33;
	v22 =	vor.u32 v0, v35  }
0x13d: {  	v26 =	vor.u32 v2, v36;
	v27 =	vor.u32 v0, v34;
	v24 =	vld.idx.msk [tilespmem:v24+s13+$0x0], $0xffff  }
0x13e: {  	v28 =	vor.u32 v2, v32;
	[tilespmem:v16+s17+$0x0] =	vst.idx.msk $0xffff, v17  }
0x13f: {  	v17 =	vor.u32 v3, v20;
	v16 =	vld.idx.msk [tilespmem:v25+s13+$0x0], $0xffff  }
0x140: {  	[tilespmem:v19+s17+$0x0] =	vst.idx.msk $0xffff, v21  }
0x141: {  	v19 =	vor.u32 v4, v31;
	v21 =	vor.u32 v3, v37;
	v18 =	vld.idx.msk [tilespmem:v18+s13+$0x0], $0xffff;
	[tilespmem:v22+s17+$0x0] =	vst.idx.msk $0xffff, v23  }
0x142: {  	[tilespmem:v27+s17+$0x0] =	vst.idx.msk $0xffff, v24;
	v24 =	vor.u32 v3, v35;
	v22 =	vor.u32 v4, v33;
	v23 =	vld.idx.msk [tilespmem:v26+s13+$0x0], $0xffff  }
0x143: {  	v25 =	vld.idx.msk [tilespmem:v28+s13+$0x0], $0xffff;
	v28 =	vor.u32 v4, v36;
	v26 =	vor.u32 v3, v34  }
0x144: {  	s14 =	simm.s32 $0x6;
	[tilespmem:v17+s17+$0x0] =	vst.idx.msk $0xffff, v16;
	v16 =	vor.u32 v4, v32  }
0x145: {  	v55 =	vadd.s32 s14, v0  }
0x146: {  	v39 =	vor.u32 v10, v36;
	[tilespmem:v21+s17+$0x0] =	vst.idx.msk $0xffff, v18;
	v18 =	vor.u32 v5, v20;
	v17 =	vld.idx.msk [tilespmem:v19+s13+$0x0], $0xffff  }
0x147: {  	v21 =	vor.u32 v6, v31;
	v19 =	vld.idx.msk [tilespmem:v22+s13+$0x0], $0xffff;
	v22 =	vor.u32 v5, v37;
	[tilespmem:v24+s17+$0x0] =	vst.idx.msk $0xffff, v23  }
0x148: {  	v29 =	vor.u32 v6, v33;
	[tilespmem:v26+s17+$0x0] =	vst.idx.msk $0xffff, v25;
	v24 =	vor.u32 v5, v35;
	v23 =	vld.idx.msk [tilespmem:v28+s13+$0x0], $0xffff  }
0x149: {  	v41 =	vor.u32 v8, v32;
	v25 =	vor.u32 v5, v34;
	v26 =	vor.u32 v6, v36;
	v16 =	vld.idx.msk [tilespmem:v16+s13+$0x0], $0xffff  }
0x14a: {  	v57 =	vor.u32 v8, v36;
	v40 =	vor.u32 v9, v34;
	v58 =	vor.u32 v7, v34;
	s1 =	simm.s32 $0x5;
	s12 =	simm.s32 $0x4  }
0x14b: {  	v59 =	vadd.s32 s1, v0;
	v62 =	vadd.s32 s12, v0;
	[tilespmem:v18+s17+$0x0] =	vst.idx.msk $0xffff, v17;
	v17 =	vor.u32 v6, v32  }
0x14c: {  	v38 =	vor.u32 v10, v31;
	[tilespmem:v22+s17+$0x0] =	vst.idx.msk $0xffff, v19;
	v19 =	vor.u32 v7, v20;
	v18 =	vld.idx.msk [tilespmem:v21+s13+$0x0], $0xffff  }
0x14d: {  	v30 =	vor.u32 v7, v37;
	v21 =	vld.idx.msk [tilespmem:v29+s13+$0x0], $0xffff;
	v29 =	vor.u32 v8, v31;
	[tilespmem:v24+s17+$0x0] =	vst.idx.msk $0xffff, v23  }
0x14e: {  	v23 =	vor.u32 v8, v33;
	v24 =	vld.idx.msk [tilespmem:v26+s13+$0x0], $0xffff;
	[tilespmem:v25+s17+$0x0] =	vst.idx.msk $0xffff, v16;
	v25 =	vor.u32 v7, v35  }
0x14f: {  	v61 =	vor.u32 v10, v33;
	v54 =	vor.u32 v9, v20;
	v16 =	vand.u32 $0x3F, v62  }
0x150: {  	v27 =	vor.u32 v15, v37;
	v28 =	vor.u32 v10, v32;
	v17 =	vld.idx.msk [tilespmem:v17+s13+$0x0], $0xffff;
	v60 =	vor.u32 v1, v16  }
0x151: {  	s31 =	simm.s32 $0x7;
	v22 =	vand.u32 $0x3F, v59;
	v26 =	vor.u32 v9, v37;
	v52 =	vor.u32 v2, v16;
	[tilespmem:v19+s17+$0x0] =	vst.idx.msk $0xffff, v18  }
0x152: {  	[tilespmem:v30+s17+$0x0] =	vst.idx.msk $0xffff, v21;
	v21 =	vor.u32 v1, v22;
	v19 =	vadd.s32 s31, v0;
	v18 =	vand.u32 $0x3F, v55;
	v29 =	vld.idx.msk [tilespmem:v29+s13+$0x0], $0xffff  }
0x153: {  	v56 =	vld.idx.msk [tilespmem:v23+s13+$0x0], $0xffff;
	v51 =	vor.u32 v1, v18;
	v23 =	vand.u32 $0x3F, v19;
	[tilespmem:v25+s17+$0x0] =	vst.idx.msk $0xffff, v24  }
0x154: {  	v53 =	vor.u32 v2, v18;
	v63 =	vor.u32 v1, v23;
	v30 =	vor.u32 v6, v23;
	v42 =	vld.idx.msk [tilespmem:v57+s13+$0x0], $0xffff  }
0x155: {  	[tilespmem:v58+s17+$0x0] =	vst.idx.msk $0xffff, v17;
	v17 =	vshll.u32 v62, $0x7;
	v57 =	vor.u32 v9, v35;
	v62 =	vld.idx.msk [tilespmem:v60+s13+$0x0], $0xffff  }
0x156: {  	v24 =	vshll.u32 v19, $0x7;
	v19 =	vshll.u32 v59, $0x7;
	v41 =	vld.idx.msk [tilespmem:v41+s13+$0x0], $0xffff;
	v17 =	vand.u32 $0x1F80, v17  }
0x157: {  	v19 =	vand.u32 $0x1F80, v19;
	v58 =	vshll.u32 v55, $0x7;
	v47 =	vld.idx.msk [tilespmem:v21+s13+$0x0], $0xffff;
	[tilespmem:v54+s17+$0x0] =	vst.idx.msk $0xffff, v29;
	v59 =	vor.u32 v0, v17  }
0x158: {  	v25 =	vand.u32 $0x1F80, v24;
	v21 =	vand.u32 $0x1F80, v58;
	[tilespmem:v26+s17+$0x0] =	vst.idx.msk $0xffff, v56;
	v54 =	vor.u32 v0, v19;
	v51 =	vld.idx.msk [tilespmem:v51+s13+$0x0], $0xffff  }
0x159: {  	v55 =	vor.u32 v2, v22;
	v60 =	vor.u32 v11, v37;
	v48 =	vor.u32 v0, v21;
	v50 =	vld.idx.msk [tilespmem:v61+s13+$0x0], $0xffff  }
0x15a: {  	v49 =	vor.u32 v0, v25;
	v24 =	vor.u32 v15, v25;
	v44 =	vld.idx.msk [tilespmem:v63+s13+$0x0], $0xffff;
	[tilespmem:v57+s17+$0x0] =	vst.idx.msk $0xffff, v42  }
0x15b: {  	v58 =	vor.u32 v4, v23;
	v29 =	vor.u32 v14, v31;
	v45 =	vld.idx.msk [tilespmem:v38+s13+$0x0], $0xffff;
	[tilespmem:v40+s17+$0x0] =	vst.idx.msk $0xffff, v41  }
0x15c: {  	v26 =	vor.u32 v15, v20;
	v63 =	vor.u32 v2, v23;
	v39 =	vld.idx.msk [tilespmem:v39+s13+$0x0], $0xffff;
	[tilespmem:v59+s17+$0x0] =	vst.idx.msk $0xffff, v62  }
0x15d: {  	v61 =	vor.u32 v12, v33;
	v41 =	vld.idx.msk [tilespmem:v28+s13+$0x0], $0xffff;
	v62 =	vor.u32 v11, v34;
	[tilespmem:v54+s17+$0x0] =	vst.idx.msk $0xffff, v47  }
0x15e: {  	v56 =	vor.u32 v12, v32;
	v47 =	vor.u32 v11, v20;
	[tilespmem:v48+s17+$0x0] =	vst.idx.msk $0xffff, v51;
	v52 =	vld.idx.msk [tilespmem:v52+s13+$0x0], $0xffff  }
0x15f: {  	v54 =	vor.u32 v11, v35;
	v38 =	vld.idx.msk [tilespmem:v55+s13+$0x0], $0xffff;
	[tilespmem:v49+s17+$0x0] =	vst.idx.msk $0xffff, v44;
	v44 =	vor.u32 v12, v31  }
0x160: {  	v32 =	vor.u32 v14, v32;
	v49 =	vor.u32 v12, v36;
	v55 =	vor.u32 v3, v17;
	v53 =	vld.idx.msk [tilespmem:v53+s13+$0x0], $0xffff  }
0x161: {  	v40 =	vor.u32 v4, v16;
	[tilespmem:v60+s17+$0x0] =	vst.idx.msk $0xffff, v50;
	v50 =	vor.u32 v3, v25;
	v57 =	vld.idx.msk [tilespmem:v63+s13+$0x0], $0xffff  }
0x162: {  	v59 =	vor.u32 v13, v37;
	v31 =	vor.u32 v14, v36;
	v51 =	vld.idx.msk [tilespmem:v61+s13+$0x0], $0xffff;
	[tilespmem:v62+s17+$0x0] =	vst.idx.msk $0xffff, v41  }
0x163: {  	v60 =	vor.u32 v3, v21;
	v63 =	vor.u32 v14, v33;
	[tilespmem:v47+s17+$0x0] =	vst.idx.msk $0xffff, v45;
	v36 =	vld.idx.msk [tilespmem:v56+s13+$0x0], $0xffff  }
0x164: {  	v47 =	vor.u32 v3, v19;
	v45 =	vor.u32 v4, v18;
	[tilespmem:v54+s17+$0x0] =	vst.idx.msk $0xffff, v39;
	v33 =	vld.idx.msk [tilespmem:v44+s13+$0x0], $0xffff  }
0x165: {  	v48 =	vor.u32 v4, v22;
	v41 =	vor.u32 v13, v34;
	[tilespmem:v55+s17+$0x0] =	vst.idx.msk $0xffff, v52;
	v37 =	vld.idx.msk [tilespmem:v49+s13+$0x0], $0xffff  }
0x166: {  	v43 =	vor.u32 v5, v17;
	v42 =	vld.idx.msk [tilespmem:v40+s13+$0x0], $0xffff;
	[tilespmem:v50+s17+$0x0] =	vst.idx.msk $0xffff, v57;
	v40 =	vor.u32 v13, v35  }
0x167: {  	v28 =	vor.u32 v15, v35;
	v34 =	vor.u32 v15, v34;
	[tilespmem:v59+s17+$0x0] =	vst.idx.msk $0xffff, v51;
	v46 =	vld.idx.msk [tilespmem:v58+s13+$0x0], $0xffff  }
0x168: {  	s0 =	simm.s32 $0x8;
	v44 =	vor.u32 v6, v16;
	[tilespmem:v60+s17+$0x0] =	vst.idx.msk $0xffff, v53;
	v49 =	vor.u32 v5, v25;
	v39 =	vld.idx.msk [tilespmem:v63+s13+$0x0], $0xffff  }
.LBB2_9:
0x169: {  	p1 =	slt.u32 s0, $0x3C;
	v35 =	vor.u32 v10, v16;
	[tilespmem:v47+s17+$0x0] =	vst.idx.msk $0xffff, v38;
	v38 =	vld.idx.msk [tilespmem:v45+s13+$0x0], $0xffff;
	v20 =	vor.u32 v13, v20;
	s1 =	smov.u32 s0;
	s0 =	sadd.s32 $0x4, s0  }
0x16a: {  	v47 =	vor.u32 v10, v22;
	v45 =	vld.idx.msk [tilespmem:v48+s13+$0x0], $0xffff;
	v48 =	vor.u32 v5, v21;
	[tilespmem:v41+s17+$0x0] =	vst.idx.msk $0xffff, v36  }
0x16b: {  	v36 =	vor.u32 v5, v19;
	v41 =	vor.u32 v6, v18;
	v50 =	vld.idx.msk [tilespmem:v32+s13+$0x0], $0xffff;
	[tilespmem:v40+s17+$0x0] =	vst.idx.msk $0xffff, v37  }
0x16c: {  	v37 =	vor.u32 v6, v22;
	v40 =	vor.u32 v10, v18;
	[tilespmem:v43+s17+$0x0] =	vst.idx.msk $0xffff, v42;
	v31 =	vld.idx.msk [tilespmem:v31+s13+$0x0], $0xffff  }
0x16d: {  	v43 =	vor.u32 v9, v19;
	v42 =	vld.idx.msk [tilespmem:v44+s13+$0x0], $0xffff;
	[tilespmem:v49+s17+$0x0] =	vst.idx.msk $0xffff, v46;
	v44 =	vor.u32 v10, v23  }
0x16e: {  	v46 =	vor.u32 v7, v17;
	v49 =	vor.u32 v8, v22;
	v30 =	vld.idx.msk [tilespmem:v30+s13+$0x0], $0xffff;
	[tilespmem:v27+s17+$0x0] =	vst.idx.msk $0xffff, v39  }
0x16f: {  	v32 =	vmov v22;
	v27 =	vor.u32 v8, v16;
	[tilespmem:v48+s17+$0x0] =	vst.idx.msk $0xffff, v38;
	v38 =	vor.u32 v7, v25  }
0x170: {  	v39 =	vor.u32 v8, v23;
	[tilespmem:v36+s17+$0x0] =	vst.idx.msk $0xffff, v45;
	v36 =	vld.idx.msk [tilespmem:v41+s13+$0x0], $0xffff;
	v41 =	vor.u32 v9, v25  }
0x171: {  	v48 =	vor.u32 v8, v18;
	v45 =	vor.u32 v7, v21;
	v37 =	vld.idx.msk [tilespmem:v37+s13+$0x0], $0xffff;
	[tilespmem:v34+s17+$0x0] =	vst.idx.msk $0xffff, v50  }
0x172: {  	v51 =	vor.u32 v7, v19;
	s12 =	sadd.s32 $0x1, s1;
	s14 =	sadd.s32 $0x2, s1;
	v34 =	vadd.s32 s1, v0;
	s1 =	sadd.s32 $0x3, s1;
	v50 =	vor.u32 v9, v17;
	[tilespmem:v20+s17+$0x0] =	vst.idx.msk $0xffff, v33  }
0x173: {  	v20 =	vadd.s32 s12, v0;
	v33 =	vadd.s32 s14, v0;
	v52 =	vadd.s32 s1, v0;
	[tilespmem:v46+s17+$0x0] =	vst.idx.msk $0xffff, v42;
	v42 =	vmovc v18;
	v46 =	vmovc v16  }
0x174: {  	v55 =	vmovc v23;
	v22 =	vand.u32 $0x3F, v20;
	v18 =	vand.u32 $0x3F, v33;
	v53 =	vshll.u32 v52, $0x7;
	v54 =	vld.idx.msk [tilespmem:v27+s13+$0x0], $0xffff;
	[tilespmem:v38+s17+$0x0] =	vst.idx.msk $0xffff, v30  }
0x175: {  	v57 =	vmovc v19;
	v16 =	vand.u32 $0x3F, v34;
	v38 =	vor.u32 v1, v22;
	v56 =	vor.u32 v1, v18;
	v39 =	vld.idx.msk [tilespmem:v39+s13+$0x0], $0xffff  }
0x176: {  	v19 =	vshll.u32 v20, $0x7;
	v23 =	vand.u32 $0x3F, v52;
	v58 =	vor.u32 v1, v16;
	[tilespmem:v45+s17+$0x0] =	vst.idx.msk $0xffff, v36;
	v29 =	vld.idx.msk [tilespmem:v29+s13+$0x0], $0xffff  }
0x177: {  	v19 =	vand.u32 $0x1F80, v19;
	v36 =	vor.u32 v1, v23;
	[tilespmem:v51+s17+$0x0] =	vst.idx.msk $0xffff, v37;
	v37 =	vmovc v25;
	v25 =	vand.u32 $0x1F80, v53  }
0x178: {  	v30 =	vor.u32 v6, v23;
	v20 =	vmov v17;
	v45 =	vshll.u32 v34, $0x7;
	v34 =	vld.idx.msk [tilespmem:v48+s13+$0x0], $0xffff;
	[tilespmem:v28+s17+$0x0] =	vst.idx.msk $0xffff, v31  }
0x179: {  	v27 =	vmovc v24;
	v17 =	vand.u32 $0x1F80, v45;
	v28 =	vshll.u32 v33, $0x7;
	v33 =	vor.u32 v9, v21;
	v31 =	vld.idx.msk [tilespmem:v49+s13+$0x0], $0xffff;
	v49 =	vmovc v21  }
0x17a: {  	v45 =	vor.u32 v0, v17;
	v21 =	vand.u32 $0x1F80, v28;
	v38 =	vld.idx.msk [tilespmem:v38+s13+$0x0], $0xffff;
	[tilespmem:v50+s17+$0x0] =	vst.idx.msk $0xffff, v54  }
0x17b: {  	v51 =	vor.u32 v0, v25;
	v50 =	vor.u32 v0, v21;
	v48 =	vld.idx.msk [tilespmem:v58+s13+$0x0], $0xffff;
	[tilespmem:v41+s17+$0x0] =	vst.idx.msk $0xffff, v39  }
0x17c: {  	v39 =	vor.u32 v2, v16;
	v41 =	vor.u32 v2, v18;
	v44 =	vld.idx.msk [tilespmem:v44+s13+$0x0], $0xffff;
	[tilespmem:v26+s17+$0x0] =	vst.idx.msk $0xffff, v29  }
0x17d: {  	v52 =	vor.u32 v0, v19;
	v24 =	vor.u32 v15, v25;
	v36 =	vld.idx.msk [tilespmem:v36+s13+$0x0], $0xffff  }
0x17e: {  	v53 =	vor.u32 v2, v22;
	v29 =	vor.u32 v14, v46;
	v54 =	vld.idx.msk [tilespmem:v56+s13+$0x0], $0xffff;
	[tilespmem:v33+s17+$0x0] =	vst.idx.msk $0xffff, v34  }
0x17f: {  	v33 =	vor.u32 v2, v23;
	[tilespmem:v43+s17+$0x0] =	vst.idx.msk $0xffff, v31;
	v34 =	vld.idx.msk [tilespmem:v40+s13+$0x0], $0xffff;
	v40 =	vor.u32 v11, v37  }
0x180: {  	v28 =	vor.u32 v15, v49;
	v26 =	vor.u32 v15, v20;
	v43 =	vld.idx.msk [tilespmem:v47+s13+$0x0], $0xffff;
	v47 =	vor.u32 v12, v55  }
0x181: {  	[tilespmem:v45+s17+$0x0] =	vst.idx.msk $0xffff, v48;
	v35 =	vld.idx.msk [tilespmem:v35+s13+$0x0], $0xffff;
	v45 =	vor.u32 v11, v57;
	v48 =	vor.u32 v12, v32  }
0x182: {  	v56 =	vor.u32 v11, v49;
	v39 =	vld.idx.msk [tilespmem:v39+s13+$0x0], $0xffff;
	[tilespmem:v52+s17+$0x0] =	vst.idx.msk $0xffff, v38;
	v52 =	vor.u32 v11, v20  }
0x183: {  	v46 =	vor.u32 v12, v46;
	v38 =	vld.idx.msk [tilespmem:v53+s13+$0x0], $0xffff;
	[tilespmem:v51+s17+$0x0] =	vst.idx.msk $0xffff, v36;
	v51 =	vor.u32 v12, v42  }
0x184: {  	v31 =	vor.u32 v14, v42;
	v53 =	vor.u32 v3, v17;
	v58 =	vld.idx.msk [tilespmem:v33+s13+$0x0], $0xffff;
	[tilespmem:v40+s17+$0x0] =	vst.idx.msk $0xffff, v44  }
0x185: {  	v40 =	vor.u32 v4, v16;
	v44 =	vor.u32 v3, v25;
	[tilespmem:v50+s17+$0x0] =	vst.idx.msk $0xffff, v54;
	v50 =	vld.idx.msk [tilespmem:v47+s13+$0x0], $0xffff  }
0x186: {  	v59 =	vor.u32 v4, v23;
	v60 =	vor.u32 v13, v37;
	v54 =	vld.idx.msk [tilespmem:v41+s13+$0x0], $0xffff;
	[tilespmem:v45+s17+$0x0] =	vst.idx.msk $0xffff, v43  }
0x187: {  	v61 =	vor.u32 v3, v21;
	[tilespmem:v52+s17+$0x0] =	vst.idx.msk $0xffff, v35;
	v36 =	vld.idx.msk [tilespmem:v48+s13+$0x0], $0xffff;
	v35 =	vor.u32 v14, v55  }
.Ltmp5:
0x188: {  	v47 =	vor.u32 v3, v19;
	v45 =	vor.u32 v4, v18;
	v33 =	vld.idx.msk [tilespmem:v46+s13+$0x0], $0xffff;
	[tilespmem:v56+s17+$0x0] =	vst.idx.msk $0xffff, v34;
	(pc) =	sbr.rel @p1 .LBB2_9-.Ltmp5, $4  }
0x189: {  	v41 =	vor.u32 v13, v57;
	v48 =	vor.u32 v4, v22;
	[tilespmem:v53+s17+$0x0] =	vst.idx.msk $0xffff, v39;
	v37 =	vld.idx.msk [tilespmem:v51+s13+$0x0], $0xffff  }
0x18a: {  	v32 =	vor.u32 v14, v32;
	v42 =	vld.idx.msk [tilespmem:v40+s13+$0x0], $0xffff;
	[tilespmem:v44+s17+$0x0] =	vst.idx.msk $0xffff, v58;
	v40 =	vor.u32 v13, v49  }
0x18b: {  	v43 =	vor.u32 v5, v17;
	v34 =	vor.u32 v15, v57;
	v46 =	vld.idx.msk [tilespmem:v59+s13+$0x0], $0xffff;
	[tilespmem:v60+s17+$0x0] =	vst.idx.msk $0xffff, v50  }
0x18c: {  	v44 =	vor.u32 v6, v16;
	v49 =	vor.u32 v5, v25;
	[tilespmem:v61+s17+$0x0] =	vst.idx.msk $0xffff, v54;
	v39 =	vld.idx.msk [tilespmem:v35+s13+$0x0], $0xffff  }
0x18d: {  	_ =	sdelay $0x3  }
0x18e: {  	[tilespmem:v47+s17+$0x0] =	vst.idx.msk $0xffff, v38;
	v45 =	vld.idx.msk [tilespmem:v45+s13+$0x0], $0xffff;
	v62 =	vor.u32 v5, v21  }
0x18f: {  	v61 =	vor.u32 v5, v19;
	v50 =	vor.u32 v6, v18;
	v35 =	vld.idx.msk [tilespmem:v48+s13+$0x0], $0xffff  }
0x190: {  	v63 =	vor.u32 v6, v22;
	_ =	sdelay $0x1  }
0x191: {  	[tilespmem:v49+s17+$0x0] =	vst.idx.msk $0xffff, v46  }
0x192: {  	v52 =	vor.u32 v7, v25;
	v30 =	vld.idx.msk [tilespmem:v30+s13+$0x0], $0xffff;
	[tilespmem:v62+s17+$0x0] =	vst.idx.msk $0xffff, v45  }
0x193: {  	v53 =	vor.u32 v8, v23;
	v57 =	vor.u32 v7, v21;
	[tilespmem:v61+s17+$0x0] =	vst.idx.msk $0xffff, v35;
	v56 =	vld.idx.msk [tilespmem:v50+s13+$0x0], $0xffff  }
0x194: {  	v54 =	vor.u32 v7, v19;
	v59 =	vor.u32 v8, v18;
	[tilespmem:v43+s17+$0x0] =	vst.idx.msk $0xffff, v42;
	v38 =	vld.idx.msk [tilespmem:v63+s13+$0x0], $0xffff  }
0x195: {  	v55 =	vor.u32 v8, v22;
	v58 =	vor.u32 v7, v17;
	v44 =	vld.idx.msk [tilespmem:v44+s13+$0x0], $0xffff  }
0x196: {  	v60 =	vor.u32 v8, v16  }
0x197: {  	[tilespmem:v52+s17+$0x0] =	vst.idx.msk $0xffff, v30  }
0x198: {  	v30 =	vor.u32 v9, v25;
	v35 =	vld.idx.msk [tilespmem:v53+s13+$0x0], $0xffff;
	[tilespmem:v57+s17+$0x0] =	vst.idx.msk $0xffff, v56  }
0x199: {  	v62 =	vor.u32 v10, v23;
	v53 =	vor.u32 v9, v21;
	[tilespmem:v54+s17+$0x0] =	vst.idx.msk $0xffff, v38;
	v52 =	vld.idx.msk [tilespmem:v59+s13+$0x0], $0xffff  }
0x19a: {  	v61 =	vor.u32 v9, v19;
	[tilespmem:v58+s17+$0x0] =	vst.idx.msk $0xffff, v44;
	v54 =	vor.u32 v10, v18;
	v42 =	vld.idx.msk [tilespmem:v55+s13+$0x0], $0xffff  }
0x19b: {  	v63 =	vor.u32 v10, v22;
	v56 =	vld.idx.msk [tilespmem:v60+s13+$0x0], $0xffff;
	v55 =	vor.u32 v9, v17  }
0x19c: {  	[tilespmem:v41+s17+$0x0] =	vst.idx.msk $0xffff, v36;
	v57 =	vor.u32 v10, v16  }
0x19d: {  	[tilespmem:v30+s17+$0x0] =	vst.idx.msk $0xffff, v35  }
0x19e: {  	v58 =	vor.u32 v11, v25;
	v30 =	vld.idx.msk [tilespmem:v62+s13+$0x0], $0xffff;
	[tilespmem:v53+s17+$0x0] =	vst.idx.msk $0xffff, v52  }
0x19f: {  	v48 =	vor.u32 v11, v21;
	v60 =	vor.u32 v12, v23;
	[tilespmem:v61+s17+$0x0] =	vst.idx.msk $0xffff, v42;
	v62 =	vld.idx.msk [tilespmem:v54+s13+$0x0], $0xffff  }
0x1a0: {  	v51 =	vor.u32 v12, v18;
	v61 =	vor.u32 v11, v19;
	[tilespmem:v55+s17+$0x0] =	vst.idx.msk $0xffff, v56;
	v59 =	vld.idx.msk [tilespmem:v63+s13+$0x0], $0xffff  }
0x1a1: {  	[tilespmem:v40+s17+$0x0] =	vst.idx.msk $0xffff, v37;
	v50 =	vor.u32 v11, v17;
	v63 =	vor.u32 v12, v22;
	v49 =	vld.idx.msk [tilespmem:v57+s13+$0x0], $0xffff  }
0x1a2: {  	v20 =	vor.u32 v13, v20;
	[tilespmem:v27+s17+$0x0] =	vst.idx.msk $0xffff, v39;
	v27 =	vor.u32 v12, v16  }
0x1a3: {  	v32 =	vld.idx.msk [tilespmem:v32+s13+$0x0], $0xffff;
	[tilespmem:v58+s17+$0x0] =	vst.idx.msk $0xffff, v30  }
0x1a4: {  	v25 =	vor.u32 v13, v25;
	v30 =	vld.idx.msk [tilespmem:v60+s13+$0x0], $0xffff;
	[tilespmem:v48+s17+$0x0] =	vst.idx.msk $0xffff, v62  }
0x1a5: {  	v23 =	vor.u32 v14, v23;
	v55 =	vor.u32 v13, v21;
	[tilespmem:v61+s17+$0x0] =	vst.idx.msk $0xffff, v59;
	v54 =	vld.idx.msk [tilespmem:v51+s13+$0x0], $0xffff  }
0x1a6: {  	v18 =	vor.u32 v14, v18;
	v53 =	vor.u32 v13, v19;
	[tilespmem:v50+s17+$0x0] =	vst.idx.msk $0xffff, v49;
	v52 =	vld.idx.msk [tilespmem:v63+s13+$0x0], $0xffff  }
0x1a7: {  	[tilespmem:v20+s17+$0x0] =	vst.idx.msk $0xffff, v33;
	v56 =	vor.u32 v13, v17;
	v22 =	vor.u32 v14, v22;
	v27 =	vld.idx.msk [tilespmem:v27+s13+$0x0], $0xffff  }
0x1a8: {  	v31 =	vld.idx.msk [tilespmem:v31+s13+$0x0], $0xffff;
	[tilespmem:v34+s17+$0x0] =	vst.idx.msk $0xffff, v32;
	v16 =	vor.u32 v14, v16  }
0x1a9: {  	v20 =	vld.idx.msk [tilespmem:v29+s13+$0x0], $0xffff;
	[tilespmem:v25+s17+$0x0] =	vst.idx.msk $0xffff, v30  }
0x1aa: {  	v23 =	vld.idx.msk [tilespmem:v23+s13+$0x0], $0xffff;
	[tilespmem:v55+s17+$0x0] =	vst.idx.msk $0xffff, v54  }
0x1ab: {  	v21 =	vor.u32 v15, v21;
	[tilespmem:v53+s17+$0x0] =	vst.idx.msk $0xffff, v52;
	v18 =	vld.idx.msk [tilespmem:v18+s13+$0x0], $0xffff  }
0x1ac: {  	v19 =	vor.u32 v15, v19;
	[tilespmem:v56+s17+$0x0] =	vst.idx.msk $0xffff, v27;
	v22 =	vld.idx.msk [tilespmem:v22+s13+$0x0], $0xffff  }
0x1ad: {  	s29 =	sadd.s32 s29, s5;
	[tilespmem:v28+s17+$0x0] =	vst.idx.msk $0xffff, v31;
	v17 =	vor.u32 v15, v17;
	v16 =	vld.idx.msk [tilespmem:v16+s13+$0x0], $0xffff  }
0x1ae: {  	s0 =	sadd.s32 $0x2, s29;
	[tilespmem:v26+s17+$0x0] =	vst.idx.msk $0xffff, v20  }
0x1af: {  	s1 =	sshll.u32 s0, $0x7;
	[tilespmem:v24+s17+$0x0] =	vst.idx.msk $0xffff, v23  }
0x1b0: {  	s0 =	sshll.u32 s0, $0xA;
	s1 =	sand.u32 $0xF00, s1;
	[tilespmem:v21+s17+$0x0] =	vst.idx.msk $0xffff, v18  }
0x1b1: {  	s0 =	sand.u32 $0xFFF8000, s0;
	s1 =	sadd.s32 s2, s1;
	[tilespmem:v19+s17+$0x0] =	vst.idx.msk $0xffff, v22  }
0x1b2: {  	s0 =	sadd.s32 s0, s1;
	[tilespmem:v17+s17+$0x0] =	vst.idx.msk $0xffff, v16  }
0x1b3: {  	[hbm4b:s0+s18] =	stream.strided.scatter [tilespmem:s17], [sflag:$0x5], $0x2000, s19, s18, $0x38;
	[tilespmem:$0x12400] =	vst v63  }
0x1b4: {  	s12 =	simm.s32 @!p0 $0xA400;
	s1 =	simm.s32 @!p0 $0x80;
	s0 =	sadd.s32 @!p0 $0x300, s30  }
0x1b5: {  	[tilespmem:s12], [sflag:$0x3] =	stream.indirect.gather @!p0 [hbm4b:s4+s1], $0x40, s0, s1, $0xb8;
	[tilespmem:$0x12400] =	vst v63  }
0x1b6: {  	s12 =	simm.s32 $0x0  }
0x1b7: {  	v16 =	vadd.s32 s12, v0  }
0x1b8: {  	s14 =	simm.s32 $0x3;
	_ =	swait.ge [sflag:s24], $0x2000;
	v31 =	vand.u32 $0x3F, v16  }
0x1b9: {  	v17 =	vadd.s32 s14, v0;
	s30 =	simm.s32 $0x2;
	[sflag:s24] =	ssyncset.done $0x0;
	v18 =	vor.u32 v1, v31  }
0x1ba: {  	s31 =	simm.s32 $0x1;
	v33 =	vand.u32 $0x3F, v17;
	v19 =	vadd.s32 s30, v0;
	[sflag:s24] =	ssyncadd.s32 $0xFFFFE000  }
0x1bb: {  	v22 =	vadd.s32 s31, v0;
	v21 =	vor.u32 v1, v33;
	v36 =	vand.u32 $0x3F, v19;
	_ =	swait.ge [sflag:s25], $0x2000  }
0x1bc: {  	v32 =	vand.u32 $0x3F, v22;
	v23 =	vor.u32 v1, v36;
	v16 =	vshll.u32 v16, $0x7;
	[sflag:s25] =	ssyncset.done $0x0  }
0x1bd: {  	v17 =	vshll.u32 v17, $0x7;
	v24 =	vor.u32 v1, v32;
	v20 =	vand.u32 $0x1F80, v16;
	[sflag:s25] =	ssyncadd.s32 $0xFFFFE000  }
0x1be: {  	v37 =	vand.u32 $0x1F80, v17;
	v16 =	vor.u32 v0, v20;
	v17 =	vld.idx.msk [tilespmem:v18+s15+$0x0], $0xffff  }
0x1bf: {  	v25 =	vor.u32 v2, v31;
	v18 =	vshll.u32 v19, $0x7  }
0x1c0: {  	v22 =	vshll.u32 v22, $0x7;
	v21 =	vld.idx.msk [tilespmem:v21+s15+$0x0], $0xffff;
	v19 =	vor.u32 v0, v37;
	v35 =	vand.u32 $0x1F80, v18  }
0x1c1: {  	v34 =	vand.u32 $0x1F80, v22;
	v23 =	vld.idx.msk [tilespmem:v23+s15+$0x0], $0xffff;
	v18 =	vor.u32 v2, v33;
	v22 =	vor.u32 v0, v35  }
0x1c2: {  	v27 =	vor.u32 v0, v34;
	v26 =	vor.u32 v2, v36;
	v24 =	vld.idx.msk [tilespmem:v24+s15+$0x0], $0xffff  }
0x1c3: {  	v28 =	vor.u32 v2, v32;
	[tilespmem:v16+s21+$0x0] =	vst.idx.msk $0xffff, v17  }
0x1c4: {  	v17 =	vor.u32 v3, v20;
	v16 =	vld.idx.msk [tilespmem:v25+s15+$0x0], $0xffff  }
0x1c5: {  	[tilespmem:v19+s21+$0x0] =	vst.idx.msk $0xffff, v21  }
0x1c6: {  	v19 =	vor.u32 v4, v31;
	v21 =	vor.u32 v3, v37;
	v18 =	vld.idx.msk [tilespmem:v18+s15+$0x0], $0xffff;
	[tilespmem:v22+s21+$0x0] =	vst.idx.msk $0xffff, v23  }
0x1c7: {  	[tilespmem:v27+s21+$0x0] =	vst.idx.msk $0xffff, v24;
	v24 =	vor.u32 v3, v35;
	v22 =	vor.u32 v4, v33;
	v23 =	vld.idx.msk [tilespmem:v26+s15+$0x0], $0xffff  }
0x1c8: {  	v25 =	vld.idx.msk [tilespmem:v28+s15+$0x0], $0xffff;
	v28 =	vor.u32 v4, v36;
	v26 =	vor.u32 v3, v34  }
0x1c9: {  	[tilespmem:v17+s21+$0x0] =	vst.idx.msk $0xffff, v16;
	v16 =	vor.u32 v4, v32;
	_ =	sdelay $0x1  }
0x1ca: {  	v29 =	vor.u32 v6, v33;
	[tilespmem:v21+s21+$0x0] =	vst.idx.msk $0xffff, v18;
	v18 =	vor.u32 v5, v20;
	v17 =	vld.idx.msk [tilespmem:v19+s15+$0x0], $0xffff  }
0x1cb: {  	v21 =	vor.u32 v6, v31;
	v19 =	vld.idx.msk [tilespmem:v22+s15+$0x0], $0xffff;
	v22 =	vor.u32 v5, v37;
	[tilespmem:v24+s21+$0x0] =	vst.idx.msk $0xffff, v23  }
0x1cc: {  	v41 =	vor.u32 v8, v32;
	[tilespmem:v26+s21+$0x0] =	vst.idx.msk $0xffff, v25;
	v24 =	vor.u32 v5, v35;
	v23 =	vld.idx.msk [tilespmem:v28+s15+$0x0], $0xffff  }
0x1cd: {  	v61 =	vor.u32 v10, v33;
	v25 =	vor.u32 v5, v34;
	v26 =	vor.u32 v6, v36;
	v16 =	vld.idx.msk [tilespmem:v16+s15+$0x0], $0xffff  }
0x1ce: {  	s14 =	simm.s32 $0x4;
	v40 =	vor.u32 v9, v34;
	v30 =	vor.u32 v7, v37;
	v58 =	vor.u32 v7, v34  }
0x1cf: {  	v62 =	vadd.s32 s14, v0;
	v39 =	vor.u32 v10, v36;
	[tilespmem:v18+s21+$0x0] =	vst.idx.msk $0xffff, v17;
	v17 =	vor.u32 v6, v32  }
0x1d0: {  	s30 =	simm.s32 $0x6;
	s12 =	simm.s32 $0x5;
	v57 =	vor.u32 v8, v36;
	[tilespmem:v22+s21+$0x0] =	vst.idx.msk $0xffff, v19;
	v19 =	vor.u32 v7, v20;
	v18 =	vld.idx.msk [tilespmem:v21+s15+$0x0], $0xffff  }
0x1d1: {  	v55 =	vadd.s32 s30, v0;
	v59 =	vadd.s32 s12, v0;
	v21 =	vld.idx.msk [tilespmem:v29+s15+$0x0], $0xffff;
	v29 =	vor.u32 v8, v31;
	[tilespmem:v24+s21+$0x0] =	vst.idx.msk $0xffff, v23  }
0x1d2: {  	v23 =	vor.u32 v8, v33;
	v24 =	vld.idx.msk [tilespmem:v26+s15+$0x0], $0xffff;
	[tilespmem:v25+s21+$0x0] =	vst.idx.msk $0xffff, v16;
	v25 =	vor.u32 v7, v35  }
0x1d3: {  	v38 =	vor.u32 v10, v31;
	v54 =	vor.u32 v9, v20;
	v16 =	vand.u32 $0x3F, v62  }
0x1d4: {  	v27 =	vor.u32 v15, v37;
	v28 =	vor.u32 v10, v32;
	v17 =	vld.idx.msk [tilespmem:v17+s15+$0x0], $0xffff;
	v60 =	vor.u32 v1, v16  }
0x1d5: {  	s31 =	simm.s32 $0x7;
	v22 =	vand.u32 $0x3F, v59;
	v26 =	vor.u32 v9, v37;
	v52 =	vor.u32 v2, v16;
	[tilespmem:v19+s21+$0x0] =	vst.idx.msk $0xffff, v18  }
0x1d6: {  	[tilespmem:v30+s21+$0x0] =	vst.idx.msk $0xffff, v21;
	v21 =	vor.u32 v1, v22;
	v19 =	vadd.s32 s31, v0;
	v18 =	vand.u32 $0x3F, v55;
	v29 =	vld.idx.msk [tilespmem:v29+s15+$0x0], $0xffff  }
0x1d7: {  	v56 =	vld.idx.msk [tilespmem:v23+s15+$0x0], $0xffff;
	v51 =	vor.u32 v1, v18;
	v23 =	vand.u32 $0x3F, v19;
	[tilespmem:v25+s21+$0x0] =	vst.idx.msk $0xffff, v24  }
0x1d8: {  	v53 =	vor.u32 v2, v18;
	v63 =	vor.u32 v1, v23;
	v30 =	vor.u32 v6, v23;
	v42 =	vld.idx.msk [tilespmem:v57+s15+$0x0], $0xffff  }
0x1d9: {  	[tilespmem:v58+s21+$0x0] =	vst.idx.msk $0xffff, v17;
	v17 =	vshll.u32 v62, $0x7;
	v57 =	vor.u32 v9, v35;
	v62 =	vld.idx.msk [tilespmem:v60+s15+$0x0], $0xffff  }
0x1da: {  	v24 =	vshll.u32 v19, $0x7;
	v19 =	vshll.u32 v59, $0x7;
	v41 =	vld.idx.msk [tilespmem:v41+s15+$0x0], $0xffff;
	v17 =	vand.u32 $0x1F80, v17  }
0x1db: {  	v19 =	vand.u32 $0x1F80, v19;
	v58 =	vshll.u32 v55, $0x7;
	v47 =	vld.idx.msk [tilespmem:v21+s15+$0x0], $0xffff;
	[tilespmem:v54+s21+$0x0] =	vst.idx.msk $0xffff, v29;
	v59 =	vor.u32 v0, v17  }
0x1dc: {  	v25 =	vand.u32 $0x1F80, v24;
	v21 =	vand.u32 $0x1F80, v58;
	[tilespmem:v26+s21+$0x0] =	vst.idx.msk $0xffff, v56;
	v54 =	vor.u32 v0, v19;
	v51 =	vld.idx.msk [tilespmem:v51+s15+$0x0], $0xffff  }
0x1dd: {  	v55 =	vor.u32 v2, v22;
	v60 =	vor.u32 v11, v37;
	v48 =	vor.u32 v0, v21;
	v50 =	vld.idx.msk [tilespmem:v61+s15+$0x0], $0xffff  }
0x1de: {  	v49 =	vor.u32 v0, v25;
	v24 =	vor.u32 v15, v25;
	v44 =	vld.idx.msk [tilespmem:v63+s15+$0x0], $0xffff;
	[tilespmem:v57+s21+$0x0] =	vst.idx.msk $0xffff, v42  }
0x1df: {  	v58 =	vor.u32 v4, v23;
	v29 =	vor.u32 v14, v31;
	v45 =	vld.idx.msk [tilespmem:v38+s15+$0x0], $0xffff;
	[tilespmem:v40+s21+$0x0] =	vst.idx.msk $0xffff, v41  }
0x1e0: {  	v26 =	vor.u32 v15, v20;
	v63 =	vor.u32 v2, v23;
	v39 =	vld.idx.msk [tilespmem:v39+s15+$0x0], $0xffff;
	[tilespmem:v59+s21+$0x0] =	vst.idx.msk $0xffff, v62  }
0x1e1: {  	v61 =	vor.u32 v12, v33;
	v41 =	vld.idx.msk [tilespmem:v28+s15+$0x0], $0xffff;
	v62 =	vor.u32 v11, v34;
	[tilespmem:v54+s21+$0x0] =	vst.idx.msk $0xffff, v47  }
0x1e2: {  	v56 =	vor.u32 v12, v32;
	v47 =	vor.u32 v11, v20;
	[tilespmem:v48+s21+$0x0] =	vst.idx.msk $0xffff, v51;
	v52 =	vld.idx.msk [tilespmem:v52+s15+$0x0], $0xffff  }
0x1e3: {  	v54 =	vor.u32 v11, v35;
	v38 =	vld.idx.msk [tilespmem:v55+s15+$0x0], $0xffff;
	[tilespmem:v49+s21+$0x0] =	vst.idx.msk $0xffff, v44;
	v44 =	vor.u32 v12, v31  }
0x1e4: {  	v32 =	vor.u32 v14, v32;
	v49 =	vor.u32 v12, v36;
	v55 =	vor.u32 v3, v17;
	v53 =	vld.idx.msk [tilespmem:v53+s15+$0x0], $0xffff  }
0x1e5: {  	v40 =	vor.u32 v4, v16;
	[tilespmem:v60+s21+$0x0] =	vst.idx.msk $0xffff, v50;
	v50 =	vor.u32 v3, v25;
	v57 =	vld.idx.msk [tilespmem:v63+s15+$0x0], $0xffff  }
0x1e6: {  	v59 =	vor.u32 v13, v37;
	v31 =	vor.u32 v14, v36;
	v51 =	vld.idx.msk [tilespmem:v61+s15+$0x0], $0xffff;
	[tilespmem:v62+s21+$0x0] =	vst.idx.msk $0xffff, v41  }
0x1e7: {  	v60 =	vor.u32 v3, v21;
	v63 =	vor.u32 v14, v33;
	[tilespmem:v47+s21+$0x0] =	vst.idx.msk $0xffff, v45;
	v36 =	vld.idx.msk [tilespmem:v56+s15+$0x0], $0xffff  }
0x1e8: {  	v47 =	vor.u32 v3, v19;
	v45 =	vor.u32 v4, v18;
	[tilespmem:v54+s21+$0x0] =	vst.idx.msk $0xffff, v39;
	v33 =	vld.idx.msk [tilespmem:v44+s15+$0x0], $0xffff  }
0x1e9: {  	v48 =	vor.u32 v4, v22;
	v41 =	vor.u32 v13, v34;
	[tilespmem:v55+s21+$0x0] =	vst.idx.msk $0xffff, v52;
	v37 =	vld.idx.msk [tilespmem:v49+s15+$0x0], $0xffff  }
0x1ea: {  	v43 =	vor.u32 v5, v17;
	v42 =	vld.idx.msk [tilespmem:v40+s15+$0x0], $0xffff;
	[tilespmem:v50+s21+$0x0] =	vst.idx.msk $0xffff, v57;
	v40 =	vor.u32 v13, v35  }
0x1eb: {  	v28 =	vor.u32 v15, v35;
	v34 =	vor.u32 v15, v34;
	[tilespmem:v59+s21+$0x0] =	vst.idx.msk $0xffff, v51;
	v46 =	vld.idx.msk [tilespmem:v58+s15+$0x0], $0xffff  }
0x1ec: {  	s0 =	simm.s32 $0x8;
	v44 =	vor.u32 v6, v16;
	[tilespmem:v60+s21+$0x0] =	vst.idx.msk $0xffff, v53;
	v49 =	vor.u32 v5, v25;
	v39 =	vld.idx.msk [tilespmem:v63+s15+$0x0], $0xffff  }
.LBB2_11:
0x1ed: {  	p1 =	slt.u32 s0, $0x3C;
	v35 =	vor.u32 v10, v16;
	[tilespmem:v47+s21+$0x0] =	vst.idx.msk $0xffff, v38;
	v38 =	vld.idx.msk [tilespmem:v45+s15+$0x0], $0xffff;
	v20 =	vor.u32 v13, v20;
	s1 =	smov.u32 s0;
	s0 =	sadd.s32 $0x4, s0  }
0x1ee: {  	v47 =	vor.u32 v10, v22;
	v45 =	vld.idx.msk [tilespmem:v48+s15+$0x0], $0xffff;
	v48 =	vor.u32 v5, v21;
	[tilespmem:v41+s21+$0x0] =	vst.idx.msk $0xffff, v36  }
0x1ef: {  	v36 =	vor.u32 v5, v19;
	v41 =	vor.u32 v6, v18;
	v50 =	vld.idx.msk [tilespmem:v32+s15+$0x0], $0xffff;
	[tilespmem:v40+s21+$0x0] =	vst.idx.msk $0xffff, v37  }
0x1f0: {  	v37 =	vor.u32 v6, v22;
	v40 =	vor.u32 v10, v18;
	[tilespmem:v43+s21+$0x0] =	vst.idx.msk $0xffff, v42;
	v31 =	vld.idx.msk [tilespmem:v31+s15+$0x0], $0xffff  }
0x1f1: {  	v43 =	vor.u32 v9, v19;
	v42 =	vld.idx.msk [tilespmem:v44+s15+$0x0], $0xffff;
	[tilespmem:v49+s21+$0x0] =	vst.idx.msk $0xffff, v46;
	v44 =	vor.u32 v10, v23  }
0x1f2: {  	v46 =	vor.u32 v7, v17;
	v49 =	vor.u32 v8, v22;
	v30 =	vld.idx.msk [tilespmem:v30+s15+$0x0], $0xffff;
	[tilespmem:v27+s21+$0x0] =	vst.idx.msk $0xffff, v39  }
0x1f3: {  	v32 =	vmov v22;
	v27 =	vor.u32 v8, v16;
	[tilespmem:v48+s21+$0x0] =	vst.idx.msk $0xffff, v38;
	v38 =	vor.u32 v7, v25  }
0x1f4: {  	v39 =	vor.u32 v8, v23;
	[tilespmem:v36+s21+$0x0] =	vst.idx.msk $0xffff, v45;
	v36 =	vld.idx.msk [tilespmem:v41+s15+$0x0], $0xffff;
	v41 =	vor.u32 v9, v25  }
0x1f5: {  	v48 =	vor.u32 v8, v18;
	v45 =	vor.u32 v7, v21;
	v37 =	vld.idx.msk [tilespmem:v37+s15+$0x0], $0xffff;
	[tilespmem:v34+s21+$0x0] =	vst.idx.msk $0xffff, v50  }
0x1f6: {  	v51 =	vor.u32 v7, v19;
	s12 =	sadd.s32 $0x1, s1;
	s14 =	sadd.s32 $0x2, s1;
	v34 =	vadd.s32 s1, v0;
	s1 =	sadd.s32 $0x3, s1;
	v50 =	vor.u32 v9, v17;
	[tilespmem:v20+s21+$0x0] =	vst.idx.msk $0xffff, v33  }
0x1f7: {  	v20 =	vadd.s32 s12, v0;
	v33 =	vadd.s32 s14, v0;
	v52 =	vadd.s32 s1, v0;
	[tilespmem:v46+s21+$0x0] =	vst.idx.msk $0xffff, v42;
	v42 =	vmovc v18;
	v46 =	vmovc v16  }
0x1f8: {  	v55 =	vmovc v23;
	v22 =	vand.u32 $0x3F, v20;
	v18 =	vand.u32 $0x3F, v33;
	v53 =	vshll.u32 v52, $0x7;
	v54 =	vld.idx.msk [tilespmem:v27+s15+$0x0], $0xffff;
	[tilespmem:v38+s21+$0x0] =	vst.idx.msk $0xffff, v30  }
0x1f9: {  	v57 =	vmovc v19;
	v16 =	vand.u32 $0x3F, v34;
	v38 =	vor.u32 v1, v22;
	v56 =	vor.u32 v1, v18;
	v39 =	vld.idx.msk [tilespmem:v39+s15+$0x0], $0xffff  }
0x1fa: {  	v19 =	vshll.u32 v20, $0x7;
	v23 =	vand.u32 $0x3F, v52;
	v58 =	vor.u32 v1, v16;
	[tilespmem:v45+s21+$0x0] =	vst.idx.msk $0xffff, v36;
	v29 =	vld.idx.msk [tilespmem:v29+s15+$0x0], $0xffff  }
0x1fb: {  	v19 =	vand.u32 $0x1F80, v19;
	v36 =	vor.u32 v1, v23;
	[tilespmem:v51+s21+$0x0] =	vst.idx.msk $0xffff, v37;
	v37 =	vmovc v25;
	v25 =	vand.u32 $0x1F80, v53  }
0x1fc: {  	v30 =	vor.u32 v6, v23;
	v20 =	vmov v17;
	v45 =	vshll.u32 v34, $0x7;
	v34 =	vld.idx.msk [tilespmem:v48+s15+$0x0], $0xffff;
	[tilespmem:v28+s21+$0x0] =	vst.idx.msk $0xffff, v31  }
0x1fd: {  	v27 =	vmovc v24;
	v17 =	vand.u32 $0x1F80, v45;
	v28 =	vshll.u32 v33, $0x7;
	v33 =	vor.u32 v9, v21;
	v31 =	vld.idx.msk [tilespmem:v49+s15+$0x0], $0xffff;
	v49 =	vmovc v21  }
0x1fe: {  	v45 =	vor.u32 v0, v17;
	v21 =	vand.u32 $0x1F80, v28;
	v38 =	vld.idx.msk [tilespmem:v38+s15+$0x0], $0xffff;
	[tilespmem:v50+s21+$0x0] =	vst.idx.msk $0xffff, v54  }
0x1ff: {  	v51 =	vor.u32 v0, v25;
	v50 =	vor.u32 v0, v21;
	v48 =	vld.idx.msk [tilespmem:v58+s15+$0x0], $0xffff;
	[tilespmem:v41+s21+$0x0] =	vst.idx.msk $0xffff, v39  }
0x200: {  	v39 =	vor.u32 v2, v16;
	v41 =	vor.u32 v2, v18;
	v44 =	vld.idx.msk [tilespmem:v44+s15+$0x0], $0xffff;
	[tilespmem:v26+s21+$0x0] =	vst.idx.msk $0xffff, v29  }
0x201: {  	v52 =	vor.u32 v0, v19;
	v24 =	vor.u32 v15, v25;
	v36 =	vld.idx.msk [tilespmem:v36+s15+$0x0], $0xffff  }
0x202: {  	v53 =	vor.u32 v2, v22;
	v29 =	vor.u32 v14, v46;
	v54 =	vld.idx.msk [tilespmem:v56+s15+$0x0], $0xffff;
	[tilespmem:v33+s21+$0x0] =	vst.idx.msk $0xffff, v34  }
0x203: {  	v33 =	vor.u32 v2, v23;
	[tilespmem:v43+s21+$0x0] =	vst.idx.msk $0xffff, v31;
	v34 =	vld.idx.msk [tilespmem:v40+s15+$0x0], $0xffff;
	v40 =	vor.u32 v11, v37  }
0x204: {  	v28 =	vor.u32 v15, v49;
	v26 =	vor.u32 v15, v20;
	v43 =	vld.idx.msk [tilespmem:v47+s15+$0x0], $0xffff;
	v47 =	vor.u32 v12, v55  }
0x205: {  	[tilespmem:v45+s21+$0x0] =	vst.idx.msk $0xffff, v48;
	v35 =	vld.idx.msk [tilespmem:v35+s15+$0x0], $0xffff;
	v45 =	vor.u32 v11, v57;
	v48 =	vor.u32 v12, v32  }
0x206: {  	v56 =	vor.u32 v11, v49;
	v39 =	vld.idx.msk [tilespmem:v39+s15+$0x0], $0xffff;
	[tilespmem:v52+s21+$0x0] =	vst.idx.msk $0xffff, v38;
	v52 =	vor.u32 v11, v20  }
0x207: {  	v46 =	vor.u32 v12, v46;
	v38 =	vld.idx.msk [tilespmem:v53+s15+$0x0], $0xffff;
	[tilespmem:v51+s21+$0x0] =	vst.idx.msk $0xffff, v36;
	v51 =	vor.u32 v12, v42  }
0x208: {  	v31 =	vor.u32 v14, v42;
	v53 =	vor.u32 v3, v17;
	v58 =	vld.idx.msk [tilespmem:v33+s15+$0x0], $0xffff;
	[tilespmem:v40+s21+$0x0] =	vst.idx.msk $0xffff, v44  }
0x209: {  	v40 =	vor.u32 v4, v16;
	v44 =	vor.u32 v3, v25;
	[tilespmem:v50+s21+$0x0] =	vst.idx.msk $0xffff, v54;
	v50 =	vld.idx.msk [tilespmem:v47+s15+$0x0], $0xffff  }
0x20a: {  	v59 =	vor.u32 v4, v23;
	v60 =	vor.u32 v13, v37;
	v54 =	vld.idx.msk [tilespmem:v41+s15+$0x0], $0xffff;
	[tilespmem:v45+s21+$0x0] =	vst.idx.msk $0xffff, v43  }
0x20b: {  	v61 =	vor.u32 v3, v21;
	[tilespmem:v52+s21+$0x0] =	vst.idx.msk $0xffff, v35;
	v36 =	vld.idx.msk [tilespmem:v48+s15+$0x0], $0xffff;
	v35 =	vor.u32 v14, v55  }
.Ltmp6:
0x20c: {  	v47 =	vor.u32 v3, v19;
	v45 =	vor.u32 v4, v18;
	v33 =	vld.idx.msk [tilespmem:v46+s15+$0x0], $0xffff;
	[tilespmem:v56+s21+$0x0] =	vst.idx.msk $0xffff, v34;
	(pc) =	sbr.rel @p1 .LBB2_11-.Ltmp6, $4  }
0x20d: {  	v41 =	vor.u32 v13, v57;
	v48 =	vor.u32 v4, v22;
	[tilespmem:v53+s21+$0x0] =	vst.idx.msk $0xffff, v39;
	v37 =	vld.idx.msk [tilespmem:v51+s15+$0x0], $0xffff  }
0x20e: {  	v32 =	vor.u32 v14, v32;
	v42 =	vld.idx.msk [tilespmem:v40+s15+$0x0], $0xffff;
	[tilespmem:v44+s21+$0x0] =	vst.idx.msk $0xffff, v58;
	v40 =	vor.u32 v13, v49  }
0x20f: {  	v43 =	vor.u32 v5, v17;
	v34 =	vor.u32 v15, v57;
	v46 =	vld.idx.msk [tilespmem:v59+s15+$0x0], $0xffff;
	[tilespmem:v60+s21+$0x0] =	vst.idx.msk $0xffff, v50  }
0x210: {  	v44 =	vor.u32 v6, v16;
	v49 =	vor.u32 v5, v25;
	[tilespmem:v61+s21+$0x0] =	vst.idx.msk $0xffff, v54;
	v39 =	vld.idx.msk [tilespmem:v35+s15+$0x0], $0xffff  }
0x211: {  	_ =	sdelay $0x3  }
0x212: {  	[tilespmem:v47+s21+$0x0] =	vst.idx.msk $0xffff, v38;
	v45 =	vld.idx.msk [tilespmem:v45+s15+$0x0], $0xffff;
	v63 =	vor.u32 v5, v21  }
0x213: {  	v62 =	vor.u32 v5, v19;
	v50 =	vor.u32 v6, v18;
	v35 =	vld.idx.msk [tilespmem:v48+s15+$0x0], $0xffff  }
0x214: {  	v52 =	vor.u32 v6, v22  }
0x215: {  	[tilespmem:v49+s21+$0x0] =	vst.idx.msk $0xffff, v46  }
0x216: {  	v53 =	vor.u32 v7, v25;
	[tilespmem:v43+s21+$0x0] =	vst.idx.msk $0xffff, v42;
	v30 =	vld.idx.msk [tilespmem:v30+s15+$0x0], $0xffff  }
0x217: {  	v54 =	vor.u32 v8, v23;
	v59 =	vor.u32 v7, v17;
	v44 =	vld.idx.msk [tilespmem:v44+s15+$0x0], $0xffff;
	[tilespmem:v63+s21+$0x0] =	vst.idx.msk $0xffff, v45  }
0x218: {  	v58 =	vor.u32 v7, v21;
	v61 =	vor.u32 v8, v16;
	[tilespmem:v62+s21+$0x0] =	vst.idx.msk $0xffff, v35;
	v57 =	vld.idx.msk [tilespmem:v50+s15+$0x0], $0xffff  }
0x219: {  	v55 =	vor.u32 v7, v19;
	v60 =	vor.u32 v8, v18;
	v38 =	vld.idx.msk [tilespmem:v52+s15+$0x0], $0xffff  }
0x21a: {  	v56 =	vor.u32 v8, v22  }
0x21b: {  	[tilespmem:v53+s21+$0x0] =	vst.idx.msk $0xffff, v30  }
0x21c: {  	v62 =	vor.u32 v9, v25;
	[tilespmem:v59+s21+$0x0] =	vst.idx.msk $0xffff, v44;
	v35 =	vld.idx.msk [tilespmem:v54+s15+$0x0], $0xffff  }
0x21d: {  	v52 =	vor.u32 v10, v23;
	[tilespmem:v58+s21+$0x0] =	vst.idx.msk $0xffff, v57;
	v57 =	vor.u32 v9, v17;
	v58 =	vld.idx.msk [tilespmem:v61+s15+$0x0], $0xffff  }
0x21e: {  	v59 =	vor.u32 v10, v16;
	[tilespmem:v55+s21+$0x0] =	vst.idx.msk $0xffff, v38;
	v54 =	vld.idx.msk [tilespmem:v60+s15+$0x0], $0xffff;
	v55 =	vor.u32 v9, v21  }
0x21f: {  	v63 =	vor.u32 v9, v19;
	v42 =	vld.idx.msk [tilespmem:v56+s15+$0x0], $0xffff;
	v56 =	vor.u32 v10, v18  }
0x220: {  	[tilespmem:v41+s21+$0x0] =	vst.idx.msk $0xffff, v36;
	v53 =	vor.u32 v10, v22  }
0x221: {  	[tilespmem:v62+s21+$0x0] =	vst.idx.msk $0xffff, v35  }
0x222: {  	v60 =	vor.u32 v11, v25;
	v30 =	vld.idx.msk [tilespmem:v52+s15+$0x0], $0xffff;
	[tilespmem:v57+s21+$0x0] =	vst.idx.msk $0xffff, v58  }
0x223: {  	v50 =	vor.u32 v11, v17;
	v61 =	vor.u32 v12, v23;
	[tilespmem:v55+s21+$0x0] =	vst.idx.msk $0xffff, v54;
	v36 =	vld.idx.msk [tilespmem:v59+s15+$0x0], $0xffff  }
0x224: {  	v49 =	vor.u32 v11, v21;
	v52 =	vor.u32 v12, v16;
	[tilespmem:v63+s21+$0x0] =	vst.idx.msk $0xffff, v42;
	v63 =	vld.idx.msk [tilespmem:v56+s15+$0x0], $0xffff  }
0x225: {  	v51 =	vor.u32 v12, v18;
	[tilespmem:v40+s21+$0x0] =	vst.idx.msk $0xffff, v37;
	v62 =	vor.u32 v11, v19;
	v38 =	vld.idx.msk [tilespmem:v53+s15+$0x0], $0xffff  }
0x226: {  	v20 =	vor.u32 v13, v20;
	v48 =	vor.u32 v12, v22;
	[tilespmem:v27+s21+$0x0] =	vst.idx.msk $0xffff, v39  }
0x227: {  	v32 =	vld.idx.msk [tilespmem:v32+s15+$0x0], $0xffff;
	[tilespmem:v60+s21+$0x0] =	vst.idx.msk $0xffff, v30  }
0x228: {  	v53 =	vor.u32 v13, v25;
	v30 =	vld.idx.msk [tilespmem:v61+s15+$0x0], $0xffff;
	[tilespmem:v50+s21+$0x0] =	vst.idx.msk $0xffff, v36  }
0x229: {  	v55 =	vor.u32 v14, v23;
	v61 =	vor.u32 v13, v17;
	[tilespmem:v49+s21+$0x0] =	vst.idx.msk $0xffff, v63;
	v27 =	vld.idx.msk [tilespmem:v52+s15+$0x0], $0xffff  }
0x22a: {  	v16 =	vor.u32 v14, v16;
	v59 =	vor.u32 v13, v21;
	[tilespmem:v62+s21+$0x0] =	vst.idx.msk $0xffff, v38;
	v57 =	vld.idx.msk [tilespmem:v51+s15+$0x0], $0xffff  }
0x22b: {  	[tilespmem:v20+s21+$0x0] =	vst.idx.msk $0xffff, v33;
	v56 =	vor.u32 v13, v19;
	v60 =	vor.u32 v14, v18;
	v54 =	vld.idx.msk [tilespmem:v48+s15+$0x0], $0xffff  }
0x22c: {  	v31 =	vld.idx.msk [tilespmem:v31+s15+$0x0], $0xffff;
	[tilespmem:v34+s21+$0x0] =	vst.idx.msk $0xffff, v32;
	v58 =	vor.u32 v14, v22  }
0x22d: {  	v20 =	vld.idx.msk [tilespmem:v29+s15+$0x0], $0xffff;
	[tilespmem:v53+s21+$0x0] =	vst.idx.msk $0xffff, v30  }
0x22e: {  	v23 =	vld.idx.msk [tilespmem:v55+s15+$0x0], $0xffff;
	[tilespmem:v61+s21+$0x0] =	vst.idx.msk $0xffff, v27  }
0x22f: {  	v17 =	vor.u32 v15, v17;
	[tilespmem:v59+s21+$0x0] =	vst.idx.msk $0xffff, v57;
	v16 =	vld.idx.msk [tilespmem:v16+s15+$0x0], $0xffff  }
0x230: {  	v63 =	vor.u32 v15, v21;
	[tilespmem:v56+s21+$0x0] =	vst.idx.msk $0xffff, v54;
	v18 =	vld.idx.msk [tilespmem:v60+s15+$0x0], $0xffff  }
0x231: {  	[tilespmem:v28+s21+$0x0] =	vst.idx.msk $0xffff, v31;
	v62 =	vor.u32 v15, v19;
	v22 =	vld.idx.msk [tilespmem:v58+s15+$0x0], $0xffff  }
0x232: {  	s0 =	sadd.s32 $0x3, s29;
	[tilespmem:v26+s21+$0x0] =	vst.idx.msk $0xffff, v20  }
.Ltmp7:
0x233: {  	s1 =	sshll.u32 s0, $0x7;
	[tilespmem:v24+s21+$0x0] =	vst.idx.msk $0xffff, v23;
	(pc) =	sbr.rel @p0 .LBB2_14-.Ltmp7, $4  }
0x234: {  	s0 =	sshll.u32 s0, $0xA;
	s1 =	sand.u32 $0xF80, s1;
	[tilespmem:v17+s21+$0x0] =	vst.idx.msk $0xffff, v16  }
0x235: {  	s0 =	sand.u32 $0xFFF8000, s0;
	s1 =	sadd.s32 s2, s1;
	[tilespmem:v63+s21+$0x0] =	vst.idx.msk $0xffff, v18  }
0x236: {  	s0 =	sadd.s32 s0, s1;
	[tilespmem:v62+s21+$0x0] =	vst.idx.msk $0xffff, v22  }
0x237: {  	[hbm4b:s0+s18] =	stream.strided.scatter [tilespmem:s21], [sflag:$0x6], $0x2000, s19, s18, $0x38;
	[tilespmem:$0x12400] =	vst v63  }
.Ltmp8:
0x238: {  	(pc) =	sbr.rel .LBB2_2-.Ltmp8, $4  }
0x239: {  	s0 =	sshll.u32 s28, $0x9  }
0x23a: {  	s0 =	sand.u32 $0x3FFFFE00, s0  }
0x23b: {  	s28 =	sadd.s32 $0x1, s28;
	s0 =	sadd.s32 $0x380, s0  }
0x23c: {  	[tilespmem:s15], [sflag:$0x4] =	stream.indirect.gather [hbm4b:s4+s9], $0x40, s0, s9, $0xb8;
	[tilespmem:$0x12400] =	vst v63  }
.LBB2_15:
0x23d: {  	_ =	sfence.sel $0x180000  }
0x23e: {  	[bflag:$0x0] =	sbarrier.arrive $0xFFFF  }
0x23f: {  	_ =	strace $0x90000047  }
0x240: {  	s0 =	stileid.u32;
	[bflag:$0x2] =	sbarrier.arrive $0xFFFF  }
0x241: {  	p0 =	sne.s32 s0, $0x0;
	s0 =	rddreg [dreg:$0x3]  }
0x242: {  	s0 =	sadd.s32 @!p0 $0x100000, s0  }
0x243: {  	[sflag:s0] =	ssyncadd.tile.s32 @!p0 $0x1;
	_ =	shalt  }
.Lfunc_end2:
_tile_overlayer_lowered:
.L_overlay_start_2:
0x244: {  	(tag) =	ssettag $0x2  }
0x245: {  	s0 =	rddreg [dreg:$0x0];
	s2 =	stileid.u32  }
0x246: {  	s1 =	rddreg [dreg:$0x1];
	p0 =	sne.s32 s2, $0x0  }
0x247: {  	s3 =	rddreg [dreg:$0x2];
	[bflag:$0x3] =	sbarrier.arrive $0xFFFF;
	s2 =	simm.s32 @!p0 $0x1C07  }
0x248: {  	[timem:s3], [sflag:s2] =	dma.local @!p0 [hbm:s0], s1  }
0x249: {  	s0 =	simm.s32 @!p0 $0x7  }
0x24a: {  	_ =	swait.ge @!p0 [sflag:s0], s1  }
0x24b: {  	s1 =	ssub.s32 @!p0 $0x0, s1;
	[sflag:s0] =	ssyncset.done @!p0 $0x0  }
0x24c: {  	[sflag:s0] =	ssyncadd.s32 @!p0 s1  }
0x24d: {  	[bflag:$0x3] =	sbarrier.arrive $0xFFFF  }
0x24e: {  	_ =	shalt  }

</sc_bundles>
